<compile_context>
chip_gen: v7x
topology: tpu7x:2x2x1
jax: 0.10.2.dev20260603
libtpu: 0.0.44.dev20260713+nightly
codegen_flags: <defaults>
</compile_context>

<pallas_src>
import functools

import jax
import jax.numpy as jnp
from jax import lax
from jax.experimental import pallas as pl
from jax.experimental.pallas import tpu as pltpu
from jax.experimental.pallas import tpu_sc as plsc

_END_ID = 2
_B = 64
_V = 1_000_000
_V_TOK = 2048
_LANES = 16

_NC = 2
_NS = 16
_NW = _NC * _NS

_BAND = 8
_NQ = 4
_CCOLS = 2048
_NCH = 56
_QCOLS = _CCOLS * _NCH
_SPLIT = _NQ * _QCOLS
_TAILC = 576
_TAIL0 = _V - _TAILC
_TCB = 16384
_TCN = (_TAIL0 - _SPLIT) // _TCB
_TCB0 = _SPLIT // _TCB

_VPR = _CCOLS // _LANES
_OC = 128

_NEG = float(-3.0e38)
_BIGI = 2**31 - 1


def _sc_body(logits, m_out, s_out, i_out, ts0, ts1, stagf, stags, stagi,
             shared, d0, d1, d2, d3, st0, st1):
    wid = lax.axis_index("s") * _NC + lax.axis_index("c")
    sid = lax.axis_index("s")
    band = wid // _NQ
    q = wid % _NQ
    r0 = band * _BAND
    col0 = q * _QCOLS
    tsb = (ts0, ts1)
    dsem = (d0, d1, d2, d3)
    ssem = (st0, st1)
    iota = lax.iota(jnp.int32, _LANES)

    def chunk_src(c):
        return logits.at[pl.ds(r0, _BAND), pl.ds(col0 + c * _CCOLS, _CCOLS)]

    def sp(u):
        return shared.at[sid, u]

    def dma(c, u):
        pltpu.async_copy(chunk_src(c), sp(u), dsem[u])

    def wait_dma(c, u):
        pltpu.make_async_copy(chunk_src(c), sp(u), dsem[u]).wait()

    def stream(u, b):
        pltpu.async_copy(sp(u), tsb[b], ssem[b])

    def wait_stream(u, b):
        pltpu.make_async_copy(sp(u), tsb[b], ssem[b]).wait()

    for u in range(4):
        dma(u, u)
    wait_dma(0, 0)
    stream(0, 0)
    wait_dma(1, 1)
    stream(1, 1)

    def process_chunk(c, u, b, carry):
        vm, vs, win = carry
        wait_stream(u, b)

        @pl.when(c + 4 < _NCH)
        def _():
            dma(c + 4, u)

        vm_old = vm

        def inner(j, acc):
            vm, vs = acc
            for r in range(_BAND):
                x = tsb[b][r, pl.ds(j * _LANES, _LANES)]
                vs = tuple(
                    vs[i] + jnp.exp(x) if i == r else vs[i]
                    for i in range(_BAND))
                vm = tuple(
                    jnp.maximum(vm[i], x) if i == r else vm[i]
                    for i in range(_BAND))
            return vm, vs

        vm, vs = lax.fori_loop(0, _VPR, inner, (vm, vs))

        win = tuple(
            jnp.where(vm[r] != vm_old[r], c, win[r]) for r in range(_BAND))

        @pl.when(c + 2 < _NCH)
        def _():
            wait_dma(c + 2, (u + 2) % 4)
            stream((u + 2) % 4, b)

        return vm, vs, win

    def quad(t, carry):
        for u in range(4):
            carry = process_chunk(4 * t + u, u, u % 2, carry)
        return carry

    vm0 = tuple(jnp.full((_LANES,), _NEG, jnp.float32) for _ in range(_BAND))
    vs0 = tuple(jnp.zeros((_LANES,), jnp.float32) for _ in range(_BAND))
    win0 = tuple(jnp.zeros((_LANES,), jnp.int32) for _ in range(_BAND))
    vm, vs, win = lax.fori_loop(0, _NCH // 4, quad, (vm0, vs0, win0))

    ms = [jnp.max(vm[r]) for r in range(_BAND)]
    ss = [jnp.sum(vs[r]) for r in range(_BAND)]
    rcs = [jnp.min(jnp.where(vm[r] == ms[r], win[r], _BIGI))
           for r in range(_BAND)]

    for r in range(4):
        dma(rcs[r], r)
    wait_dma(rcs[0], 0)
    stream(0, 0)
    wait_dma(rcs[1], 1)
    stream(1, 1)

    for r in range(_BAND):
        wait_stream(r % 4, r % 2)

        if r + 4 < _BAND:
            dma(rcs[r + 4], r % 4)

        base = col0 + rcs[r] * _CCOLS
        tsr = tsb[r % 2]

        def scan_eq(j, vidx, r=r, base=base, tsr=tsr):
            x = tsr[r, pl.ds(j * _LANES, _LANES)]
            pos = base + j * _LANES + iota
            return jnp.minimum(vidx, jnp.where(x == ms[r], pos, _BIGI))

        vidx = lax.fori_loop(0, _VPR, scan_eq,
                             jnp.full((_LANES,), _BIGI, jnp.int32))
        amax_r = jnp.min(vidx)

        if r + 2 < _BAND:
            wait_dma(rcs[r + 2], (r + 2) % 4)
            stream((r + 2) % 4, r % 2)

        stagf[r, pl.ds(0, _LANES)] = jnp.full((_LANES,), ms[r])
        stags[r, pl.ds(0, _LANES)] = jnp.full((_LANES,), ss[r])
        stagi[r, pl.ds(0, _LANES)] = jnp.full((_LANES,), amax_r)

    pltpu.sync_copy(stagf, m_out.at[q, pl.ds(r0, _BAND)])
    pltpu.sync_copy(stags, s_out.at[q, pl.ds(r0, _BAND)])
    pltpu.sync_copy(stagi, i_out.at[q, pl.ds(r0, _BAND)])


@functools.cache
def _sc_reduce():
    return pl.kernel(
        _sc_body,
        out_type=(
            jax.ShapeDtypeStruct((_NQ, _B, _OC), jnp.float32),
            jax.ShapeDtypeStruct((_NQ, _B, _OC), jnp.float32),
            jax.ShapeDtypeStruct((_NQ, _B, _OC), jnp.int32),
        ),
        mesh=plsc.VectorSubcoreMesh(
            core_axis_name="c", subcore_axis_name="s",
            num_cores=_NC, num_subcores=_NS),
        scratch_types=(
            pltpu.VMEM((_BAND, _CCOLS), jnp.float32),
            pltpu.VMEM((_BAND, _CCOLS), jnp.float32),
            pltpu.VMEM((_BAND, _OC), jnp.float32),
            pltpu.VMEM((_BAND, _OC), jnp.float32),
            pltpu.VMEM((_BAND, _OC), jnp.int32),
            pltpu.VMEM_SHARED((_NS, 4, _BAND, _CCOLS), jnp.float32),
            pltpu.SemaphoreType.DMA,
            pltpu.SemaphoreType.DMA,
            pltpu.SemaphoreType.DMA,
            pltpu.SemaphoreType.DMA,
            pltpu.SemaphoreType.DMA,
            pltpu.SemaphoreType.DMA,
        ),
        compiler_params=pltpu.CompilerParams(needs_layout_passes=False),
    )


_TCF = 128
_TCU = _TCB // _TCF


def _tc_reduce_body(x_ref, tail_ref, m_ref, i_ref, s_ref,
                    vm_ref, vs_ref, wc_ref):
    i = pl.program_id(0)

    @pl.when(i == 0)
    def _():
        vm_ref[...] = jnp.full((_B, _TCF), _NEG, jnp.float32)
        vs_ref[...] = jnp.zeros((_B, _TCF), jnp.float32)
        wc_ref[...] = jnp.zeros((_B, _TCF), jnp.int32)

    def fold(u, acc):
        vm, vs, wc = acc
        x = x_ref[:, pl.ds(u * _TCF, _TCF)]
        vm_old = vm
        vm = jnp.maximum(vm, x)
        vs = vs + jnp.exp(x)
        wc = jnp.where(vm != vm_old, i * _TCU + u, wc)
        return vm, vs, wc

    vm, vs, wc = lax.fori_loop(
        0, _TCU, fold, (vm_ref[...], vs_ref[...], wc_ref[...]))
    vm_ref[...] = vm
    vs_ref[...] = vs
    wc_ref[...] = wc

    @pl.when(i == _TCN - 1)
    def _():
        m = jnp.max(vm, axis=1, keepdims=True)
        cc = jax.lax.broadcasted_iota(jnp.int32, (_B, _TCF), 1)
        key = jnp.min(
            jnp.where(vm == m, wc * _TCF + cc, _BIGI),
            axis=1, keepdims=True)
        idx = _SPLIT + key
        s = jnp.sum(vs, axis=1, keepdims=True)

        t = tail_ref[...]
        tm = jnp.max(t, axis=1, keepdims=True)
        ti = jax.lax.broadcasted_iota(jnp.int32, (_B, _TAILC), 1)
        tidx = jnp.min(jnp.where(t == tm, ti + _TAIL0, _BIGI), axis=1,
                       keepdims=True)
        upd = tm > m
        idx = jnp.where(upd, tidx, idx)
        m = jnp.where(upd, tm, m)
        s = s + jnp.sum(jnp.exp(t), axis=1, keepdims=True)

        m_ref[...] = m
        i_ref[...] = idx
        s_ref[...] = s


@functools.cache
def _tc_reduce():
    return pl.pallas_call(
        _tc_reduce_body,
        grid=(_TCN,),
        in_specs=[
            pl.BlockSpec((_B, _TCB), lambda i: (0, _TCB0 + i)),
            pl.BlockSpec((_B, _TAILC), lambda i: (0, 0)),
        ],
        out_specs=[
            pl.BlockSpec((_B, 1), lambda i: (0, 0)),
            pl.BlockSpec((_B, 1), lambda i: (0, 0)),
            pl.BlockSpec((_B, 1), lambda i: (0, 0)),
        ],
        out_shape=(
            jax.ShapeDtypeStruct((_B, 1), jnp.float32),
            jax.ShapeDtypeStruct((_B, 1), jnp.int32),
            jax.ShapeDtypeStruct((_B, 1), jnp.float32),
        ),
        scratch_shapes=[
            pltpu.VMEM((_B, _TCF), jnp.float32),
            pltpu.VMEM((_B, _TCF), jnp.float32),
            pltpu.VMEM((_B, _TCF), jnp.int32),
        ],
    )


def _ep_body(m_ref, s_ref, i_ref, tm_ref, ti_ref, ts_ref, tok_ref, comp_ref,
             slp_ref, tokout_ref, compout_ref, slpout_ref):
    m = m_ref[0, :, 0:1]
    idx = i_ref[0, :, 0:1]
    s = s_ref[0, :, 0:1]
    for qq in range(1, _NQ):
        mq = m_ref[qq, :, 0:1]
        upd = mq > m
        idx = jnp.where(upd, i_ref[qq, :, 0:1], idx)
        m = jnp.where(upd, mq, m)
        s = s + s_ref[qq, :, 0:1]

    tm = tm_ref[...]
    upd = tm > m
    idx = jnp.where(upd, ti_ref[...], idx)
    m = jnp.where(upd, tm, m)
    s = s + ts_ref[...]

    comp = comp_ref[...] != 0
    max_logp = m - jnp.log(s)
    slpout_ref[...] = slp_ref[...] + jnp.where(comp, 0.0, max_logp)
    ntf = jnp.where(comp, jnp.int32(_END_ID), idx)
    compout_ref[...] = (comp | (ntf == _END_ID)).astype(jnp.int32)
    tokout_ref[:, 0:_V_TOK] = tok_ref[...]
    tokout_ref[:, _V_TOK:_V_TOK + 1] = ntf.astype(tok_ref.dtype)


def kernel(tokens, logits, completes, sum_logprobs):
    m16, s16, i16 = _sc_reduce()(logits)
    tail = lax.slice(logits, (0, _TAIL0), (_B, _V))
    tm, ti, ts = _tc_reduce()(logits, tail)
    comp_i = completes.astype(jnp.int32).reshape(_B, 1)
    slp = sum_logprobs.astype(jnp.float32).reshape(_B, 1)
    tok_out, comp_o, slp_o = pl.pallas_call(
        _ep_body,
        out_shape=(
            jax.ShapeDtypeStruct((_B, _V_TOK + 1), tokens.dtype),
            jax.ShapeDtypeStruct((_B, 1), jnp.int32),
            jax.ShapeDtypeStruct((_B, 1), jnp.float32),
        ),
    )(m16, s16, i16, tm, ti, ts, tokens, comp_i, slp)
    return tok_out, comp_o.reshape(_B) != 0, slp_o.reshape(_B)

# --- scband reference (transcript-rebuilt; emitter-appended) ---
"""Pipeline reference for scband-greedy-search-80204219285957 (READ-ONLY COPY).

The authoritative reference and input builder live on the scoring server;
editing this copy changes nothing except your own understanding.
"""

import jax, jax.numpy as jnp
import numpy as np

END_ID = 2

def setup_inputs(seed: int = 0) -> dict:
    key = jax.random.key(seed)
    k1, k2, k3, k4 = jax.random.split(key, 4)
    tokens = jax.random.randint(k1, (64, 2048), 0, 1000000, dtype=jnp.int64) if jax.config.jax_enable_x64 else jax.random.randint(k1, (64, 2048), 0, 1000000, dtype=jnp.int32)
    logits = jax.random.normal(k2, (64, 1000000), dtype=jnp.float32)
    completes = jax.random.randint(k3, (64,), 0, 2) == 1
    sum_logprobs = jax.random.normal(k4, (64,), dtype=jnp.float32)
    return {"tokens": tokens, "logits": logits, "completes": completes, "sum_logprobs": sum_logprobs}

def reference(tokens, logits, completes, sum_logprobs):
    # log_softmax over vocab dim (dim=1)
    logp = jax.nn.log_softmax(logits, axis=1)
    # greedy decode: max value and argmax token
    max_logp = jnp.max(logp, axis=-1)
    next_tokens = jnp.argmax(logp, axis=-1).astype(tokens.dtype)
    # accumulate logprob only for unfinished sequences
    sum_logprobs = sum_logprobs + max_logp * jnp.logical_not(completes).astype(max_logp.dtype)
    # force end_id for already-completed sequences
    next_tokens = jnp.where(completes, jnp.asarray(END_ID, dtype=next_tokens.dtype), next_tokens)
    completes = jnp.logical_or(completes, next_tokens == END_ID)
    tokens = jnp.concatenate([tokens, next_tokens[:, None]], axis=-1)
    return (tokens, completes, sum_logprobs)

if __name__ == "__main__":
    import jax
    _d = setup_inputs()
    print(jax.jit(kernel)(*tuple(_d.values())))

</pallas_src>

<mosaic_0001>
#map = affine_map<(d0, d1) -> (0, 0)>
#map1 = affine_map<(d0, d1) -> (0, 0, 0)>
module attributes {stable_mosaic.version = 14 : i64} {
  func.func @_sc_body(%arg0: i32, %arg1: i32, %arg2: memref<64x1000000xf32, #tpu.memory_space<hbm>>, %arg3: memref<4x64x128xf32, #tpu.memory_space<hbm>>, %arg4: memref<4x64x128xf32, #tpu.memory_space<hbm>>, %arg5: memref<4x64x128xi32, #tpu.memory_space<hbm>>, %arg6: memref<8x2048xf32, #tpu.memory_space<vmem>>, %arg7: memref<8x2048xf32, #tpu.memory_space<vmem>>, %arg8: memref<8x128xf32, #tpu.memory_space<vmem>>, %arg9: memref<8x128xf32, #tpu.memory_space<vmem>>, %arg10: memref<8x128xi32, #tpu.memory_space<vmem>>, %arg11: memref<16x4x8x2048xf32, #tpu.memory_space<vmem_shared>>, %arg12: memref<!tpu.dma_semaphore, #tpu.memory_space<semaphore_mem>>, %arg13: memref<!tpu.dma_semaphore, #tpu.memory_space<semaphore_mem>>, %arg14: memref<!tpu.dma_semaphore, #tpu.memory_space<semaphore_mem>>, %arg15: memref<!tpu.dma_semaphore, #tpu.memory_space<semaphore_mem>>, %arg16: memref<!tpu.dma_semaphore, #tpu.memory_space<semaphore_mem>>, %arg17: memref<!tpu.dma_semaphore, #tpu.memory_space<semaphore_mem>>) attributes {dimension_semantics = [#tpu.dimension_semantics<core_parallel>, #tpu.dimension_semantics<subcore_parallel>], iteration_bounds = array<i64: 2, 16>, scalar_prefetch = 0 : i64, scratch_operands = 12 : i64, tpu.core_type = #tpu.core_type<sc_vector_subcore>, window_params = [{transform_indices = #map}, {transform_indices = #map1}, {transform_indices = #map1}, {transform_indices = #map1}]} {
    %mul3A = arith.constant 2 : i32
    %mul3A_0 = arith.muli %arg1, %mul3A : i32
    %add3A = arith.addi %mul3A_0, %arg0 : i32
    %jit3A = arith.constant 4 : i32
    %div3A = arith.divsi %add3A, %jit3A : i32
    %sign3A = arith.constant 0 : i32
    %sign3A_1 = arith.cmpi sgt, %add3A, %sign3A : i32
    %sign3A_2 = arith.extui %sign3A_1 : i1 to i32
    %sign3A_3 = arith.constant 0 : i32
    %sign3A_4 = arith.cmpi slt, %add3A, %sign3A_3 : i32
    %sign3A_5 = arith.extui %sign3A_4 : i1 to i32
    %sign3A_6 = arith.subi %sign3A_2, %sign3A_5 : i32
    %sign3A_7 = arith.constant 0 : i32
    %sign3A_8 = arith.cmpi sgt, %jit3A, %sign3A_7 : i32
    %sign3A_9 = arith.extui %sign3A_8 : i1 to i32
    %sign3A_10 = arith.constant 0 : i32
    %sign3A_11 = arith.cmpi slt, %jit3A, %sign3A_10 : i32
    %sign3A_12 = arith.extui %sign3A_11 : i1 to i32
    %sign3A_13 = arith.subi %sign3A_9, %sign3A_12 : i32
    %ne3A = arith.cmpi ne, %sign3A_6, %sign3A_13 : i32
    %rem3A = arith.remsi %add3A, %jit3A : i32
    %ne3A_14 = arith.constant 0 : i32
    %ne3A_15 = arith.cmpi ne, %rem3A, %ne3A_14 : i32
    %and3A = arith.andi %ne3A, %ne3A_15 : i1
    %sub3A = arith.constant 1 : i32
    %sub3A_16 = arith.subi %div3A, %sub3A : i32
    %select_n3A = arith.select %and3A, %sub3A_16, %div3A : i32
    %jit3A_17 = arith.constant 4 : i32
    %eq3A = arith.constant 0 : i32
    %eq3A_18 = arith.cmpi eq, %jit3A_17, %eq3A : i32
    %jit3A_19 = arith.constant 1 : i32
    %select_n3A_20 = arith.select %eq3A_18, %jit3A_19, %jit3A_17 : i32
    %rem3A_21 = arith.remsi %add3A, %select_n3A_20 : i32
    %ne3A_22 = arith.constant 0 : i32
    %ne3A_23 = arith.cmpi ne, %rem3A_21, %ne3A_22 : i32
    %lt3A = arith.constant 0 : i32
    %lt3A_24 = arith.cmpi slt, %rem3A_21, %lt3A : i32
    %lt3A_25 = arith.constant 0 : i32
    %lt3A_26 = arith.cmpi slt, %select_n3A_20, %lt3A_25 : i32
    %ne3A_27 = arith.xori %lt3A_24, %lt3A_26 : i1
    %and3A_28 = arith.andi %ne3A_27, %ne3A_23 : i1
    %add3A_29 = arith.addi %rem3A_21, %select_n3A_20 : i32
    %select_n3A_30 = arith.select %and3A_28, %add3A_29, %rem3A_21 : i32
    %mul3A_31 = arith.constant 8 : i32
    %mul3A_32 = arith.muli %select_n3A, %mul3A_31 : i32
    %mul3A_33 = arith.constant 114688 : i32
    %mul3A_34 = arith.muli %select_n3A_30, %mul3A_33 : i32
    %iota3A = tpu.iota {dimensions = array<i32: 0>} : vector<16xi32>
    %add3A_35 = arith.constant 0 : i32
    %add3A_36 = arith.addi %mul3A_34, %add3A_35 : i32
    %dma_start3A = arith.constant 0 : i32
    %dma_start3A_37 = arith.constant 0 : i32
    %dma_start3A_38 = arith.constant 0 : i32
    %dma_start3A_39 = tpu.memref_slice %arg11[%arg1, %dma_start3A, %dma_start3A_37, %dma_start3A_38] : memref<16x4x8x2048xf32, #tpu.memory_space<vmem_shared>> -> memref<1x1x8x2048xf32, #tpu.memory_space<vmem_shared>>
    %dma_start3A_40 = tpu.memref_squeeze %dma_start3A_39 : memref<1x1x8x2048xf32, #tpu.memory_space<vmem_shared>> -> memref<8x2048xf32, #tpu.memory_space<vmem_shared>>
    %dma_start3A_41 = tpu.memref_slice %arg2[%mul3A_32, %add3A_36] : memref<64x1000000xf32, #tpu.memory_space<hbm>> -> memref<8x2048xf32, #tpu.memory_space<hbm>>
    tpu.enqueue_dma source(%dma_start3A_41 : memref<8x2048xf32, #tpu.memory_space<hbm>>) target(%dma_start3A_40 : memref<8x2048xf32, #tpu.memory_space<vmem_shared>>) target_semaphore(%arg12 : memref<!tpu.dma_semaphore, #tpu.memory_space<semaphore_mem>>)
    %add3A_42 = arith.constant 2048 : i32
    %add3A_43 = arith.addi %mul3A_34, %add3A_42 : i32
    %dma_start3A_44 = arith.constant 1 : i32
    %dma_start3A_45 = arith.constant 0 : i32
    %dma_start3A_46 = arith.constant 0 : i32
    %dma_start3A_47 = tpu.memref_slice %arg11[%arg1, %dma_start3A_44, %dma_start3A_45, %dma_start3A_46] : memref<16x4x8x2048xf32, #tpu.memory_space<vmem_shared>> -> memref<1x1x8x2048xf32, #tpu.memory_space<vmem_shared>>
    %dma_start3A_48 = tpu.memref_squeeze %dma_start3A_47 : memref<1x1x8x2048xf32, #tpu.memory_space<vmem_shared>> -> memref<8x2048xf32, #tpu.memory_space<vmem_shared>>
    %dma_start3A_49 = tpu.memref_slice %arg2[%mul3A_32, %add3A_43] : memref<64x1000000xf32, #tpu.memory_space<hbm>> -> memref<8x2048xf32, #tpu.memory_space<hbm>>
    tpu.enqueue_dma source(%dma_start3A_49 : memref<8x2048xf32, #tpu.memory_space<hbm>>) target(%dma_start3A_48 : memref<8x2048xf32, #tpu.memory_space<vmem_shared>>) target_semaphore(%arg13 : memref<!tpu.dma_semaphore, #tpu.memory_space<semaphore_mem>>)
    %add3A_50 = arith.constant 4096 : i32
    %add3A_51 = arith.addi %mul3A_34, %add3A_50 : i32
    %dma_start3A_52 = arith.constant 2 : i32
    %dma_start3A_53 = arith.constant 0 : i32
    %dma_start3A_54 = arith.constant 0 : i32
    %dma_start3A_55 = tpu.memref_slice %arg11[%arg1, %dma_start3A_52, %dma_start3A_53, %dma_start3A_54] : memref<16x4x8x2048xf32, #tpu.memory_space<vmem_shared>> -> memref<1x1x8x2048xf32, #tpu.memory_space<vmem_shared>>
    %dma_start3A_56 = tpu.memref_squeeze %dma_start3A_55 : memref<1x1x8x2048xf32, #tpu.memory_space<vmem_shared>> -> memref<8x2048xf32, #tpu.memory_space<vmem_shared>>
    %dma_start3A_57 = tpu.memref_slice %arg2[%mul3A_32, %add3A_51] : memref<64x1000000xf32, #tpu.memory_space<hbm>> -> memref<8x2048xf32, #tpu.memory_space<hbm>>
    tpu.enqueue_dma source(%dma_start3A_57 : memref<8x2048xf32, #tpu.memory_space<hbm>>) target(%dma_start3A_56 : memref<8x2048xf32, #tpu.memory_space<vmem_shared>>) target_semaphore(%arg14 : memref<!tpu.dma_semaphore, #tpu.memory_space<semaphore_mem>>)
    %add3A_58 = arith.constant 6144 : i32
    %add3A_59 = arith.addi %mul3A_34, %add3A_58 : i32
    %dma_start3A_60 = arith.constant 3 : i32
    %dma_start3A_61 = arith.constant 0 : i32
    %dma_start3A_62 = arith.constant 0 : i32
    %dma_start3A_63 = tpu.memref_slice %arg11[%arg1, %dma_start3A_60, %dma_start3A_61, %dma_start3A_62] : memref<16x4x8x2048xf32, #tpu.memory_space<vmem_shared>> -> memref<1x1x8x2048xf32, #tpu.memory_space<vmem_shared>>
    %dma_start3A_64 = tpu.memref_squeeze %dma_start3A_63 : memref<1x1x8x2048xf32, #tpu.memory_space<vmem_shared>> -> memref<8x2048xf32, #tpu.memory_space<vmem_shared>>
    %dma_start3A_65 = tpu.memref_slice %arg2[%mul3A_32, %add3A_59] : memref<64x1000000xf32, #tpu.memory_space<hbm>> -> memref<8x2048xf32, #tpu.memory_space<hbm>>
    tpu.enqueue_dma source(%dma_start3A_65 : memref<8x2048xf32, #tpu.memory_space<hbm>>) target(%dma_start3A_64 : memref<8x2048xf32, #tpu.memory_space<vmem_shared>>) target_semaphore(%arg15 : memref<!tpu.dma_semaphore, #tpu.memory_space<semaphore_mem>>)
    %add3A_66 = arith.constant 0 : i32
    %add3A_67 = arith.addi %mul3A_34, %add3A_66 : i32
    %dma_wait3A = arith.constant 0 : i32
    %dma_wait3A_68 = arith.constant 0 : i32
    %dma_wait3A_69 = arith.constant 0 : i32
    %dma_wait3A_70 = tpu.memref_slice %arg11[%arg1, %dma_wait3A, %dma_wait3A_68, %dma_wait3A_69] : memref<16x4x8x2048xf32, #tpu.memory_space<vmem_shared>> -> memref<1x1x8x2048xf32, #tpu.memory_space<vmem_shared>>
    %dma_wait3A_71 = tpu.memref_squeeze %dma_wait3A_70 : memref<1x1x8x2048xf32, #tpu.memory_space<vmem_shared>> -> memref<8x2048xf32, #tpu.memory_space<vmem_shared>>
    %dma_wait3A_72 = tpu.memref_slice %arg2[%mul3A_32, %add3A_67] : memref<64x1000000xf32, #tpu.memory_space<hbm>> -> memref<8x2048xf32, #tpu.memory_space<hbm>>
    tpu.wait_dma2 semaphore(%arg12 : memref<!tpu.dma_semaphore, #tpu.memory_space<semaphore_mem>>) src(%dma_wait3A_72 : memref<8x2048xf32, #tpu.memory_space<hbm>>) dst(%dma_wait3A_71 : memref<8x2048xf32, #tpu.memory_space<vmem_shared>>)
    %dma_start3A_73 = arith.constant 0 : i32
    %dma_start3A_74 = arith.constant 0 : i32
    %dma_start3A_75 = arith.constant 0 : i32
    %dma_start3A_76 = tpu.memref_slice %arg11[%arg1, %dma_start3A_73, %dma_start3A_74, %dma_start3A_75] : memref<16x4x8x2048xf32, #tpu.memory_space<vmem_shared>> -> memref<1x1x8x2048xf32, #tpu.memory_space<vmem_shared>>
    %dma_start3A_77 = tpu.memref_squeeze %dma_start3A_76 : memref<1x1x8x2048xf32, #tpu.memory_space<vmem_shared>> -> memref<8x2048xf32, #tpu.memory_space<vmem_shared>>
    %dma_start3A_78 = arith.constant 0 : i32
    %dma_start3A_79 = arith.constant 0 : i32
    %dma_start3A_80 = tpu.memref_slice %arg11[%arg1, %dma_start3A_73, %dma_start3A_78, %dma_start3A_79] : memref<16x4x8x2048xf32, #tpu.memory_space<vmem_shared>> -> memref<1x1x8x2048xf32, #tpu.memory_space<vmem_shared>>
    %dma_start3A_81 = tpu.memref_squeeze %dma_start3A_80 : memref<1x1x8x2048xf32, #tpu.memory_space<vmem_shared>> -> memref<8x2048xf32, #tpu.memory_space<vmem_shared>>
    tpu.enqueue_dma source(%dma_start3A_81 : memref<8x2048xf32, #tpu.memory_space<vmem_shared>>) target(%arg6 : memref<8x2048xf32, #tpu.memory_space<vmem>>) target_semaphore(%arg16 : memref<!tpu.dma_semaphore, #tpu.memory_space<semaphore_mem>>)
    %add3A_82 = arith.constant 2048 : i32
    %add3A_83 = arith.addi %mul3A_34, %add3A_82 : i32
    %dma_wait3A_84 = arith.constant 1 : i32
    %dma_wait3A_85 = arith.constant 0 : i32
    %dma_wait3A_86 = arith.constant 0 : i32
    %dma_wait3A_87 = tpu.memref_slice %arg11[%arg1, %dma_wait3A_84, %dma_wait3A_85, %dma_wait3A_86] : memref<16x4x8x2048xf32, #tpu.memory_space<vmem_shared>> -> memref<1x1x8x2048xf32, #tpu.memory_space<vmem_shared>>
    %dma_wait3A_88 = tpu.memref_squeeze %dma_wait3A_87 : memref<1x1x8x2048xf32, #tpu.memory_space<vmem_shared>> -> memref<8x2048xf32, #tpu.memory_space<vmem_shared>>
    %dma_wait3A_89 = tpu.memref_slice %arg2[%mul3A_32, %add3A_83] : memref<64x1000000xf32, #tpu.memory_space<hbm>> -> memref<8x2048xf32, #tpu.memory_space<hbm>>
    tpu.wait_dma2 semaphore(%arg13 : memref<!tpu.dma_semaphore, #tpu.memory_space<semaphore_mem>>) src(%dma_wait3A_89 : memref<8x2048xf32, #tpu.memory_space<hbm>>) dst(%dma_wait3A_88 : memref<8x2048xf32, #tpu.memory_space<vmem_shared>>)
    %dma_start3A_90 = arith.constant 1 : i32
    %dma_start3A_91 = arith.constant 0 : i32
    %dma_start3A_92 = arith.constant 0 : i32
    %dma_start3A_93 = tpu.memref_slice %arg11[%arg1, %dma_start3A_90, %dma_start3A_91, %dma_start3A_92] : memref<16x4x8x2048xf32, #tpu.memory_space<vmem_shared>> -> memref<1x1x8x2048xf32, #tpu.memory_space<vmem_shared>>
    %dma_start3A_94 = tpu.memref_squeeze %dma_start3A_93 : memref<1x1x8x2048xf32, #tpu.memory_space<vmem_shared>> -> memref<8x2048xf32, #tpu.memory_space<vmem_shared>>
    %dma_start3A_95 = arith.constant 0 : i32
    %dma_start3A_96 = arith.constant 0 : i32
    %dma_start3A_97 = tpu.memref_slice %arg11[%arg1, %dma_start3A_90, %dma_start3A_95, %dma_start3A_96] : memref<16x4x8x2048xf32, #tpu.memory_space<vmem_shared>> -> memref<1x1x8x2048xf32, #tpu.memory_space<vmem_shared>>
    %dma_start3A_98 = tpu.memref_squeeze %dma_start3A_97 : memref<1x1x8x2048xf32, #tpu.memory_space<vmem_shared>> -> memref<8x2048xf32, #tpu.memory_space<vmem_shared>>
    tpu.enqueue_dma source(%dma_start3A_98 : memref<8x2048xf32, #tpu.memory_space<vmem_shared>>) target(%arg7 : memref<8x2048xf32, #tpu.memory_space<vmem>>) target_semaphore(%arg17 : memref<!tpu.dma_semaphore, #tpu.memory_space<semaphore_mem>>)
    %broadcast_in_dim3A = arith.constant -3.000000e+38 : f32
    %broadcast_in_dim3A_99 = vector.broadcast %broadcast_in_dim3A : f32 to vector<16xf32>
    %broadcast_in_dim3A_100 = arith.constant -3.000000e+38 : f32
    %broadcast_in_dim3A_101 = vector.broadcast %broadcast_in_dim3A_100 : f32 to vector<16xf32>
    %broadcast_in_dim3A_102 = arith.constant -3.000000e+38 : f32
    %broadcast_in_dim3A_103 = vector.broadcast %broadcast_in_dim3A_102 : f32 to vector<16xf32>
    %broadcast_in_dim3A_104 = arith.constant -3.000000e+38 : f32
    %broadcast_in_dim3A_105 = vector.broadcast %broadcast_in_dim3A_104 : f32 to vector<16xf32>
    %broadcast_in_dim3A_106 = arith.constant -3.000000e+38 : f32
    %broadcast_in_dim3A_107 = vector.broadcast %broadcast_in_dim3A_106 : f32 to vector<16xf32>
    %broadcast_in_dim3A_108 = arith.constant -3.000000e+38 : f32
    %broadcast_in_dim3A_109 = vector.broadcast %broadcast_in_dim3A_108 : f32 to vector<16xf32>
    %broadcast_in_dim3A_110 = arith.constant -3.000000e+38 : f32
    %broadcast_in_dim3A_111 = vector.broadcast %broadcast_in_dim3A_110 : f32 to vector<16xf32>
    %broadcast_in_dim3A_112 = arith.constant -3.000000e+38 : f32
    %broadcast_in_dim3A_113 = vector.broadcast %broadcast_in_dim3A_112 : f32 to vector<16xf32>
    %broadcast_in_dim3A_114 = arith.constant 0.000000e+00 : f32
    %broadcast_in_dim3A_115 = vector.broadcast %broadcast_in_dim3A_114 : f32 to vector<16xf32>
    %broadcast_in_dim3A_116 = arith.constant 0.000000e+00 : f32
    %broadcast_in_dim3A_117 = vector.broadcast %broadcast_in_dim3A_116 : f32 to vector<16xf32>
    %broadcast_in_dim3A_118 = arith.constant 0.000000e+00 : f32
    %broadcast_in_dim3A_119 = vector.broadcast %broadcast_in_dim3A_118 : f32 to vector<16xf32>
    %broadcast_in_dim3A_120 = arith.constant 0.000000e+00 : f32
    %broadcast_in_dim3A_121 = vector.broadcast %broadcast_in_dim3A_120 : f32 to vector<16xf32>
    %broadcast_in_dim3A_122 = arith.constant 0.000000e+00 : f32
    %broadcast_in_dim3A_123 = vector.broadcast %broadcast_in_dim3A_122 : f32 to vector<16xf32>
    %broadcast_in_dim3A_124 = arith.constant 0.000000e+00 : f32
    %broadcast_in_dim3A_125 = vector.broadcast %broadcast_in_dim3A_124 : f32 to vector<16xf32>
    %broadcast_in_dim3A_126 = arith.constant 0.000000e+00 : f32
    %broadcast_in_dim3A_127 = vector.broadcast %broadcast_in_dim3A_126 : f32 to vector<16xf32>
    %broadcast_in_dim3A_128 = arith.constant 0.000000e+00 : f32
    %broadcast_in_dim3A_129 = vector.broadcast %broadcast_in_dim3A_128 : f32 to vector<16xf32>
    %broadcast_in_dim3A_130 = arith.constant 0 : i32
    %broadcast_in_dim3A_131 = vector.broadcast %broadcast_in_dim3A_130 : i32 to vector<16xi32>
    %broadcast_in_dim3A_132 = arith.constant 0 : i32
    %broadcast_in_dim3A_133 = vector.broadcast %broadcast_in_dim3A_132 : i32 to vector<16xi32>
    %broadcast_in_dim3A_134 = arith.constant 0 : i32
    %broadcast_in_dim3A_135 = vector.broadcast %broadcast_in_dim3A_134 : i32 to vector<16xi32>
    %broadcast_in_dim3A_136 = arith.constant 0 : i32
    %broadcast_in_dim3A_137 = vector.broadcast %broadcast_in_dim3A_136 : i32 to vector<16xi32>
    %broadcast_in_dim3A_138 = arith.constant 0 : i32
    %broadcast_in_dim3A_139 = vector.broadcast %broadcast_in_dim3A_138 : i32 to vector<16xi32>
    %broadcast_in_dim3A_140 = arith.constant 0 : i32
    %broadcast_in_dim3A_141 = vector.broadcast %broadcast_in_dim3A_140 : i32 to vector<16xi32>
    %broadcast_in_dim3A_142 = arith.constant 0 : i32
    %broadcast_in_dim3A_143 = vector.broadcast %broadcast_in_dim3A_142 : i32 to vector<16xi32>
    %broadcast_in_dim3A_144 = arith.constant 0 : i32
    %broadcast_in_dim3A_145 = vector.broadcast %broadcast_in_dim3A_144 : i32 to vector<16xi32>
    %scan3A = arith.constant 0 : i32
    %scan3A_146 = arith.constant 14 : i32
    %scan3A_147 = arith.addi %scan3A, %scan3A_146 : i32
    %scan3A_148 = arith.constant 1 : i32
    %scan3A_149:24 = scf.for %scan3A_875 = %scan3A to %scan3A_147 step %scan3A_148 iter_args(%scan3A_876 = %broadcast_in_dim3A_99, %scan3A_877 = %broadcast_in_dim3A_101, %scan3A_878 = %broadcast_in_dim3A_103, %scan3A_879 = %broadcast_in_dim3A_105, %scan3A_880 = %broadcast_in_dim3A_107, %scan3A_881 = %broadcast_in_dim3A_109, %scan3A_882 = %broadcast_in_dim3A_111, %scan3A_883 = %broadcast_in_dim3A_113, %scan3A_884 = %broadcast_in_dim3A_115, %scan3A_885 = %broadcast_in_dim3A_117, %scan3A_886 = %broadcast_in_dim3A_119, %scan3A_887 = %broadcast_in_dim3A_121, %scan3A_888 = %broadcast_in_dim3A_123, %scan3A_889 = %broadcast_in_dim3A_125, %scan3A_890 = %broadcast_in_dim3A_127, %scan3A_891 = %broadcast_in_dim3A_129, %scan3A_892 = %broadcast_in_dim3A_131, %scan3A_893 = %broadcast_in_dim3A_133, %scan3A_894 = %broadcast_in_dim3A_135, %scan3A_895 = %broadcast_in_dim3A_137, %scan3A_896 = %broadcast_in_dim3A_139, %scan3A_897 = %broadcast_in_dim3A_141, %scan3A_898 = %broadcast_in_dim3A_143, %scan3A_899 = %broadcast_in_dim3A_145) -> (vector<16xf32>, vector<16xf32>, vector<16xf32>, vector<16xf32>, vector<16xf32>, vector<16xf32>, vector<16xf32>, vector<16xf32>, vector<16xf32>, vector<16xf32>, vector<16xf32>, vector<16xf32>, vector<16xf32>, vector<16xf32>, vector<16xf32>, vector<16xf32>, vector<16xi32>, vector<16xi32>, vector<16xi32>, vector<16xi32>, vector<16xi32>, vector<16xi32>, vector<16xi32>, vector<16xi32>)  : i32 {
      %mul3A_900 = arith.constant 4 : i32
      %mul3A_901 = arith.muli %mul3A_900, %scan3A_875 : i32
      %add3A_902 = arith.constant 0 : i32
      %add3A_903 = arith.addi %mul3A_901, %add3A_902 : i32
      %dma_wait3A_904 = arith.constant 0 : i32
      %dma_wait3A_905 = arith.constant 0 : i32
      %dma_wait3A_906 = arith.constant 0 : i32
      %dma_wait3A_907 = tpu.memref_slice %arg11[%arg1, %dma_wait3A_904, %dma_wait3A_905, %dma_wait3A_906] : memref<16x4x8x2048xf32, #tpu.memory_space<vmem_shared>> -> memref<1x1x8x2048xf32, #tpu.memory_space<vmem_shared>>
      %dma_wait3A_908 = tpu.memref_squeeze %dma_wait3A_907 : memref<1x1x8x2048xf32, #tpu.memory_space<vmem_shared>> -> memref<8x2048xf32, #tpu.memory_space<vmem_shared>>
      %dma_wait3A_909 = arith.constant 0 : i32
      %dma_wait3A_910 = arith.constant 0 : i32
      %dma_wait3A_911 = tpu.memref_slice %arg11[%arg1, %dma_wait3A_904, %dma_wait3A_909, %dma_wait3A_910] : memref<16x4x8x2048xf32, #tpu.memory_space<vmem_shared>> -> memref<1x1x8x2048xf32, #tpu.memory_space<vmem_shared>>
      %dma_wait3A_912 = tpu.memref_squeeze %dma_wait3A_911 : memref<1x1x8x2048xf32, #tpu.memory_space<vmem_shared>> -> memref<8x2048xf32, #tpu.memory_space<vmem_shared>>
      tpu.wait_dma2 semaphore(%arg16 : memref<!tpu.dma_semaphore, #tpu.memory_space<semaphore_mem>>) src(%dma_wait3A_912 : memref<8x2048xf32, #tpu.memory_space<vmem_shared>>) dst(%arg6 : memref<8x2048xf32, #tpu.memory_space<vmem>>)
      %add3A_913 = arith.constant 4 : i32
      %add3A_914 = arith.addi %add3A_903, %add3A_913 : i32
      %lt3A_915 = arith.constant 56 : i32
      %lt3A_916 = arith.cmpi slt, %add3A_914, %lt3A_915 : i32
      %convert_element_type3A = arith.extui %lt3A_916 : i1 to i32
      %cond3A = arith.constant 0 : i32
      %cond3A_917 = arith.cmpi ne, %convert_element_type3A, %cond3A : i32
      scf.if %cond3A_917 {
        %add3A_1126 = arith.constant 4 : i32
        %add3A_1127 = arith.addi %add3A_903, %add3A_1126 : i32
        %mul3A_1128 = arith.constant 2048 : i32
        %mul3A_1129 = arith.muli %add3A_1127, %mul3A_1128 : i32
        %add3A_1130 = arith.addi %mul3A_34, %mul3A_1129 : i32
        %dma_start3A_1131 = arith.constant 0 : i32
        %dma_start3A_1132 = arith.constant 0 : i32
        %dma_start3A_1133 = arith.constant 0 : i32
        %dma_start3A_1134 = tpu.memref_slice %arg11[%arg1, %dma_start3A_1131, %dma_start3A_1132, %dma_start3A_1133] : memref<16x4x8x2048xf32, #tpu.memory_space<vmem_shared>> -> memref<1x1x8x2048xf32, #tpu.memory_space<vmem_shared>>
        %dma_start3A_1135 = tpu.memref_squeeze %dma_start3A_1134 : memref<1x1x8x2048xf32, #tpu.memory_space<vmem_shared>> -> memref<8x2048xf32, #tpu.memory_space<vmem_shared>>
        %dma_start3A_1136 = tpu.memref_slice %arg2[%mul3A_32, %add3A_1130] : memref<64x1000000xf32, #tpu.memory_space<hbm>> -> memref<8x2048xf32, #tpu.memory_space<hbm>>
        tpu.enqueue_dma source(%dma_start3A_1136 : memref<8x2048xf32, #tpu.memory_space<hbm>>) target(%dma_start3A_1135 : memref<8x2048xf32, #tpu.memory_space<vmem_shared>>) target_semaphore(%arg12 : memref<!tpu.dma_semaphore, #tpu.memory_space<semaphore_mem>>)
      } else {
      }
      %scan3A_918 = arith.constant 0 : i32
      %scan3A_919 = arith.constant 128 : i32
      %scan3A_920 = arith.addi %scan3A_918, %scan3A_919 : i32
      %scan3A_921 = arith.constant 1 : i32
      %scan3A_922:16 = scf.for %scan3A_1126 = %scan3A_918 to %scan3A_920 step %scan3A_921 iter_args(%scan3A_1127 = %scan3A_876, %scan3A_1128 = %scan3A_877, %scan3A_1129 = %scan3A_878, %scan3A_1130 = %scan3A_879, %scan3A_1131 = %scan3A_880, %scan3A_1132 = %scan3A_881, %scan3A_1133 = %scan3A_882, %scan3A_1134 = %scan3A_883, %scan3A_1135 = %scan3A_884, %scan3A_1136 = %scan3A_885, %scan3A_1137 = %scan3A_886, %scan3A_1138 = %scan3A_887, %scan3A_1139 = %scan3A_888, %scan3A_1140 = %scan3A_889, %scan3A_1141 = %scan3A_890, %scan3A_1142 = %scan3A_891) -> (vector<16xf32>, vector<16xf32>, vector<16xf32>, vector<16xf32>, vector<16xf32>, vector<16xf32>, vector<16xf32>, vector<16xf32>, vector<16xf32>, vector<16xf32>, vector<16xf32>, vector<16xf32>, vector<16xf32>, vector<16xf32>, vector<16xf32>, vector<16xf32>)  : i32 {
        %mul3A_1143 = arith.constant 16 : i32
        %mul3A_1144 = arith.muli %scan3A_1126, %mul3A_1143 : i32
        %get3A = arith.constant 0 : i32
        %get3A_1145 = arith.index_cast %get3A : i32 to index
        %get3A_1146 = arith.index_cast %mul3A_1144 : i32 to index
        %get3A_1147 = tpu.vector_load %arg6[%get3A_1145, %get3A_1146] {strides = array<i32>} : memref<8x2048xf32, #tpu.memory_space<vmem>>, vector<16xf32>,
        %exp3A = math.exp %get3A_1147 : vector<16xf32>
        %add3A_1148 = arith.addf %scan3A_1135, %exp3A : vector<16xf32>
        %max3A = arith.maximumf %scan3A_1127, %get3A_1147 : vector<16xf32>
        %mul3A_1149 = arith.constant 16 : i32
        %mul3A_1150 = arith.muli %scan3A_1126, %mul3A_1149 : i32
        %get3A_1151 = arith.constant 1 : i32
        %get3A_1152 = arith.index_cast %get3A_1151 : i32 to index
        %get3A_1153 = arith.index_cast %mul3A_1150 : i32 to index
        %get3A_1154 = tpu.vector_load %arg6[%get3A_1152, %get3A_1153] {strides = array<i32>} : memref<8x2048xf32, #tpu.memory_space<vmem>>, vector<16xf32>,
        %exp3A_1155 = math.exp %get3A_1154 : vector<16xf32>
        %add3A_1156 = arith.addf %scan3A_1136, %exp3A_1155 : vector<16xf32>
        %max3A_1157 = arith.maximumf %scan3A_1128, %get3A_1154 : vector<16xf32>
        %mul3A_1158 = arith.constant 16 : i32
        %mul3A_1159 = arith.muli %scan3A_1126, %mul3A_1158 : i32
        %get3A_1160 = arith.constant 2 : i32
        %get3A_1161 = arith.index_cast %get3A_1160 : i32 to index
        %get3A_1162 = arith.index_cast %mul3A_1159 : i32 to index
        %get3A_1163 = tpu.vector_load %arg6[%get3A_1161, %get3A_1162] {strides = array<i32>} : memref<8x2048xf32, #tpu.memory_space<vmem>>, vector<16xf32>,
        %exp3A_1164 = math.exp %get3A_1163 : vector<16xf32>
        %add3A_1165 = arith.addf %scan3A_1137, %exp3A_1164 : vector<16xf32>
        %max3A_1166 = arith.maximumf %scan3A_1129, %get3A_1163 : vector<16xf32>
        %mul3A_1167 = arith.constant 16 : i32
        %mul3A_1168 = arith.muli %scan3A_1126, %mul3A_1167 : i32
        %get3A_1169 = arith.constant 3 : i32
        %get3A_1170 = arith.index_cast %get3A_1169 : i32 to index
        %get3A_1171 = arith.index_cast %mul3A_1168 : i32 to index
        %get3A_1172 = tpu.vector_load %arg6[%get3A_1170, %get3A_1171] {strides = array<i32>} : memref<8x2048xf32, #tpu.memory_space<vmem>>, vector<16xf32>,
        %exp3A_1173 = math.exp %get3A_1172 : vector<16xf32>
        %add3A_1174 = arith.addf %scan3A_1138, %exp3A_1173 : vector<16xf32>
        %max3A_1175 = arith.maximumf %scan3A_1130, %get3A_1172 : vector<16xf32>
        %mul3A_1176 = arith.constant 16 : i32
        %mul3A_1177 = arith.muli %scan3A_1126, %mul3A_1176 : i32
        %get3A_1178 = arith.constant 4 : i32
        %get3A_1179 = arith.index_cast %get3A_1178 : i32 to index
        %get3A_1180 = arith.index_cast %mul3A_1177 : i32 to index
        %get3A_1181 = tpu.vector_load %arg6[%get3A_1179, %get3A_1180] {strides = array<i32>} : memref<8x2048xf32, #tpu.memory_space<vmem>>, vector<16xf32>,
        %exp3A_1182 = math.exp %get3A_1181 : vector<16xf32>
        %add3A_1183 = arith.addf %scan3A_1139, %exp3A_1182 : vector<16xf32>
        %max3A_1184 = arith.maximumf %scan3A_1131, %get3A_1181 : vector<16xf32>
        %mul3A_1185 = arith.constant 16 : i32
        %mul3A_1186 = arith.muli %scan3A_1126, %mul3A_1185 : i32
        %get3A_1187 = arith.constant 5 : i32
        %get3A_1188 = arith.index_cast %get3A_1187 : i32 to index
        %get3A_1189 = arith.index_cast %mul3A_1186 : i32 to index
        %get3A_1190 = tpu.vector_load %arg6[%get3A_1188, %get3A_1189] {strides = array<i32>} : memref<8x2048xf32, #tpu.memory_space<vmem>>, vector<16xf32>,
        %exp3A_1191 = math.exp %get3A_1190 : vector<16xf32>
        %add3A_1192 = arith.addf %scan3A_1140, %exp3A_1191 : vector<16xf32>
        %max3A_1193 = arith.maximumf %scan3A_1132, %get3A_1190 : vector<16xf32>
        %mul3A_1194 = arith.constant 16 : i32
        %mul3A_1195 = arith.muli %scan3A_1126, %mul3A_1194 : i32
        %get3A_1196 = arith.constant 6 : i32
        %get3A_1197 = arith.index_cast %get3A_1196 : i32 to index
        %get3A_1198 = arith.index_cast %mul3A_1195 : i32 to index
        %get3A_1199 = tpu.vector_load %arg6[%get3A_1197, %get3A_1198] {strides = array<i32>} : memref<8x2048xf32, #tpu.memory_space<vmem>>, vector<16xf32>,
        %exp3A_1200 = math.exp %get3A_1199 : vector<16xf32>
        %add3A_1201 = arith.addf %scan3A_1141, %exp3A_1200 : vector<16xf32>
        %max3A_1202 = arith.maximumf %scan3A_1133, %get3A_1199 : vector<16xf32>
        %mul3A_1203 = arith.constant 16 : i32
        %mul3A_1204 = arith.muli %scan3A_1126, %mul3A_1203 : i32
        %get3A_1205 = arith.constant 7 : i32
        %get3A_1206 = arith.index_cast %get3A_1205 : i32 to index
        %get3A_1207 = arith.index_cast %mul3A_1204 : i32 to index
        %get3A_1208 = tpu.vector_load %arg6[%get3A_1206, %get3A_1207] {strides = array<i32>} : memref<8x2048xf32, #tpu.memory_space<vmem>>, vector<16xf32>,
        %exp3A_1209 = math.exp %get3A_1208 : vector<16xf32>
        %add3A_1210 = arith.addf %scan3A_1142, %exp3A_1209 : vector<16xf32>
        %max3A_1211 = arith.maximumf %scan3A_1134, %get3A_1208 : vector<16xf32>
        scf.yield %max3A, %max3A_1157, %max3A_1166, %max3A_1175, %max3A_1184, %max3A_1193, %max3A_1202, %max3A_1211, %add3A_1148, %add3A_1156, %add3A_1165, %add3A_1174, %add3A_1183, %add3A_1192, %add3A_1201, %add3A_1210 : vector<16xf32>, vector<16xf32>, vector<16xf32>, vector<16xf32>, vector<16xf32>, vector<16xf32>, vector<16xf32>, vector<16xf32>, vector<16xf32>, vector<16xf32>, vector<16xf32>, vector<16xf32>, vector<16xf32>, vector<16xf32>, vector<16xf32>, vector<16xf32>
      }
      %scan3A_923 = arith.constant 128 : i32
      %ne3A_924 = arith.cmpf one, %scan3A_922#0, %scan3A_876 : vector<16xf32>
      %broadcast_in_dim3A_925 = vector.broadcast %add3A_903 : i32 to vector<16xi32>
      %select_n3A_926 = arith.select %ne3A_924, %broadcast_in_dim3A_925, %scan3A_892 : vector<16xi1>, vector<16xi32>
      %ne3A_927 = arith.cmpf one, %scan3A_922#1, %scan3A_877 : vector<16xf32>
      %broadcast_in_dim3A_928 = vector.broadcast %add3A_903 : i32 to vector<16xi32>
      %select_n3A_929 = arith.select %ne3A_927, %broadcast_in_dim3A_928, %scan3A_893 : vector<16xi1>, vector<16xi32>
      %ne3A_930 = arith.cmpf one, %scan3A_922#2, %scan3A_878 : vector<16xf32>
      %broadcast_in_dim3A_931 = vector.broadcast %add3A_903 : i32 to vector<16xi32>
      %select_n3A_932 = arith.select %ne3A_930, %broadcast_in_dim3A_931, %scan3A_894 : vector<16xi1>, vector<16xi32>
      %ne3A_933 = arith.cmpf one, %scan3A_922#3, %scan3A_879 : vector<16xf32>
      %broadcast_in_dim3A_934 = vector.broadcast %add3A_903 : i32 to vector<16xi32>
      %select_n3A_935 = arith.select %ne3A_933, %broadcast_in_dim3A_934, %scan3A_895 : vector<16xi1>, vector<16xi32>
      %ne3A_936 = arith.cmpf one, %scan3A_922#4, %scan3A_880 : vector<16xf32>
      %broadcast_in_dim3A_937 = vector.broadcast %add3A_903 : i32 to vector<16xi32>
      %select_n3A_938 = arith.select %ne3A_936, %broadcast_in_dim3A_937, %scan3A_896 : vector<16xi1>, vector<16xi32>
      %ne3A_939 = arith.cmpf one, %scan3A_922#5, %scan3A_881 : vector<16xf32>
      %broadcast_in_dim3A_940 = vector.broadcast %add3A_903 : i32 to vector<16xi32>
      %select_n3A_941 = arith.select %ne3A_939, %broadcast_in_dim3A_940, %scan3A_897 : vector<16xi1>, vector<16xi32>
      %ne3A_942 = arith.cmpf one, %scan3A_922#6, %scan3A_882 : vector<16xf32>
      %broadcast_in_dim3A_943 = vector.broadcast %add3A_903 : i32 to vector<16xi32>
      %select_n3A_944 = arith.select %ne3A_942, %broadcast_in_dim3A_943, %scan3A_898 : vector<16xi1>, vector<16xi32>
      %ne3A_945 = arith.cmpf one, %scan3A_922#7, %scan3A_883 : vector<16xf32>
      %broadcast_in_dim3A_946 = vector.broadcast %add3A_903 : i32 to vector<16xi32>
      %select_n3A_947 = arith.select %ne3A_945, %broadcast_in_dim3A_946, %scan3A_899 : vector<16xi1>, vector<16xi32>
      %add3A_948 = arith.constant 2 : i32
      %add3A_949 = arith.addi %add3A_903, %add3A_948 : i32
      %lt3A_950 = arith.constant 56 : i32
      %lt3A_951 = arith.cmpi slt, %add3A_949, %lt3A_950 : i32
      %convert_element_type3A_952 = arith.extui %lt3A_951 : i1 to i32
      %cond3A_953 = arith.constant 0 : i32
      %cond3A_954 = arith.cmpi ne, %convert_element_type3A_952, %cond3A_953 : i32
      scf.if %cond3A_954 {
        %add3A_1126 = arith.constant 2 : i32
        %add3A_1127 = arith.addi %add3A_903, %add3A_1126 : i32
        %mul3A_1128 = arith.constant 2048 : i32
        %mul3A_1129 = arith.muli %add3A_1127, %mul3A_1128 : i32
        %add3A_1130 = arith.addi %mul3A_34, %mul3A_1129 : i32
        %dma_wait3A_1131 = arith.constant 2 : i32
        %dma_wait3A_1132 = arith.constant 0 : i32
        %dma_wait3A_1133 = arith.constant 0 : i32
        %dma_wait3A_1134 = tpu.memref_slice %arg11[%arg1, %dma_wait3A_1131, %dma_wait3A_1132, %dma_wait3A_1133] : memref<16x4x8x2048xf32, #tpu.memory_space<vmem_shared>> -> memref<1x1x8x2048xf32, #tpu.memory_space<vmem_shared>>
        %dma_wait3A_1135 = tpu.memref_squeeze %dma_wait3A_1134 : memref<1x1x8x2048xf32, #tpu.memory_space<vmem_shared>> -> memref<8x2048xf32, #tpu.memory_space<vmem_shared>>
        %dma_wait3A_1136 = tpu.memref_slice %arg2[%mul3A_32, %add3A_1130] : memref<64x1000000xf32, #tpu.memory_space<hbm>> -> memref<8x2048xf32, #tpu.memory_space<hbm>>
        tpu.wait_dma2 semaphore(%arg14 : memref<!tpu.dma_semaphore, #tpu.memory_space<semaphore_mem>>) src(%dma_wait3A_1136 : memref<8x2048xf32, #tpu.memory_space<hbm>>) dst(%dma_wait3A_1135 : memref<8x2048xf32, #tpu.memory_space<vmem_shared>>)
        %dma_start3A_1137 = arith.constant 2 : i32
        %dma_start3A_1138 = arith.constant 0 : i32
        %dma_start3A_1139 = arith.constant 0 : i32
        %dma_start3A_1140 = tpu.memref_slice %arg11[%arg1, %dma_start3A_1137, %dma_start3A_1138, %dma_start3A_1139] : memref<16x4x8x2048xf32, #tpu.memory_space<vmem_shared>> -> memref<1x1x8x2048xf32, #tpu.memory_space<vmem_shared>>
        %dma_start3A_1141 = tpu.memref_squeeze %dma_start3A_1140 : memref<1x1x8x2048xf32, #tpu.memory_space<vmem_shared>> -> memref<8x2048xf32, #tpu.memory_space<vmem_shared>>
        %dma_start3A_1142 = arith.constant 0 : i32
        %dma_start3A_1143 = arith.constant 0 : i32
        %dma_start3A_1144 = tpu.memref_slice %arg11[%arg1, %dma_start3A_1137, %dma_start3A_1142, %dma_start3A_1143] : memref<16x4x8x2048xf32, #tpu.memory_space<vmem_shared>> -> memref<1x1x8x2048xf32, #tpu.memory_space<vmem_shared>>
        %dma_start3A_1145 = tpu.memref_squeeze %dma_start3A_1144 : memref<1x1x8x2048xf32, #tpu.memory_space<vmem_shared>> -> memref<8x2048xf32, #tpu.memory_space<vmem_shared>>
        tpu.enqueue_dma source(%dma_start3A_1145 : memref<8x2048xf32, #tpu.memory_space<vmem_shared>>) target(%arg6 : memref<8x2048xf32, #tpu.memory_space<vmem>>) target_semaphore(%arg16 : memref<!tpu.dma_semaphore, #tpu.memory_space<semaphore_mem>>)
      } else {
      }
      %mul3A_955 = arith.constant 4 : i32
      %mul3A_956 = arith.muli %mul3A_955, %scan3A_875 : i32
      %add3A_957 = arith.constant 1 : i32
      %add3A_958 = arith.addi %mul3A_956, %add3A_957 : i32
      %dma_wait3A_959 = arith.constant 1 : i32
      %dma_wait3A_960 = arith.constant 0 : i32
      %dma_wait3A_961 = arith.constant 0 : i32
      %dma_wait3A_962 = tpu.memref_slice %arg11[%arg1, %dma_wait3A_959, %dma_wait3A_960, %dma_wait3A_961] : memref<16x4x8x2048xf32, #tpu.memory_space<vmem_shared>> -> memref<1x1x8x2048xf32, #tpu.memory_space<vmem_shared>>
      %dma_wait3A_963 = tpu.memref_squeeze %dma_wait3A_962 : memref<1x1x8x2048xf32, #tpu.memory_space<vmem_shared>> -> memref<8x2048xf32, #tpu.memory_space<vmem_shared>>
      %dma_wait3A_964 = arith.constant 0 : i32
      %dma_wait3A_965 = arith.constant 0 : i32
      %dma_wait3A_966 = tpu.memref_slice %arg11[%arg1, %dma_wait3A_959, %dma_wait3A_964, %dma_wait3A_965] : memref<16x4x8x2048xf32, #tpu.memory_space<vmem_shared>> -> memref<1x1x8x2048xf32, #tpu.memory_space<vmem_shared>>
      %dma_wait3A_967 = tpu.memref_squeeze %dma_wait3A_966 : memref<1x1x8x2048xf32, #tpu.memory_space<vmem_shared>> -> memref<8x2048xf32, #tpu.memory_space<vmem_shared>>
      tpu.wait_dma2 semaphore(%arg17 : memref<!tpu.dma_semaphore, #tpu.memory_space<semaphore_mem>>) src(%dma_wait3A_967 : memref<8x2048xf32, #tpu.memory_space<vmem_shared>>) dst(%arg7 : memref<8x2048xf32, #tpu.memory_space<vmem>>)
      %add3A_968 = arith.constant 4 : i32
      %add3A_969 = arith.addi %add3A_958, %add3A_968 : i32
      %lt3A_970 = arith.constant 56 : i32
      %lt3A_971 = arith.cmpi slt, %add3A_969, %lt3A_970 : i32
      %convert_element_type3A_972 = arith.extui %lt3A_971 : i1 to i32
      %cond3A_973 = arith.constant 0 : i32
      %cond3A_974 = arith.cmpi ne, %convert_element_type3A_972, %cond3A_973 : i32
      scf.if %cond3A_974 {
        %add3A_1126 = arith.constant 4 : i32
        %add3A_1127 = arith.addi %add3A_958, %add3A_1126 : i32
        %mul3A_1128 = arith.constant 2048 : i32
        %mul3A_1129 = arith.muli %add3A_1127, %mul3A_1128 : i32
        %add3A_1130 = arith.addi %mul3A_34, %mul3A_1129 : i32
        %dma_start3A_1131 = arith.constant 1 : i32
        %dma_start3A_1132 = arith.constant 0 : i32
        %dma_start3A_1133 = arith.constant 0 : i32
        %dma_start3A_1134 = tpu.memref_slice %arg11[%arg1, %dma_start3A_1131, %dma_start3A_1132, %dma_start3A_1133] : memref<16x4x8x2048xf32, #tpu.memory_space<vmem_shared>> -> memref<1x1x8x2048xf32, #tpu.memory_space<vmem_shared>>
        %dma_start3A_1135 = tpu.memref_squeeze %dma_start3A_1134 : memref<1x1x8x2048xf32, #tpu.memory_space<vmem_shared>> -> memref<8x2048xf32, #tpu.memory_space<vmem_shared>>
        %dma_start3A_1136 = tpu.memref_slice %arg2[%mul3A_32, %add3A_1130] : memref<64x1000000xf32, #tpu.memory_space<hbm>> -> memref<8x2048xf32, #tpu.memory_space<hbm>>
        tpu.enqueue_dma source(%dma_start3A_1136 : memref<8x2048xf32, #tpu.memory_space<hbm>>) target(%dma_start3A_1135 : memref<8x2048xf32, #tpu.memory_space<vmem_shared>>) target_semaphore(%arg13 : memref<!tpu.dma_semaphore, #tpu.memory_space<semaphore_mem>>)
      } else {
      }
      %scan3A_975 = arith.constant 0 : i32
      %scan3A_976 = arith.constant 128 : i32
      %scan3A_977 = arith.addi %scan3A_975, %scan3A_976 : i32
      %scan3A_978 = arith.constant 1 : i32
      %scan3A_979:16 = scf.for %scan3A_1126 = %scan3A_975 to %scan3A_977 step %scan3A_978 iter_args(%scan3A_1127 = %scan3A_922#0, %scan3A_1128 = %scan3A_922#1, %scan3A_1129 = %scan3A_922#2, %scan3A_1130 = %scan3A_922#3, %scan3A_1131 = %scan3A_922#4, %scan3A_1132 = %scan3A_922#5, %scan3A_1133 = %scan3A_922#6, %scan3A_1134 = %scan3A_922#7, %scan3A_1135 = %scan3A_922#8, %scan3A_1136 = %scan3A_922#9, %scan3A_1137 = %scan3A_922#10, %scan3A_1138 = %scan3A_922#11, %scan3A_1139 = %scan3A_922#12, %scan3A_1140 = %scan3A_922#13, %scan3A_1141 = %scan3A_922#14, %scan3A_1142 = %scan3A_922#15) -> (vector<16xf32>, vector<16xf32>, vector<16xf32>, vector<16xf32>, vector<16xf32>, vector<16xf32>, vector<16xf32>, vector<16xf32>, vector<16xf32>, vector<16xf32>, vector<16xf32>, vector<16xf32>, vector<16xf32>, vector<16xf32>, vector<16xf32>, vector<16xf32>)  : i32 {
        %mul3A_1143 = arith.constant 16 : i32
        %mul3A_1144 = arith.muli %scan3A_1126, %mul3A_1143 : i32
        %get3A = arith.constant 0 : i32
        %get3A_1145 = arith.index_cast %get3A : i32 to index
        %get3A_1146 = arith.index_cast %mul3A_1144 : i32 to index
        %get3A_1147 = tpu.vector_load %arg7[%get3A_1145, %get3A_1146] {strides = array<i32>} : memref<8x2048xf32, #tpu.memory_space<vmem>>, vector<16xf32>,
        %exp3A = math.exp %get3A_1147 : vector<16xf32>
        %add3A_1148 = arith.addf %scan3A_1135, %exp3A : vector<16xf32>
        %max3A = arith.maximumf %scan3A_1127, %get3A_1147 : vector<16xf32>
        %mul3A_1149 = arith.constant 16 : i32
        %mul3A_1150 = arith.muli %scan3A_1126, %mul3A_1149 : i32
        %get3A_1151 = arith.constant 1 : i32
        %get3A_1152 = arith.index_cast %get3A_1151 : i32 to index
        %get3A_1153 = arith.index_cast %mul3A_1150 : i32 to index
        %get3A_1154 = tpu.vector_load %arg7[%get3A_1152, %get3A_1153] {strides = array<i32>} : memref<8x2048xf32, #tpu.memory_space<vmem>>, vector<16xf32>,
        %exp3A_1155 = math.exp %get3A_1154 : vector<16xf32>
        %add3A_1156 = arith.addf %scan3A_1136, %exp3A_1155 : vector<16xf32>
        %max3A_1157 = arith.maximumf %scan3A_1128, %get3A_1154 : vector<16xf32>
        %mul3A_1158 = arith.constant 16 : i32
        %mul3A_1159 = arith.muli %scan3A_1126, %mul3A_1158 : i32
        %get3A_1160 = arith.constant 2 : i32
        %get3A_1161 = arith.index_cast %get3A_1160 : i32 to index
        %get3A_1162 = arith.index_cast %mul3A_1159 : i32 to index
        %get3A_1163 = tpu.vector_load %arg7[%get3A_1161, %get3A_1162] {strides = array<i32>} : memref<8x2048xf32, #tpu.memory_space<vmem>>, vector<16xf32>,
        %exp3A_1164 = math.exp %get3A_1163 : vector<16xf32>
        %add3A_1165 = arith.addf %scan3A_1137, %exp3A_1164 : vector<16xf32>
        %max3A_1166 = arith.maximumf %scan3A_1129, %get3A_1163 : vector<16xf32>
        %mul3A_1167 = arith.constant 16 : i32
        %mul3A_1168 = arith.muli %scan3A_1126, %mul3A_1167 : i32
        %get3A_1169 = arith.constant 3 : i32
        %get3A_1170 = arith.index_cast %get3A_1169 : i32 to index
        %get3A_1171 = arith.index_cast %mul3A_1168 : i32 to index
        %get3A_1172 = tpu.vector_load %arg7[%get3A_1170, %get3A_1171] {strides = array<i32>} : memref<8x2048xf32, #tpu.memory_space<vmem>>, vector<16xf32>,
        %exp3A_1173 = math.exp %get3A_1172 : vector<16xf32>
        %add3A_1174 = arith.addf %scan3A_1138, %exp3A_1173 : vector<16xf32>
        %max3A_1175 = arith.maximumf %scan3A_1130, %get3A_1172 : vector<16xf32>
        %mul3A_1176 = arith.constant 16 : i32
        %mul3A_1177 = arith.muli %scan3A_1126, %mul3A_1176 : i32
        %get3A_1178 = arith.constant 4 : i32
        %get3A_1179 = arith.index_cast %get3A_1178 : i32 to index
        %get3A_1180 = arith.index_cast %mul3A_1177 : i32 to index
        %get3A_1181 = tpu.vector_load %arg7[%get3A_1179, %get3A_1180] {strides = array<i32>} : memref<8x2048xf32, #tpu.memory_space<vmem>>, vector<16xf32>,
        %exp3A_1182 = math.exp %get3A_1181 : vector<16xf32>
        %add3A_1183 = arith.addf %scan3A_1139, %exp3A_1182 : vector<16xf32>
        %max3A_1184 = arith.maximumf %scan3A_1131, %get3A_1181 : vector<16xf32>
        %mul3A_1185 = arith.constant 16 : i32
        %mul3A_1186 = arith.muli %scan3A_1126, %mul3A_1185 : i32
        %get3A_1187 = arith.constant 5 : i32
        %get3A_1188 = arith.index_cast %get3A_1187 : i32 to index
        %get3A_1189 = arith.index_cast %mul3A_1186 : i32 to index
        %get3A_1190 = tpu.vector_load %arg7[%get3A_1188, %get3A_1189] {strides = array<i32>} : memref<8x2048xf32, #tpu.memory_space<vmem>>, vector<16xf32>,
        %exp3A_1191 = math.exp %get3A_1190 : vector<16xf32>
        %add3A_1192 = arith.addf %scan3A_1140, %exp3A_1191 : vector<16xf32>
        %max3A_1193 = arith.maximumf %scan3A_1132, %get3A_1190 : vector<16xf32>
        %mul3A_1194 = arith.constant 16 : i32
        %mul3A_1195 = arith.muli %scan3A_1126, %mul3A_1194 : i32
        %get3A_1196 = arith.constant 6 : i32
        %get3A_1197 = arith.index_cast %get3A_1196 : i32 to index
        %get3A_1198 = arith.index_cast %mul3A_1195 : i32 to index
        %get3A_1199 = tpu.vector_load %arg7[%get3A_1197, %get3A_1198] {strides = array<i32>} : memref<8x2048xf32, #tpu.memory_space<vmem>>, vector<16xf32>,
        %exp3A_1200 = math.exp %get3A_1199 : vector<16xf32>
        %add3A_1201 = arith.addf %scan3A_1141, %exp3A_1200 : vector<16xf32>
        %max3A_1202 = arith.maximumf %scan3A_1133, %get3A_1199 : vector<16xf32>
        %mul3A_1203 = arith.constant 16 : i32
        %mul3A_1204 = arith.muli %scan3A_1126, %mul3A_1203 : i32
        %get3A_1205 = arith.constant 7 : i32
        %get3A_1206 = arith.index_cast %get3A_1205 : i32 to index
        %get3A_1207 = arith.index_cast %mul3A_1204 : i32 to index
        %get3A_1208 = tpu.vector_load %arg7[%get3A_1206, %get3A_1207] {strides = array<i32>} : memref<8x2048xf32, #tpu.memory_space<vmem>>, vector<16xf32>,
        %exp3A_1209 = math.exp %get3A_1208 : vector<16xf32>
        %add3A_1210 = arith.addf %scan3A_1142, %exp3A_1209 : vector<16xf32>
        %max3A_1211 = arith.maximumf %scan3A_1134, %get3A_1208 : vector<16xf32>
        scf.yield %max3A, %max3A_1157, %max3A_1166, %max3A_1175, %max3A_1184, %max3A_1193, %max3A_1202, %max3A_1211, %add3A_1148, %add3A_1156, %add3A_1165, %add3A_1174, %add3A_1183, %add3A_1192, %add3A_1201, %add3A_1210 : vector<16xf32>, vector<16xf32>, vector<16xf32>, vector<16xf32>, vector<16xf32>, vector<16xf32>, vector<16xf32>, vector<16xf32>, vector<16xf32>, vector<16xf32>, vector<16xf32>, vector<16xf32>, vector<16xf32>, vector<16xf32>, vector<16xf32>, vector<16xf32>
      }
      %scan3A_980 = arith.constant 128 : i32
      %ne3A_981 = arith.cmpf one, %scan3A_979#0, %scan3A_922#0 : vector<16xf32>
      %broadcast_in_dim3A_982 = vector.broadcast %add3A_958 : i32 to vector<16xi32>
      %select_n3A_983 = arith.select %ne3A_981, %broadcast_in_dim3A_982, %select_n3A_926 : vector<16xi1>, vector<16xi32>
      %ne3A_984 = arith.cmpf one, %scan3A_979#1, %scan3A_922#1 : vector<16xf32>
      %broadcast_in_dim3A_985 = vector.broadcast %add3A_958 : i32 to vector<16xi32>
      %select_n3A_986 = arith.select %ne3A_984, %broadcast_in_dim3A_985, %select_n3A_929 : vector<16xi1>, vector<16xi32>
      %ne3A_987 = arith.cmpf one, %scan3A_979#2, %scan3A_922#2 : vector<16xf32>
      %broadcast_in_dim3A_988 = vector.broadcast %add3A_958 : i32 to vector<16xi32>
      %select_n3A_989 = arith.select %ne3A_987, %broadcast_in_dim3A_988, %select_n3A_932 : vector<16xi1>, vector<16xi32>
      %ne3A_990 = arith.cmpf one, %scan3A_979#3, %scan3A_922#3 : vector<16xf32>
      %broadcast_in_dim3A_991 = vector.broadcast %add3A_958 : i32 to vector<16xi32>
      %select_n3A_992 = arith.select %ne3A_990, %broadcast_in_dim3A_991, %select_n3A_935 : vector<16xi1>, vector<16xi32>
      %ne3A_993 = arith.cmpf one, %scan3A_979#4, %scan3A_922#4 : vector<16xf32>
      %broadcast_in_dim3A_994 = vector.broadcast %add3A_958 : i32 to vector<16xi32>
      %select_n3A_995 = arith.select %ne3A_993, %broadcast_in_dim3A_994, %select_n3A_938 : vector<16xi1>, vector<16xi32>
      %ne3A_996 = arith.cmpf one, %scan3A_979#5, %scan3A_922#5 : vector<16xf32>
      %broadcast_in_dim3A_997 = vector.broadcast %add3A_958 : i32 to vector<16xi32>
      %select_n3A_998 = arith.select %ne3A_996, %broadcast_in_dim3A_997, %select_n3A_941 : vector<16xi1>, vector<16xi32>
      %ne3A_999 = arith.cmpf one, %scan3A_979#6, %scan3A_922#6 : vector<16xf32>
      %broadcast_in_dim3A_1000 = vector.broadcast %add3A_958 : i32 to vector<16xi32>
      %select_n3A_1001 = arith.select %ne3A_999, %broadcast_in_dim3A_1000, %select_n3A_944 : vector<16xi1>, vector<16xi32>
      %ne3A_1002 = arith.cmpf one, %scan3A_979#7, %scan3A_922#7 : vector<16xf32>
      %broadcast_in_dim3A_1003 = vector.broadcast %add3A_958 : i32 to vector<16xi32>
      %select_n3A_1004 = arith.select %ne3A_1002, %broadcast_in_dim3A_1003, %select_n3A_947 : vector<16xi1>, vector<16xi32>
      %add3A_1005 = arith.constant 2 : i32
      %add3A_1006 = arith.addi %add3A_958, %add3A_1005 : i32
      %lt3A_1007 = arith.constant 56 : i32
      %lt3A_1008 = arith.cmpi slt, %add3A_1006, %lt3A_1007 : i32
      %convert_element_type3A_1009 = arith.extui %lt3A_1008 : i1 to i32
      %cond3A_1010 = arith.constant 0 : i32
      %cond3A_1011 = arith.cmpi ne, %convert_element_type3A_1009, %cond3A_1010 : i32
      scf.if %cond3A_1011 {
        %add3A_1126 = arith.constant 2 : i32
        %add3A_1127 = arith.addi %add3A_958, %add3A_1126 : i32
        %mul3A_1128 = arith.constant 2048 : i32
        %mul3A_1129 = arith.muli %add3A_1127, %mul3A_1128 : i32
        %add3A_1130 = arith.addi %mul3A_34, %mul3A_1129 : i32
        %dma_wait3A_1131 = arith.constant 3 : i32
        %dma_wait3A_1132 = arith.constant 0 : i32
        %dma_wait3A_1133 = arith.constant 0 : i32
        %dma_wait3A_1134 = tpu.memref_slice %arg11[%arg1, %dma_wait3A_1131, %dma_wait3A_1132, %dma_wait3A_1133] : memref<16x4x8x2048xf32, #tpu.memory_space<vmem_shared>> -> memref<1x1x8x2048xf32, #tpu.memory_space<vmem_shared>>
        %dma_wait3A_1135 = tpu.memref_squeeze %dma_wait3A_1134 : memref<1x1x8x2048xf32, #tpu.memory_space<vmem_shared>> -> memref<8x2048xf32, #tpu.memory_space<vmem_shared>>
        %dma_wait3A_1136 = tpu.memref_slice %arg2[%mul3A_32, %add3A_1130] : memref<64x1000000xf32, #tpu.memory_space<hbm>> -> memref<8x2048xf32, #tpu.memory_space<hbm>>
        tpu.wait_dma2 semaphore(%arg15 : memref<!tpu.dma_semaphore, #tpu.memory_space<semaphore_mem>>) src(%dma_wait3A_1136 : memref<8x2048xf32, #tpu.memory_space<hbm>>) dst(%dma_wait3A_1135 : memref<8x2048xf32, #tpu.memory_space<vmem_shared>>)
        %dma_start3A_1137 = arith.constant 3 : i32
        %dma_start3A_1138 = arith.constant 0 : i32
        %dma_start3A_1139 = arith.constant 0 : i32
        %dma_start3A_1140 = tpu.memref_slice %arg11[%arg1, %dma_start3A_1137, %dma_start3A_1138, %dma_start3A_1139] : memref<16x4x8x2048xf32, #tpu.memory_space<vmem_shared>> -> memref<1x1x8x2048xf32, #tpu.memory_space<vmem_shared>>
        %dma_start3A_1141 = tpu.memref_squeeze %dma_start3A_1140 : memref<1x1x8x2048xf32, #tpu.memory_space<vmem_shared>> -> memref<8x2048xf32, #tpu.memory_space<vmem_shared>>
        %dma_start3A_1142 = arith.constant 0 : i32
        %dma_start3A_1143 = arith.constant 0 : i32
        %dma_start3A_1144 = tpu.memref_slice %arg11[%arg1, %dma_start3A_1137, %dma_start3A_1142, %dma_start3A_1143] : memref<16x4x8x2048xf32, #tpu.memory_space<vmem_shared>> -> memref<1x1x8x2048xf32, #tpu.memory_space<vmem_shared>>
        %dma_start3A_1145 = tpu.memref_squeeze %dma_start3A_1144 : memref<1x1x8x2048xf32, #tpu.memory_space<vmem_shared>> -> memref<8x2048xf32, #tpu.memory_space<vmem_shared>>
        tpu.enqueue_dma source(%dma_start3A_1145 : memref<8x2048xf32, #tpu.memory_space<vmem_shared>>) target(%arg7 : memref<8x2048xf32, #tpu.memory_space<vmem>>) target_semaphore(%arg17 : memref<!tpu.dma_semaphore, #tpu.memory_space<semaphore_mem>>)
      } else {
      }
      %mul3A_1012 = arith.constant 4 : i32
      %mul3A_1013 = arith.muli %mul3A_1012, %scan3A_875 : i32
      %add3A_1014 = arith.constant 2 : i32
      %add3A_1015 = arith.addi %mul3A_1013, %add3A_1014 : i32
      %dma_wait3A_1016 = arith.constant 2 : i32
      %dma_wait3A_1017 = arith.constant 0 : i32
      %dma_wait3A_1018 = arith.constant 0 : i32
      %dma_wait3A_1019 = tpu.memref_slice %arg11[%arg1, %dma_wait3A_1016, %dma_wait3A_1017, %dma_wait3A_1018] : memref<16x4x8x2048xf32, #tpu.memory_space<vmem_shared>> -> memref<1x1x8x2048xf32, #tpu.memory_space<vmem_shared>>
      %dma_wait3A_1020 = tpu.memref_squeeze %dma_wait3A_1019 : memref<1x1x8x2048xf32, #tpu.memory_space<vmem_shared>> -> memref<8x2048xf32, #tpu.memory_space<vmem_shared>>
      %dma_wait3A_1021 = arith.constant 0 : i32
      %dma_wait3A_1022 = arith.constant 0 : i32
      %dma_wait3A_1023 = tpu.memref_slice %arg11[%arg1, %dma_wait3A_1016, %dma_wait3A_1021, %dma_wait3A_1022] : memref<16x4x8x2048xf32, #tpu.memory_space<vmem_shared>> -> memref<1x1x8x2048xf32, #tpu.memory_space<vmem_shared>>
      %dma_wait3A_1024 = tpu.memref_squeeze %dma_wait3A_1023 : memref<1x1x8x2048xf32, #tpu.memory_space<vmem_shared>> -> memref<8x2048xf32, #tpu.memory_space<vmem_shared>>
      tpu.wait_dma2 semaphore(%arg16 : memref<!tpu.dma_semaphore, #tpu.memory_space<semaphore_mem>>) src(%dma_wait3A_1024 : memref<8x2048xf32, #tpu.memory_space<vmem_shared>>) dst(%arg6 : memref<8x2048xf32, #tpu.memory_space<vmem>>)
      %add3A_1025 = arith.constant 4 : i32
      %add3A_1026 = arith.addi %add3A_1015, %add3A_1025 : i32
      %lt3A_1027 = arith.constant 56 : i32
      %lt3A_1028 = arith.cmpi slt, %add3A_1026, %lt3A_1027 : i32
      %convert_element_type3A_1029 = arith.extui %lt3A_1028 : i1 to i32
      %cond3A_1030 = arith.constant 0 : i32
      %cond3A_1031 = arith.cmpi ne, %convert_element_type3A_1029, %cond3A_1030 : i32
      scf.if %cond3A_1031 {
        %add3A_1126 = arith.constant 4 : i32
        %add3A_1127 = arith.addi %add3A_1015, %add3A_1126 : i32
        %mul3A_1128 = arith.constant 2048 : i32
        %mul3A_1129 = arith.muli %add3A_1127, %mul3A_1128 : i32
        %add3A_1130 = arith.addi %mul3A_34, %mul3A_1129 : i32
        %dma_start3A_1131 = arith.constant 2 : i32
        %dma_start3A_1132 = arith.constant 0 : i32
        %dma_start3A_1133 = arith.constant 0 : i32
        %dma_start3A_1134 = tpu.memref_slice %arg11[%arg1, %dma_start3A_1131, %dma_start3A_1132, %dma_start3A_1133] : memref<16x4x8x2048xf32, #tpu.memory_space<vmem_shared>> -> memref<1x1x8x2048xf32, #tpu.memory_space<vmem_shared>>
        %dma_start3A_1135 = tpu.memref_squeeze %dma_start3A_1134 : memref<1x1x8x2048xf32, #tpu.memory_space<vmem_shared>> -> memref<8x2048xf32, #tpu.memory_space<vmem_shared>>
        %dma_start3A_1136 = tpu.memref_slice %arg2[%mul3A_32, %add3A_1130] : memref<64x1000000xf32, #tpu.memory_space<hbm>> -> memref<8x2048xf32, #tpu.memory_space<hbm>>
        tpu.enqueue_dma source(%dma_start3A_1136 : memref<8x2048xf32, #tpu.memory_space<hbm>>) target(%dma_start3A_1135 : memref<8x2048xf32, #tpu.memory_space<vmem_shared>>) target_semaphore(%arg14 : memref<!tpu.dma_semaphore, #tpu.memory_space<semaphore_mem>>)
      } else {
      }
      %scan3A_1032 = arith.constant 0 : i32
      %scan3A_1033 = arith.constant 128 : i32
      %scan3A_1034 = arith.addi %scan3A_1032, %scan3A_1033 : i32
      %scan3A_1035 = arith.constant 1 : i32
      %scan3A_1036:16 = scf.for %scan3A_1126 = %scan3A_1032 to %scan3A_1034 step %scan3A_1035 iter_args(%scan3A_1127 = %scan3A_979#0, %scan3A_1128 = %scan3A_979#1, %scan3A_1129 = %scan3A_979#2, %scan3A_1130 = %scan3A_979#3, %scan3A_1131 = %scan3A_979#4, %scan3A_1132 = %scan3A_979#5, %scan3A_1133 = %scan3A_979#6, %scan3A_1134 = %scan3A_979#7, %scan3A_1135 = %scan3A_979#8, %scan3A_1136 = %scan3A_979#9, %scan3A_1137 = %scan3A_979#10, %scan3A_1138 = %scan3A_979#11, %scan3A_1139 = %scan3A_979#12, %scan3A_1140 = %scan3A_979#13, %scan3A_1141 = %scan3A_979#14, %scan3A_1142 = %scan3A_979#15) -> (vector<16xf32>, vector<16xf32>, vector<16xf32>, vector<16xf32>, vector<16xf32>, vector<16xf32>, vector<16xf32>, vector<16xf32>, vector<16xf32>, vector<16xf32>, vector<16xf32>, vector<16xf32>, vector<16xf32>, vector<16xf32>, vector<16xf32>, vector<16xf32>)  : i32 {
        %mul3A_1143 = arith.constant 16 : i32
        %mul3A_1144 = arith.muli %scan3A_1126, %mul3A_1143 : i32
        %get3A = arith.constant 0 : i32
        %get3A_1145 = arith.index_cast %get3A : i32 to index
        %get3A_1146 = arith.index_cast %mul3A_1144 : i32 to index
        %get3A_1147 = tpu.vector_load %arg6[%get3A_1145, %get3A_1146] {strides = array<i32>} : memref<8x2048xf32, #tpu.memory_space<vmem>>, vector<16xf32>,
        %exp3A = math.exp %get3A_1147 : vector<16xf32>
        %add3A_1148 = arith.addf %scan3A_1135, %exp3A : vector<16xf32>
        %max3A = arith.maximumf %scan3A_1127, %get3A_1147 : vector<16xf32>
        %mul3A_1149 = arith.constant 16 : i32
        %mul3A_1150 = arith.muli %scan3A_1126, %mul3A_1149 : i32
        %get3A_1151 = arith.constant 1 : i32
        %get3A_1152 = arith.index_cast %get3A_1151 : i32 to index
        %get3A_1153 = arith.index_cast %mul3A_1150 : i32 to index
        %get3A_1154 = tpu.vector_load %arg6[%get3A_1152, %get3A_1153] {strides = array<i32>} : memref<8x2048xf32, #tpu.memory_space<vmem>>, vector<16xf32>,
        %exp3A_1155 = math.exp %get3A_1154 : vector<16xf32>
        %add3A_1156 = arith.addf %scan3A_1136, %exp3A_1155 : vector<16xf32>
        %max3A_1157 = arith.maximumf %scan3A_1128, %get3A_1154 : vector<16xf32>
        %mul3A_1158 = arith.constant 16 : i32
        %mul3A_1159 = arith.muli %scan3A_1126, %mul3A_1158 : i32
        %get3A_1160 = arith.constant 2 : i32
        %get3A_1161 = arith.index_cast %get3A_1160 : i32 to index
        %get3A_1162 = arith.index_cast %mul3A_1159 : i32 to index
        %get3A_1163 = tpu.vector_load %arg6[%get3A_1161, %get3A_1162] {strides = array<i32>} : memref<8x2048xf32, #tpu.memory_space<vmem>>, vector<16xf32>,
        %exp3A_1164 = math.exp %get3A_1163 : vector<16xf32>
        %add3A_1165 = arith.addf %scan3A_1137, %exp3A_1164 : vector<16xf32>
        %max3A_1166 = arith.maximumf %scan3A_1129, %get3A_1163 : vector<16xf32>
        %mul3A_1167 = arith.constant 16 : i32
        %mul3A_1168 = arith.muli %scan3A_1126, %mul3A_1167 : i32
        %get3A_1169 = arith.constant 3 : i32
        %get3A_1170 = arith.index_cast %get3A_1169 : i32 to index
        %get3A_1171 = arith.index_cast %mul3A_1168 : i32 to index
        %get3A_1172 = tpu.vector_load %arg6[%get3A_1170, %get3A_1171] {strides = array<i32>} : memref<8x2048xf32, #tpu.memory_space<vmem>>, vector<16xf32>,
        %exp3A_1173 = math.exp %get3A_1172 : vector<16xf32>
        %add3A_1174 = arith.addf %scan3A_1138, %exp3A_1173 : vector<16xf32>
        %max3A_1175 = arith.maximumf %scan3A_1130, %get3A_1172 : vector<16xf32>
        %mul3A_1176 = arith.constant 16 : i32
        %mul3A_1177 = arith.muli %scan3A_1126, %mul3A_1176 : i32
        %get3A_1178 = arith.constant 4 : i32
        %get3A_1179 = arith.index_cast %get3A_1178 : i32 to index
        %get3A_1180 = arith.index_cast %mul3A_1177 : i32 to index
        %get3A_1181 = tpu.vector_load %arg6[%get3A_1179, %get3A_1180] {strides = array<i32>} : memref<8x2048xf32, #tpu.memory_space<vmem>>, vector<16xf32>,
        %exp3A_1182 = math.exp %get3A_1181 : vector<16xf32>
        %add3A_1183 = arith.addf %scan3A_1139, %exp3A_1182 : vector<16xf32>
        %max3A_1184 = arith.maximumf %scan3A_1131, %get3A_1181 : vector<16xf32>
        %mul3A_1185 = arith.constant 16 : i32
        %mul3A_1186 = arith.muli %scan3A_1126, %mul3A_1185 : i32
        %get3A_1187 = arith.constant 5 : i32
        %get3A_1188 = arith.index_cast %get3A_1187 : i32 to index
        %get3A_1189 = arith.index_cast %mul3A_1186 : i32 to index
        %get3A_1190 = tpu.vector_load %arg6[%get3A_1188, %get3A_1189] {strides = array<i32>} : memref<8x2048xf32, #tpu.memory_space<vmem>>, vector<16xf32>,
        %exp3A_1191 = math.exp %get3A_1190 : vector<16xf32>
        %add3A_1192 = arith.addf %scan3A_1140, %exp3A_1191 : vector<16xf32>
        %max3A_1193 = arith.maximumf %scan3A_1132, %get3A_1190 : vector<16xf32>
        %mul3A_1194 = arith.constant 16 : i32
        %mul3A_1195 = arith.muli %scan3A_1126, %mul3A_1194 : i32
        %get3A_1196 = arith.constant 6 : i32
        %get3A_1197 = arith.index_cast %get3A_1196 : i32 to index
        %get3A_1198 = arith.index_cast %mul3A_1195 : i32 to index
        %get3A_1199 = tpu.vector_load %arg6[%get3A_1197, %get3A_1198] {strides = array<i32>} : memref<8x2048xf32, #tpu.memory_space<vmem>>, vector<16xf32>,
        %exp3A_1200 = math.exp %get3A_1199 : vector<16xf32>
        %add3A_1201 = arith.addf %scan3A_1141, %exp3A_1200 : vector<16xf32>
        %max3A_1202 = arith.maximumf %scan3A_1133, %get3A_1199 : vector<16xf32>
        %mul3A_1203 = arith.constant 16 : i32
        %mul3A_1204 = arith.muli %scan3A_1126, %mul3A_1203 : i32
        %get3A_1205 = arith.constant 7 : i32
        %get3A_1206 = arith.index_cast %get3A_1205 : i32 to index
        %get3A_1207 = arith.index_cast %mul3A_1204 : i32 to index
        %get3A_1208 = tpu.vector_load %arg6[%get3A_1206, %get3A_1207] {strides = array<i32>} : memref<8x2048xf32, #tpu.memory_space<vmem>>, vector<16xf32>,
        %exp3A_1209 = math.exp %get3A_1208 : vector<16xf32>
        %add3A_1210 = arith.addf %scan3A_1142, %exp3A_1209 : vector<16xf32>
        %max3A_1211 = arith.maximumf %scan3A_1134, %get3A_1208 : vector<16xf32>
        scf.yield %max3A, %max3A_1157, %max3A_1166, %max3A_1175, %max3A_1184, %max3A_1193, %max3A_1202, %max3A_1211, %add3A_1148, %add3A_1156, %add3A_1165, %add3A_1174, %add3A_1183, %add3A_1192, %add3A_1201, %add3A_1210 : vector<16xf32>, vector<16xf32>, vector<16xf32>, vector<16xf32>, vector<16xf32>, vector<16xf32>, vector<16xf32>, vector<16xf32>, vector<16xf32>, vector<16xf32>, vector<16xf32>, vector<16xf32>, vector<16xf32>, vector<16xf32>, vector<16xf32>, vector<16xf32>
      }
      %scan3A_1037 = arith.constant 128 : i32
      %ne3A_1038 = arith.cmpf one, %scan3A_1036#0, %scan3A_979#0 : vector<16xf32>
      %broadcast_in_dim3A_1039 = vector.broadcast %add3A_1015 : i32 to vector<16xi32>
      %select_n3A_1040 = arith.select %ne3A_1038, %broadcast_in_dim3A_1039, %select_n3A_983 : vector<16xi1>, vector<16xi32>
      %ne3A_1041 = arith.cmpf one, %scan3A_1036#1, %scan3A_979#1 : vector<16xf32>
      %broadcast_in_dim3A_1042 = vector.broadcast %add3A_1015 : i32 to vector<16xi32>
      %select_n3A_1043 = arith.select %ne3A_1041, %broadcast_in_dim3A_1042, %select_n3A_986 : vector<16xi1>, vector<16xi32>
      %ne3A_1044 = arith.cmpf one, %scan3A_1036#2, %scan3A_979#2 : vector<16xf32>
      %broadcast_in_dim3A_1045 = vector.broadcast %add3A_1015 : i32 to vector<16xi32>
      %select_n3A_1046 = arith.select %ne3A_1044, %broadcast_in_dim3A_1045, %select_n3A_989 : vector<16xi1>, vector<16xi32>
      %ne3A_1047 = arith.cmpf one, %scan3A_1036#3, %scan3A_979#3 : vector<16xf32>
      %broadcast_in_dim3A_1048 = vector.broadcast %add3A_1015 : i32 to vector<16xi32>
      %select_n3A_1049 = arith.select %ne3A_1047, %broadcast_in_dim3A_1048, %select_n3A_992 : vector<16xi1>, vector<16xi32>
      %ne3A_1050 = arith.cmpf one, %scan3A_1036#4, %scan3A_979#4 : vector<16xf32>
      %broadcast_in_dim3A_1051 = vector.broadcast %add3A_1015 : i32 to vector<16xi32>
      %select_n3A_1052 = arith.select %ne3A_1050, %broadcast_in_dim3A_1051, %select_n3A_995 : vector<16xi1>, vector<16xi32>
      %ne3A_1053 = arith.cmpf one, %scan3A_1036#5, %scan3A_979#5 : vector<16xf32>
      %broadcast_in_dim3A_1054 = vector.broadcast %add3A_1015 : i32 to vector<16xi32>
      %select_n3A_1055 = arith.select %ne3A_1053, %broadcast_in_dim3A_1054, %select_n3A_998 : vector<16xi1>, vector<16xi32>
      %ne3A_1056 = arith.cmpf one, %scan3A_1036#6, %scan3A_979#6 : vector<16xf32>
      %broadcast_in_dim3A_1057 = vector.broadcast %add3A_1015 : i32 to vector<16xi32>
      %select_n3A_1058 = arith.select %ne3A_1056, %broadcast_in_dim3A_1057, %select_n3A_1001 : vector<16xi1>, vector<16xi32>
      %ne3A_1059 = arith.cmpf one, %scan3A_1036#7, %scan3A_979#7 : vector<16xf32>
      %broadcast_in_dim3A_1060 = vector.broadcast %add3A_1015 : i32 to vector<16xi32>
      %select_n3A_1061 = arith.select %ne3A_1059, %broadcast_in_dim3A_1060, %select_n3A_1004 : vector<16xi1>, vector<16xi32>
      %add3A_1062 = arith.constant 2 : i32
      %add3A_1063 = arith.addi %add3A_1015, %add3A_1062 : i32
      %lt3A_1064 = arith.constant 56 : i32
      %lt3A_1065 = arith.cmpi slt, %add3A_1063, %lt3A_1064 : i32
      %convert_element_type3A_1066 = arith.extui %lt3A_1065 : i1 to i32
      %cond3A_1067 = arith.constant 0 : i32
      %cond3A_1068 = arith.cmpi ne, %convert_element_type3A_1066, %cond3A_1067 : i32
      scf.if %cond3A_1068 {
        %add3A_1126 = arith.constant 2 : i32
        %add3A_1127 = arith.addi %add3A_1015, %add3A_1126 : i32
        %mul3A_1128 = arith.constant 2048 : i32
        %mul3A_1129 = arith.muli %add3A_1127, %mul3A_1128 : i32
        %add3A_1130 = arith.addi %mul3A_34, %mul3A_1129 : i32
        %dma_wait3A_1131 = arith.constant 0 : i32
        %dma_wait3A_1132 = arith.constant 0 : i32
        %dma_wait3A_1133 = arith.constant 0 : i32
        %dma_wait3A_1134 = tpu.memref_slice %arg11[%arg1, %dma_wait3A_1131, %dma_wait3A_1132, %dma_wait3A_1133] : memref<16x4x8x2048xf32, #tpu.memory_space<vmem_shared>> -> memref<1x1x8x2048xf32, #tpu.memory_space<vmem_shared>>
        %dma_wait3A_1135 = tpu.memref_squeeze %dma_wait3A_1134 : memref<1x1x8x2048xf32, #tpu.memory_space<vmem_shared>> -> memref<8x2048xf32, #tpu.memory_space<vmem_shared>>
        %dma_wait3A_1136 = tpu.memref_slice %arg2[%mul3A_32, %add3A_1130] : memref<64x1000000xf32, #tpu.memory_space<hbm>> -> memref<8x2048xf32, #tpu.memory_space<hbm>>
        tpu.wait_dma2 semaphore(%arg12 : memref<!tpu.dma_semaphore, #tpu.memory_space<semaphore_mem>>) src(%dma_wait3A_1136 : memref<8x2048xf32, #tpu.memory_space<hbm>>) dst(%dma_wait3A_1135 : memref<8x2048xf32, #tpu.memory_space<vmem_shared>>)
        %dma_start3A_1137 = arith.constant 0 : i32
        %dma_start3A_1138 = arith.constant 0 : i32
        %dma_start3A_1139 = arith.constant 0 : i32
        %dma_start3A_1140 = tpu.memref_slice %arg11[%arg1, %dma_start3A_1137, %dma_start3A_1138, %dma_start3A_1139] : memref<16x4x8x2048xf32, #tpu.memory_space<vmem_shared>> -> memref<1x1x8x2048xf32, #tpu.memory_space<vmem_shared>>
        %dma_start3A_1141 = tpu.memref_squeeze %dma_start3A_1140 : memref<1x1x8x2048xf32, #tpu.memory_space<vmem_shared>> -> memref<8x2048xf32, #tpu.memory_space<vmem_shared>>
        %dma_start3A_1142 = arith.constant 0 : i32
        %dma_start3A_1143 = arith.constant 0 : i32
        %dma_start3A_1144 = tpu.memref_slice %arg11[%arg1, %dma_start3A_1137, %dma_start3A_1142, %dma_start3A_1143] : memref<16x4x8x2048xf32, #tpu.memory_space<vmem_shared>> -> memref<1x1x8x2048xf32, #tpu.memory_space<vmem_shared>>
        %dma_start3A_1145 = tpu.memref_squeeze %dma_start3A_1144 : memref<1x1x8x2048xf32, #tpu.memory_space<vmem_shared>> -> memref<8x2048xf32, #tpu.memory_space<vmem_shared>>
        tpu.enqueue_dma source(%dma_start3A_1145 : memref<8x2048xf32, #tpu.memory_space<vmem_shared>>) target(%arg6 : memref<8x2048xf32, #tpu.memory_space<vmem>>) target_semaphore(%arg16 : memref<!tpu.dma_semaphore, #tpu.memory_space<semaphore_mem>>)
      } else {
      }
      %mul3A_1069 = arith.constant 4 : i32
      %mul3A_1070 = arith.muli %mul3A_1069, %scan3A_875 : i32
      %add3A_1071 = arith.constant 3 : i32
      %add3A_1072 = arith.addi %mul3A_1070, %add3A_1071 : i32
      %dma_wait3A_1073 = arith.constant 3 : i32
      %dma_wait3A_1074 = arith.constant 0 : i32
      %dma_wait3A_1075 = arith.constant 0 : i32
      %dma_wait3A_1076 = tpu.memref_slice %arg11[%arg1, %dma_wait3A_1073, %dma_wait3A_1074, %dma_wait3A_1075] : memref<16x4x8x2048xf32, #tpu.memory_space<vmem_shared>> -> memref<1x1x8x2048xf32, #tpu.memory_space<vmem_shared>>
      %dma_wait3A_1077 = tpu.memref_squeeze %dma_wait3A_1076 : memref<1x1x8x2048xf32, #tpu.memory_space<vmem_shared>> -> memref<8x2048xf32, #tpu.memory_space<vmem_shared>>
      %dma_wait3A_1078 = arith.constant 0 : i32
      %dma_wait3A_1079 = arith.constant 0 : i32
      %dma_wait3A_1080 = tpu.memref_slice %arg11[%arg1, %dma_wait3A_1073, %dma_wait3A_1078, %dma_wait3A_1079] : memref<16x4x8x2048xf32, #tpu.memory_space<vmem_shared>> -> memref<1x1x8x2048xf32, #tpu.memory_space<vmem_shared>>
      %dma_wait3A_1081 = tpu.memref_squeeze %dma_wait3A_1080 : memref<1x1x8x2048xf32, #tpu.memory_space<vmem_shared>> -> memref<8x2048xf32, #tpu.memory_space<vmem_shared>>
      tpu.wait_dma2 semaphore(%arg17 : memref<!tpu.dma_semaphore, #tpu.memory_space<semaphore_mem>>) src(%dma_wait3A_1081 : memref<8x2048xf32, #tpu.memory_space<vmem_shared>>) dst(%arg7 : memref<8x2048xf32, #tpu.memory_space<vmem>>)
      %add3A_1082 = arith.constant 4 : i32
      %add3A_1083 = arith.addi %add3A_1072, %add3A_1082 : i32
      %lt3A_1084 = arith.constant 56 : i32
      %lt3A_1085 = arith.cmpi slt, %add3A_1083, %lt3A_1084 : i32
      %convert_element_type3A_1086 = arith.extui %lt3A_1085 : i1 to i32
      %cond3A_1087 = arith.constant 0 : i32
      %cond3A_1088 = arith.cmpi ne, %convert_element_type3A_1086, %cond3A_1087 : i32
      scf.if %cond3A_1088 {
        %add3A_1126 = arith.constant 4 : i32
        %add3A_1127 = arith.addi %add3A_1072, %add3A_1126 : i32
        %mul3A_1128 = arith.constant 2048 : i32
        %mul3A_1129 = arith.muli %add3A_1127, %mul3A_1128 : i32
        %add3A_1130 = arith.addi %mul3A_34, %mul3A_1129 : i32
        %dma_start3A_1131 = arith.constant 3 : i32
        %dma_start3A_1132 = arith.constant 0 : i32
        %dma_start3A_1133 = arith.constant 0 : i32
        %dma_start3A_1134 = tpu.memref_slice %arg11[%arg1, %dma_start3A_1131, %dma_start3A_1132, %dma_start3A_1133] : memref<16x4x8x2048xf32, #tpu.memory_space<vmem_shared>> -> memref<1x1x8x2048xf32, #tpu.memory_space<vmem_shared>>
        %dma_start3A_1135 = tpu.memref_squeeze %dma_start3A_1134 : memref<1x1x8x2048xf32, #tpu.memory_space<vmem_shared>> -> memref<8x2048xf32, #tpu.memory_space<vmem_shared>>
        %dma_start3A_1136 = tpu.memref_slice %arg2[%mul3A_32, %add3A_1130] : memref<64x1000000xf32, #tpu.memory_space<hbm>> -> memref<8x2048xf32, #tpu.memory_space<hbm>>
        tpu.enqueue_dma source(%dma_start3A_1136 : memref<8x2048xf32, #tpu.memory_space<hbm>>) target(%dma_start3A_1135 : memref<8x2048xf32, #tpu.memory_space<vmem_shared>>) target_semaphore(%arg15 : memref<!tpu.dma_semaphore, #tpu.memory_space<semaphore_mem>>)
      } else {
      }
      %scan3A_1089 = arith.constant 0 : i32
      %scan3A_1090 = arith.constant 128 : i32
      %scan3A_1091 = arith.addi %scan3A_1089, %scan3A_1090 : i32
      %scan3A_1092 = arith.constant 1 : i32
      %scan3A_1093:16 = scf.for %scan3A_1126 = %scan3A_1089 to %scan3A_1091 step %scan3A_1092 iter_args(%scan3A_1127 = %scan3A_1036#0, %scan3A_1128 = %scan3A_1036#1, %scan3A_1129 = %scan3A_1036#2, %scan3A_1130 = %scan3A_1036#3, %scan3A_1131 = %scan3A_1036#4, %scan3A_1132 = %scan3A_1036#5, %scan3A_1133 = %scan3A_1036#6, %scan3A_1134 = %scan3A_1036#7, %scan3A_1135 = %scan3A_1036#8, %scan3A_1136 = %scan3A_1036#9, %scan3A_1137 = %scan3A_1036#10, %scan3A_1138 = %scan3A_1036#11, %scan3A_1139 = %scan3A_1036#12, %scan3A_1140 = %scan3A_1036#13, %scan3A_1141 = %scan3A_1036#14, %scan3A_1142 = %scan3A_1036#15) -> (vector<16xf32>, vector<16xf32>, vector<16xf32>, vector<16xf32>, vector<16xf32>, vector<16xf32>, vector<16xf32>, vector<16xf32>, vector<16xf32>, vector<16xf32>, vector<16xf32>, vector<16xf32>, vector<16xf32>, vector<16xf32>, vector<16xf32>, vector<16xf32>)  : i32 {
        %mul3A_1143 = arith.constant 16 : i32
        %mul3A_1144 = arith.muli %scan3A_1126, %mul3A_1143 : i32
        %get3A = arith.constant 0 : i32
        %get3A_1145 = arith.index_cast %get3A : i32 to index
        %get3A_1146 = arith.index_cast %mul3A_1144 : i32 to index
        %get3A_1147 = tpu.vector_load %arg7[%get3A_1145, %get3A_1146] {strides = array<i32>} : memref<8x2048xf32, #tpu.memory_space<vmem>>, vector<16xf32>,
        %exp3A = math.exp %get3A_1147 : vector<16xf32>
        %add3A_1148 = arith.addf %scan3A_1135, %exp3A : vector<16xf32>
        %max3A = arith.maximumf %scan3A_1127, %get3A_1147 : vector<16xf32>
        %mul3A_1149 = arith.constant 16 : i32
        %mul3A_1150 = arith.muli %scan3A_1126, %mul3A_1149 : i32
        %get3A_1151 = arith.constant 1 : i32
        %get3A_1152 = arith.index_cast %get3A_1151 : i32 to index
        %get3A_1153 = arith.index_cast %mul3A_1150 : i32 to index
        %get3A_1154 = tpu.vector_load %arg7[%get3A_1152, %get3A_1153] {strides = array<i32>} : memref<8x2048xf32, #tpu.memory_space<vmem>>, vector<16xf32>,
        %exp3A_1155 = math.exp %get3A_1154 : vector<16xf32>
        %add3A_1156 = arith.addf %scan3A_1136, %exp3A_1155 : vector<16xf32>
        %max3A_1157 = arith.maximumf %scan3A_1128, %get3A_1154 : vector<16xf32>
        %mul3A_1158 = arith.constant 16 : i32
        %mul3A_1159 = arith.muli %scan3A_1126, %mul3A_1158 : i32
        %get3A_1160 = arith.constant 2 : i32
        %get3A_1161 = arith.index_cast %get3A_1160 : i32 to index
        %get3A_1162 = arith.index_cast %mul3A_1159 : i32 to index
        %get3A_1163 = tpu.vector_load %arg7[%get3A_1161, %get3A_1162] {strides = array<i32>} : memref<8x2048xf32, #tpu.memory_space<vmem>>, vector<16xf32>,
        %exp3A_1164 = math.exp %get3A_1163 : vector<16xf32>
        %add3A_1165 = arith.addf %scan3A_1137, %exp3A_1164 : vector<16xf32>
        %max3A_1166 = arith.maximumf %scan3A_1129, %get3A_1163 : vector<16xf32>
        %mul3A_1167 = arith.constant 16 : i32
        %mul3A_1168 = arith.muli %scan3A_1126, %mul3A_1167 : i32
        %get3A_1169 = arith.constant 3 : i32
        %get3A_1170 = arith.index_cast %get3A_1169 : i32 to index
        %get3A_1171 = arith.index_cast %mul3A_1168 : i32 to index
        %get3A_1172 = tpu.vector_load %arg7[%get3A_1170, %get3A_1171] {strides = array<i32>} : memref<8x2048xf32, #tpu.memory_space<vmem>>, vector<16xf32>,
        %exp3A_1173 = math.exp %get3A_1172 : vector<16xf32>
        %add3A_1174 = arith.addf %scan3A_1138, %exp3A_1173 : vector<16xf32>
        %max3A_1175 = arith.maximumf %scan3A_1130, %get3A_1172 : vector<16xf32>
        %mul3A_1176 = arith.constant 16 : i32
        %mul3A_1177 = arith.muli %scan3A_1126, %mul3A_1176 : i32
        %get3A_1178 = arith.constant 4 : i32
        %get3A_1179 = arith.index_cast %get3A_1178 : i32 to index
        %get3A_1180 = arith.index_cast %mul3A_1177 : i32 to index
        %get3A_1181 = tpu.vector_load %arg7[%get3A_1179, %get3A_1180] {strides = array<i32>} : memref<8x2048xf32, #tpu.memory_space<vmem>>, vector<16xf32>,
        %exp3A_1182 = math.exp %get3A_1181 : vector<16xf32>
        %add3A_1183 = arith.addf %scan3A_1139, %exp3A_1182 : vector<16xf32>
        %max3A_1184 = arith.maximumf %scan3A_1131, %get3A_1181 : vector<16xf32>
        %mul3A_1185 = arith.constant 16 : i32
        %mul3A_1186 = arith.muli %scan3A_1126, %mul3A_1185 : i32
        %get3A_1187 = arith.constant 5 : i32
        %get3A_1188 = arith.index_cast %get3A_1187 : i32 to index
        %get3A_1189 = arith.index_cast %mul3A_1186 : i32 to index
        %get3A_1190 = tpu.vector_load %arg7[%get3A_1188, %get3A_1189] {strides = array<i32>} : memref<8x2048xf32, #tpu.memory_space<vmem>>, vector<16xf32>,
        %exp3A_1191 = math.exp %get3A_1190 : vector<16xf32>
        %add3A_1192 = arith.addf %scan3A_1140, %exp3A_1191 : vector<16xf32>
        %max3A_1193 = arith.maximumf %scan3A_1132, %get3A_1190 : vector<16xf32>
        %mul3A_1194 = arith.constant 16 : i32
        %mul3A_1195 = arith.muli %scan3A_1126, %mul3A_1194 : i32
        %get3A_1196 = arith.constant 6 : i32
        %get3A_1197 = arith.index_cast %get3A_1196 : i32 to index
        %get3A_1198 = arith.index_cast %mul3A_1195 : i32 to index
        %get3A_1199 = tpu.vector_load %arg7[%get3A_1197, %get3A_1198] {strides = array<i32>} : memref<8x2048xf32, #tpu.memory_space<vmem>>, vector<16xf32>,
        %exp3A_1200 = math.exp %get3A_1199 : vector<16xf32>
        %add3A_1201 = arith.addf %scan3A_1141, %exp3A_1200 : vector<16xf32>
        %max3A_1202 = arith.maximumf %scan3A_1133, %get3A_1199 : vector<16xf32>
        %mul3A_1203 = arith.constant 16 : i32
        %mul3A_1204 = arith.muli %scan3A_1126, %mul3A_1203 : i32
        %get3A_1205 = arith.constant 7 : i32
        %get3A_1206 = arith.index_cast %get3A_1205 : i32 to index
        %get3A_1207 = arith.index_cast %mul3A_1204 : i32 to index
        %get3A_1208 = tpu.vector_load %arg7[%get3A_1206, %get3A_1207] {strides = array<i32>} : memref<8x2048xf32, #tpu.memory_space<vmem>>, vector<16xf32>,
        %exp3A_1209 = math.exp %get3A_1208 : vector<16xf32>
        %add3A_1210 = arith.addf %scan3A_1142, %exp3A_1209 : vector<16xf32>
        %max3A_1211 = arith.maximumf %scan3A_1134, %get3A_1208 : vector<16xf32>
        scf.yield %max3A, %max3A_1157, %max3A_1166, %max3A_1175, %max3A_1184, %max3A_1193, %max3A_1202, %max3A_1211, %add3A_1148, %add3A_1156, %add3A_1165, %add3A_1174, %add3A_1183, %add3A_1192, %add3A_1201, %add3A_1210 : vector<16xf32>, vector<16xf32>, vector<16xf32>, vector<16xf32>, vector<16xf32>, vector<16xf32>, vector<16xf32>, vector<16xf32>, vector<16xf32>, vector<16xf32>, vector<16xf32>, vector<16xf32>, vector<16xf32>, vector<16xf32>, vector<16xf32>, vector<16xf32>
      }
      %scan3A_1094 = arith.constant 128 : i32
      %ne3A_1095 = arith.cmpf one, %scan3A_1093#0, %scan3A_1036#0 : vector<16xf32>
      %broadcast_in_dim3A_1096 = vector.broadcast %add3A_1072 : i32 to vector<16xi32>
      %select_n3A_1097 = arith.select %ne3A_1095, %broadcast_in_dim3A_1096, %select_n3A_1040 : vector<16xi1>, vector<16xi32>
      %ne3A_1098 = arith.cmpf one, %scan3A_1093#1, %scan3A_1036#1 : vector<16xf32>
      %broadcast_in_dim3A_1099 = vector.broadcast %add3A_1072 : i32 to vector<16xi32>
      %select_n3A_1100 = arith.select %ne3A_1098, %broadcast_in_dim3A_1099, %select_n3A_1043 : vector<16xi1>, vector<16xi32>
      %ne3A_1101 = arith.cmpf one, %scan3A_1093#2, %scan3A_1036#2 : vector<16xf32>
      %broadcast_in_dim3A_1102 = vector.broadcast %add3A_1072 : i32 to vector<16xi32>
      %select_n3A_1103 = arith.select %ne3A_1101, %broadcast_in_dim3A_1102, %select_n3A_1046 : vector<16xi1>, vector<16xi32>
      %ne3A_1104 = arith.cmpf one, %scan3A_1093#3, %scan3A_1036#3 : vector<16xf32>
      %broadcast_in_dim3A_1105 = vector.broadcast %add3A_1072 : i32 to vector<16xi32>
      %select_n3A_1106 = arith.select %ne3A_1104, %broadcast_in_dim3A_1105, %select_n3A_1049 : vector<16xi1>, vector<16xi32>
      %ne3A_1107 = arith.cmpf one, %scan3A_1093#4, %scan3A_1036#4 : vector<16xf32>
      %broadcast_in_dim3A_1108 = vector.broadcast %add3A_1072 : i32 to vector<16xi32>
      %select_n3A_1109 = arith.select %ne3A_1107, %broadcast_in_dim3A_1108, %select_n3A_1052 : vector<16xi1>, vector<16xi32>
      %ne3A_1110 = arith.cmpf one, %scan3A_1093#5, %scan3A_1036#5 : vector<16xf32>
      %broadcast_in_dim3A_1111 = vector.broadcast %add3A_1072 : i32 to vector<16xi32>
      %select_n3A_1112 = arith.select %ne3A_1110, %broadcast_in_dim3A_1111, %select_n3A_1055 : vector<16xi1>, vector<16xi32>
      %ne3A_1113 = arith.cmpf one, %scan3A_1093#6, %scan3A_1036#6 : vector<16xf32>
      %broadcast_in_dim3A_1114 = vector.broadcast %add3A_1072 : i32 to vector<16xi32>
      %select_n3A_1115 = arith.select %ne3A_1113, %broadcast_in_dim3A_1114, %select_n3A_1058 : vector<16xi1>, vector<16xi32>
      %ne3A_1116 = arith.cmpf one, %scan3A_1093#7, %scan3A_1036#7 : vector<16xf32>
      %broadcast_in_dim3A_1117 = vector.broadcast %add3A_1072 : i32 to vector<16xi32>
      %select_n3A_1118 = arith.select %ne3A_1116, %broadcast_in_dim3A_1117, %select_n3A_1061 : vector<16xi1>, vector<16xi32>
      %add3A_1119 = arith.constant 2 : i32
      %add3A_1120 = arith.addi %add3A_1072, %add3A_1119 : i32
      %lt3A_1121 = arith.constant 56 : i32
      %lt3A_1122 = arith.cmpi slt, %add3A_1120, %lt3A_1121 : i32
      %convert_element_type3A_1123 = arith.extui %lt3A_1122 : i1 to i32
      %cond3A_1124 = arith.constant 0 : i32
      %cond3A_1125 = arith.cmpi ne, %convert_element_type3A_1123, %cond3A_1124 : i32
      scf.if %cond3A_1125 {
        %add3A_1126 = arith.constant 2 : i32
        %add3A_1127 = arith.addi %add3A_1072, %add3A_1126 : i32
        %mul3A_1128 = arith.constant 2048 : i32
        %mul3A_1129 = arith.muli %add3A_1127, %mul3A_1128 : i32
        %add3A_1130 = arith.addi %mul3A_34, %mul3A_1129 : i32
        %dma_wait3A_1131 = arith.constant 1 : i32
        %dma_wait3A_1132 = arith.constant 0 : i32
        %dma_wait3A_1133 = arith.constant 0 : i32
        %dma_wait3A_1134 = tpu.memref_slice %arg11[%arg1, %dma_wait3A_1131, %dma_wait3A_1132, %dma_wait3A_1133] : memref<16x4x8x2048xf32, #tpu.memory_space<vmem_shared>> -> memref<1x1x8x2048xf32, #tpu.memory_space<vmem_shared>>
        %dma_wait3A_1135 = tpu.memref_squeeze %dma_wait3A_1134 : memref<1x1x8x2048xf32, #tpu.memory_space<vmem_shared>> -> memref<8x2048xf32, #tpu.memory_space<vmem_shared>>
        %dma_wait3A_1136 = tpu.memref_slice %arg2[%mul3A_32, %add3A_1130] : memref<64x1000000xf32, #tpu.memory_space<hbm>> -> memref<8x2048xf32, #tpu.memory_space<hbm>>
        tpu.wait_dma2 semaphore(%arg13 : memref<!tpu.dma_semaphore, #tpu.memory_space<semaphore_mem>>) src(%dma_wait3A_1136 : memref<8x2048xf32, #tpu.memory_space<hbm>>) dst(%dma_wait3A_1135 : memref<8x2048xf32, #tpu.memory_space<vmem_shared>>)
        %dma_start3A_1137 = arith.constant 1 : i32
        %dma_start3A_1138 = arith.constant 0 : i32
        %dma_start3A_1139 = arith.constant 0 : i32
        %dma_start3A_1140 = tpu.memref_slice %arg11[%arg1, %dma_start3A_1137, %dma_start3A_1138, %dma_start3A_1139] : memref<16x4x8x2048xf32, #tpu.memory_space<vmem_shared>> -> memref<1x1x8x2048xf32, #tpu.memory_space<vmem_shared>>
        %dma_start3A_1141 = tpu.memref_squeeze %dma_start3A_1140 : memref<1x1x8x2048xf32, #tpu.memory_space<vmem_shared>> -> memref<8x2048xf32, #tpu.memory_space<vmem_shared>>
        %dma_start3A_1142 = arith.constant 0 : i32
        %dma_start3A_1143 = arith.constant 0 : i32
        %dma_start3A_1144 = tpu.memref_slice %arg11[%arg1, %dma_start3A_1137, %dma_start3A_1142, %dma_start3A_1143] : memref<16x4x8x2048xf32, #tpu.memory_space<vmem_shared>> -> memref<1x1x8x2048xf32, #tpu.memory_space<vmem_shared>>
        %dma_start3A_1145 = tpu.memref_squeeze %dma_start3A_1144 : memref<1x1x8x2048xf32, #tpu.memory_space<vmem_shared>> -> memref<8x2048xf32, #tpu.memory_space<vmem_shared>>
        tpu.enqueue_dma source(%dma_start3A_1145 : memref<8x2048xf32, #tpu.memory_space<vmem_shared>>) target(%arg7 : memref<8x2048xf32, #tpu.memory_space<vmem>>) target_semaphore(%arg17 : memref<!tpu.dma_semaphore, #tpu.memory_space<semaphore_mem>>)
      } else {
      }
      scf.yield %scan3A_1093#0, %scan3A_1093#1, %scan3A_1093#2, %scan3A_1093#3, %scan3A_1093#4, %scan3A_1093#5, %scan3A_1093#6, %scan3A_1093#7, %scan3A_1093#8, %scan3A_1093#9, %scan3A_1093#10, %scan3A_1093#11, %scan3A_1093#12, %scan3A_1093#13, %scan3A_1093#14, %scan3A_1093#15, %select_n3A_1097, %select_n3A_1100, %select_n3A_1103, %select_n3A_1106, %select_n3A_1109, %select_n3A_1112, %select_n3A_1115, %select_n3A_1118 : vector<16xf32>, vector<16xf32>, vector<16xf32>, vector<16xf32>, vector<16xf32>, vector<16xf32>, vector<16xf32>, vector<16xf32>, vector<16xf32>, vector<16xf32>, vector<16xf32>, vector<16xf32>, vector<16xf32>, vector<16xf32>, vector<16xf32>, vector<16xf32>, vector<16xi32>, vector<16xi32>, vector<16xi32>, vector<16xi32>, vector<16xi32>, vector<16xi32>, vector<16xi32>, vector<16xi32>
    }
    %scan3A_150 = arith.constant 14 : i32
    %reduce_max3A = arith.constant true
    %reduce_max3A_151 = vector.broadcast %reduce_max3A : i1 to vector<16xi1>
    %reduce_max3A_152 = tpu.scan <max>, %scan3A_149#0 masked %reduce_max3A_151 : vector<16xf32>, vector<16xi1> -> vector<16xf32>
    %reduce_max3A_153 = vector.extract %reduce_max3A_152[15] : f32 from vector<16xf32>
    %reduce_max3A_154 = arith.constant true
    %reduce_max3A_155 = vector.broadcast %reduce_max3A_154 : i1 to vector<16xi1>
    %reduce_max3A_156 = tpu.scan <max>, %scan3A_149#1 masked %reduce_max3A_155 : vector<16xf32>, vector<16xi1> -> vector<16xf32>
    %reduce_max3A_157 = vector.extract %reduce_max3A_156[15] : f32 from vector<16xf32>
    %reduce_max3A_158 = arith.constant true
    %reduce_max3A_159 = vector.broadcast %reduce_max3A_158 : i1 to vector<16xi1>
    %reduce_max3A_160 = tpu.scan <max>, %scan3A_149#2 masked %reduce_max3A_159 : vector<16xf32>, vector<16xi1> -> vector<16xf32>
    %reduce_max3A_161 = vector.extract %reduce_max3A_160[15] : f32 from vector<16xf32>
    %reduce_max3A_162 = arith.constant true
    %reduce_max3A_163 = vector.broadcast %reduce_max3A_162 : i1 to vector<16xi1>
    %reduce_max3A_164 = tpu.scan <max>, %scan3A_149#3 masked %reduce_max3A_163 : vector<16xf32>, vector<16xi1> -> vector<16xf32>
    %reduce_max3A_165 = vector.extract %reduce_max3A_164[15] : f32 from vector<16xf32>
    %reduce_max3A_166 = arith.constant true
    %reduce_max3A_167 = vector.broadcast %reduce_max3A_166 : i1 to vector<16xi1>
    %reduce_max3A_168 = tpu.scan <max>, %scan3A_149#4 masked %reduce_max3A_167 : vector<16xf32>, vector<16xi1> -> vector<16xf32>
    %reduce_max3A_169 = vector.extract %reduce_max3A_168[15] : f32 from vector<16xf32>
    %reduce_max3A_170 = arith.constant true
    %reduce_max3A_171 = vector.broadcast %reduce_max3A_170 : i1 to vector<16xi1>
    %reduce_max3A_172 = tpu.scan <max>, %scan3A_149#5 masked %reduce_max3A_171 : vector<16xf32>, vector<16xi1> -> vector<16xf32>
    %reduce_max3A_173 = vector.extract %reduce_max3A_172[15] : f32 from vector<16xf32>
    %reduce_max3A_174 = arith.constant true
    %reduce_max3A_175 = vector.broadcast %reduce_max3A_174 : i1 to vector<16xi1>
    %reduce_max3A_176 = tpu.scan <max>, %scan3A_149#6 masked %reduce_max3A_175 : vector<16xf32>, vector<16xi1> -> vector<16xf32>
    %reduce_max3A_177 = vector.extract %reduce_max3A_176[15] : f32 from vector<16xf32>
    %reduce_max3A_178 = arith.constant true
    %reduce_max3A_179 = vector.broadcast %reduce_max3A_178 : i1 to vector<16xi1>
    %reduce_max3A_180 = tpu.scan <max>, %scan3A_149#7 masked %reduce_max3A_179 : vector<16xf32>, vector<16xi1> -> vector<16xf32>
    %reduce_max3A_181 = vector.extract %reduce_max3A_180[15] : f32 from vector<16xf32>
    %reduce_sum3A = arith.constant true
    %reduce_sum3A_182 = vector.broadcast %reduce_sum3A : i1 to vector<16xi1>
    %reduce_sum3A_183 = tpu.scan <sum>, %scan3A_149#8 masked %reduce_sum3A_182 : vector<16xf32>, vector<16xi1> -> vector<16xf32>
    %reduce_sum3A_184 = vector.extract %reduce_sum3A_183[15] : f32 from vector<16xf32>
    %reduce_sum3A_185 = arith.constant true
    %reduce_sum3A_186 = vector.broadcast %reduce_sum3A_185 : i1 to vector<16xi1>
    %reduce_sum3A_187 = tpu.scan <sum>, %scan3A_149#9 masked %reduce_sum3A_186 : vector<16xf32>, vector<16xi1> -> vector<16xf32>
    %reduce_sum3A_188 = vector.extract %reduce_sum3A_187[15] : f32 from vector<16xf32>
    %reduce_sum3A_189 = arith.constant true
    %reduce_sum3A_190 = vector.broadcast %reduce_sum3A_189 : i1 to vector<16xi1>
    %reduce_sum3A_191 = tpu.scan <sum>, %scan3A_149#10 masked %reduce_sum3A_190 : vector<16xf32>, vector<16xi1> -> vector<16xf32>
    %reduce_sum3A_192 = vector.extract %reduce_sum3A_191[15] : f32 from vector<16xf32>
    %reduce_sum3A_193 = arith.constant true
    %reduce_sum3A_194 = vector.broadcast %reduce_sum3A_193 : i1 to vector<16xi1>
    %reduce_sum3A_195 = tpu.scan <sum>, %scan3A_149#11 masked %reduce_sum3A_194 : vector<16xf32>, vector<16xi1> -> vector<16xf32>
    %reduce_sum3A_196 = vector.extract %reduce_sum3A_195[15] : f32 from vector<16xf32>
    %reduce_sum3A_197 = arith.constant true
    %reduce_sum3A_198 = vector.broadcast %reduce_sum3A_197 : i1 to vector<16xi1>
    %reduce_sum3A_199 = tpu.scan <sum>, %scan3A_149#12 masked %reduce_sum3A_198 : vector<16xf32>, vector<16xi1> -> vector<16xf32>
    %reduce_sum3A_200 = vector.extract %reduce_sum3A_199[15] : f32 from vector<16xf32>
    %reduce_sum3A_201 = arith.constant true
    %reduce_sum3A_202 = vector.broadcast %reduce_sum3A_201 : i1 to vector<16xi1>
    %reduce_sum3A_203 = tpu.scan <sum>, %scan3A_149#13 masked %reduce_sum3A_202 : vector<16xf32>, vector<16xi1> -> vector<16xf32>
    %reduce_sum3A_204 = vector.extract %reduce_sum3A_203[15] : f32 from vector<16xf32>
    %reduce_sum3A_205 = arith.constant true
    %reduce_sum3A_206 = vector.broadcast %reduce_sum3A_205 : i1 to vector<16xi1>
    %reduce_sum3A_207 = tpu.scan <sum>, %scan3A_149#14 masked %reduce_sum3A_206 : vector<16xf32>, vector<16xi1> -> vector<16xf32>
    %reduce_sum3A_208 = vector.extract %reduce_sum3A_207[15] : f32 from vector<16xf32>
    %reduce_sum3A_209 = arith.constant true
    %reduce_sum3A_210 = vector.broadcast %reduce_sum3A_209 : i1 to vector<16xi1>
    %reduce_sum3A_211 = tpu.scan <sum>, %scan3A_149#15 masked %reduce_sum3A_210 : vector<16xf32>, vector<16xi1> -> vector<16xf32>
    %reduce_sum3A_212 = vector.extract %reduce_sum3A_211[15] : f32 from vector<16xf32>
    %eq3A_213 = vector.broadcast %reduce_max3A_153 : f32 to vector<16xf32>
    %eq3A_214 = arith.cmpf oeq, %scan3A_149#0, %eq3A_213 : vector<16xf32>
    %jit3A_215 = arith.constant 2147483647 : i32
    %broadcast_in_dim3A_216 = vector.broadcast %jit3A_215 : i32 to vector<16xi32>
    %select_n3A_217 = arith.select %eq3A_214, %scan3A_149#16, %broadcast_in_dim3A_216 : vector<16xi1>, vector<16xi32>
    %reduce_min3A = arith.constant true
    %reduce_min3A_218 = vector.broadcast %reduce_min3A : i1 to vector<16xi1>
    %reduce_min3A_219 = arith.constant -2147483648 : i32
    %reduce_min3A_220 = vector.broadcast %reduce_min3A_219 : i32 to vector<16xi32>
    %reduce_min3A_221 = arith.xori %select_n3A_217, %reduce_min3A_220 : vector<16xi32>
    %reduce_min3A_222 = tpu.scan <min>, %reduce_min3A_221 masked %reduce_min3A_218 : vector<16xi32>, vector<16xi1> -> vector<16xi32>
    %reduce_min3A_223 = arith.xori %reduce_min3A_222, %reduce_min3A_220 : vector<16xi32>
    %reduce_min3A_224 = vector.extract %reduce_min3A_223[15] : i32 from vector<16xi32>
    %eq3A_225 = vector.broadcast %reduce_max3A_157 : f32 to vector<16xf32>
    %eq3A_226 = arith.cmpf oeq, %scan3A_149#1, %eq3A_225 : vector<16xf32>
    %jit3A_227 = arith.constant 2147483647 : i32
    %broadcast_in_dim3A_228 = vector.broadcast %jit3A_227 : i32 to vector<16xi32>
    %select_n3A_229 = arith.select %eq3A_226, %scan3A_149#17, %broadcast_in_dim3A_228 : vector<16xi1>, vector<16xi32>
    %reduce_min3A_230 = arith.constant true
    %reduce_min3A_231 = vector.broadcast %reduce_min3A_230 : i1 to vector<16xi1>
    %reduce_min3A_232 = arith.constant -2147483648 : i32
    %reduce_min3A_233 = vector.broadcast %reduce_min3A_232 : i32 to vector<16xi32>
    %reduce_min3A_234 = arith.xori %select_n3A_229, %reduce_min3A_233 : vector<16xi32>
    %reduce_min3A_235 = tpu.scan <min>, %reduce_min3A_234 masked %reduce_min3A_231 : vector<16xi32>, vector<16xi1> -> vector<16xi32>
    %reduce_min3A_236 = arith.xori %reduce_min3A_235, %reduce_min3A_233 : vector<16xi32>
    %reduce_min3A_237 = vector.extract %reduce_min3A_236[15] : i32 from vector<16xi32>
    %eq3A_238 = vector.broadcast %reduce_max3A_161 : f32 to vector<16xf32>
    %eq3A_239 = arith.cmpf oeq, %scan3A_149#2, %eq3A_238 : vector<16xf32>
    %jit3A_240 = arith.constant 2147483647 : i32
    %broadcast_in_dim3A_241 = vector.broadcast %jit3A_240 : i32 to vector<16xi32>
    %select_n3A_242 = arith.select %eq3A_239, %scan3A_149#18, %broadcast_in_dim3A_241 : vector<16xi1>, vector<16xi32>
    %reduce_min3A_243 = arith.constant true
    %reduce_min3A_244 = vector.broadcast %reduce_min3A_243 : i1 to vector<16xi1>
    %reduce_min3A_245 = arith.constant -2147483648 : i32
    %reduce_min3A_246 = vector.broadcast %reduce_min3A_245 : i32 to vector<16xi32>
    %reduce_min3A_247 = arith.xori %select_n3A_242, %reduce_min3A_246 : vector<16xi32>
    %reduce_min3A_248 = tpu.scan <min>, %reduce_min3A_247 masked %reduce_min3A_244 : vector<16xi32>, vector<16xi1> -> vector<16xi32>
    %reduce_min3A_249 = arith.xori %reduce_min3A_248, %reduce_min3A_246 : vector<16xi32>
    %reduce_min3A_250 = vector.extract %reduce_min3A_249[15] : i32 from vector<16xi32>
    %eq3A_251 = vector.broadcast %reduce_max3A_165 : f32 to vector<16xf32>
    %eq3A_252 = arith.cmpf oeq, %scan3A_149#3, %eq3A_251 : vector<16xf32>
    %jit3A_253 = arith.constant 2147483647 : i32
    %broadcast_in_dim3A_254 = vector.broadcast %jit3A_253 : i32 to vector<16xi32>
    %select_n3A_255 = arith.select %eq3A_252, %scan3A_149#19, %broadcast_in_dim3A_254 : vector<16xi1>, vector<16xi32>
    %reduce_min3A_256 = arith.constant true
    %reduce_min3A_257 = vector.broadcast %reduce_min3A_256 : i1 to vector<16xi1>
    %reduce_min3A_258 = arith.constant -2147483648 : i32
    %reduce_min3A_259 = vector.broadcast %reduce_min3A_258 : i32 to vector<16xi32>
    %reduce_min3A_260 = arith.xori %select_n3A_255, %reduce_min3A_259 : vector<16xi32>
    %reduce_min3A_261 = tpu.scan <min>, %reduce_min3A_260 masked %reduce_min3A_257 : vector<16xi32>, vector<16xi1> -> vector<16xi32>
    %reduce_min3A_262 = arith.xori %reduce_min3A_261, %reduce_min3A_259 : vector<16xi32>
    %reduce_min3A_263 = vector.extract %reduce_min3A_262[15] : i32 from vector<16xi32>
    %eq3A_264 = vector.broadcast %reduce_max3A_169 : f32 to vector<16xf32>
    %eq3A_265 = arith.cmpf oeq, %scan3A_149#4, %eq3A_264 : vector<16xf32>
    %jit3A_266 = arith.constant 2147483647 : i32
    %broadcast_in_dim3A_267 = vector.broadcast %jit3A_266 : i32 to vector<16xi32>
    %select_n3A_268 = arith.select %eq3A_265, %scan3A_149#20, %broadcast_in_dim3A_267 : vector<16xi1>, vector<16xi32>
    %reduce_min3A_269 = arith.constant true
    %reduce_min3A_270 = vector.broadcast %reduce_min3A_269 : i1 to vector<16xi1>
    %reduce_min3A_271 = arith.constant -2147483648 : i32
    %reduce_min3A_272 = vector.broadcast %reduce_min3A_271 : i32 to vector<16xi32>
    %reduce_min3A_273 = arith.xori %select_n3A_268, %reduce_min3A_272 : vector<16xi32>
    %reduce_min3A_274 = tpu.scan <min>, %reduce_min3A_273 masked %reduce_min3A_270 : vector<16xi32>, vector<16xi1> -> vector<16xi32>
    %reduce_min3A_275 = arith.xori %reduce_min3A_274, %reduce_min3A_272 : vector<16xi32>
    %reduce_min3A_276 = vector.extract %reduce_min3A_275[15] : i32 from vector<16xi32>
    %eq3A_277 = vector.broadcast %reduce_max3A_173 : f32 to vector<16xf32>
    %eq3A_278 = arith.cmpf oeq, %scan3A_149#5, %eq3A_277 : vector<16xf32>
    %jit3A_279 = arith.constant 2147483647 : i32
    %broadcast_in_dim3A_280 = vector.broadcast %jit3A_279 : i32 to vector<16xi32>
    %select_n3A_281 = arith.select %eq3A_278, %scan3A_149#21, %broadcast_in_dim3A_280 : vector<16xi1>, vector<16xi32>
    %reduce_min3A_282 = arith.constant true
    %reduce_min3A_283 = vector.broadcast %reduce_min3A_282 : i1 to vector<16xi1>
    %reduce_min3A_284 = arith.constant -2147483648 : i32
    %reduce_min3A_285 = vector.broadcast %reduce_min3A_284 : i32 to vector<16xi32>
    %reduce_min3A_286 = arith.xori %select_n3A_281, %reduce_min3A_285 : vector<16xi32>
    %reduce_min3A_287 = tpu.scan <min>, %reduce_min3A_286 masked %reduce_min3A_283 : vector<16xi32>, vector<16xi1> -> vector<16xi32>
    %reduce_min3A_288 = arith.xori %reduce_min3A_287, %reduce_min3A_285 : vector<16xi32>
    %reduce_min3A_289 = vector.extract %reduce_min3A_288[15] : i32 from vector<16xi32>
    %eq3A_290 = vector.broadcast %reduce_max3A_177 : f32 to vector<16xf32>
    %eq3A_291 = arith.cmpf oeq, %scan3A_149#6, %eq3A_290 : vector<16xf32>
    %jit3A_292 = arith.constant 2147483647 : i32
    %broadcast_in_dim3A_293 = vector.broadcast %jit3A_292 : i32 to vector<16xi32>
    %select_n3A_294 = arith.select %eq3A_291, %scan3A_149#22, %broadcast_in_dim3A_293 : vector<16xi1>, vector<16xi32>
    %reduce_min3A_295 = arith.constant true
    %reduce_min3A_296 = vector.broadcast %reduce_min3A_295 : i1 to vector<16xi1>
    %reduce_min3A_297 = arith.constant -2147483648 : i32
    %reduce_min3A_298 = vector.broadcast %reduce_min3A_297 : i32 to vector<16xi32>
    %reduce_min3A_299 = arith.xori %select_n3A_294, %reduce_min3A_298 : vector<16xi32>
    %reduce_min3A_300 = tpu.scan <min>, %reduce_min3A_299 masked %reduce_min3A_296 : vector<16xi32>, vector<16xi1> -> vector<16xi32>
    %reduce_min3A_301 = arith.xori %reduce_min3A_300, %reduce_min3A_298 : vector<16xi32>
    %reduce_min3A_302 = vector.extract %reduce_min3A_301[15] : i32 from vector<16xi32>
    %eq3A_303 = vector.broadcast %reduce_max3A_181 : f32 to vector<16xf32>
    %eq3A_304 = arith.cmpf oeq, %scan3A_149#7, %eq3A_303 : vector<16xf32>
    %jit3A_305 = arith.constant 2147483647 : i32
    %broadcast_in_dim3A_306 = vector.broadcast %jit3A_305 : i32 to vector<16xi32>
    %select_n3A_307 = arith.select %eq3A_304, %scan3A_149#23, %broadcast_in_dim3A_306 : vector<16xi1>, vector<16xi32>
    %reduce_min3A_308 = arith.constant true
    %reduce_min3A_309 = vector.broadcast %reduce_min3A_308 : i1 to vector<16xi1>
    %reduce_min3A_310 = arith.constant -2147483648 : i32
    %reduce_min3A_311 = vector.broadcast %reduce_min3A_310 : i32 to vector<16xi32>
    %reduce_min3A_312 = arith.xori %select_n3A_307, %reduce_min3A_311 : vector<16xi32>
    %reduce_min3A_313 = tpu.scan <min>, %reduce_min3A_312 masked %reduce_min3A_309 : vector<16xi32>, vector<16xi1> -> vector<16xi32>
    %reduce_min3A_314 = arith.xori %reduce_min3A_313, %reduce_min3A_311 : vector<16xi32>
    %reduce_min3A_315 = vector.extract %reduce_min3A_314[15] : i32 from vector<16xi32>
    %mul3A_316 = arith.constant 2048 : i32
    %mul3A_317 = arith.muli %reduce_min3A_224, %mul3A_316 : i32
    %add3A_318 = arith.addi %mul3A_34, %mul3A_317 : i32
    %dma_start3A_319 = arith.constant 0 : i32
    %dma_start3A_320 = arith.constant 0 : i32
    %dma_start3A_321 = arith.constant 0 : i32
    %dma_start3A_322 = tpu.memref_slice %arg11[%arg1, %dma_start3A_319, %dma_start3A_320, %dma_start3A_321] : memref<16x4x8x2048xf32, #tpu.memory_space<vmem_shared>> -> memref<1x1x8x2048xf32, #tpu.memory_space<vmem_shared>>
    %dma_start3A_323 = tpu.memref_squeeze %dma_start3A_322 : memref<1x1x8x2048xf32, #tpu.memory_space<vmem_shared>> -> memref<8x2048xf32, #tpu.memory_space<vmem_shared>>
    %dma_start3A_324 = tpu.memref_slice %arg2[%mul3A_32, %add3A_318] : memref<64x1000000xf32, #tpu.memory_space<hbm>> -> memref<8x2048xf32, #tpu.memory_space<hbm>>
    tpu.enqueue_dma source(%dma_start3A_324 : memref<8x2048xf32, #tpu.memory_space<hbm>>) target(%dma_start3A_323 : memref<8x2048xf32, #tpu.memory_space<vmem_shared>>) target_semaphore(%arg12 : memref<!tpu.dma_semaphore, #tpu.memory_space<semaphore_mem>>)
    %mul3A_325 = arith.constant 2048 : i32
    %mul3A_326 = arith.muli %reduce_min3A_237, %mul3A_325 : i32
    %add3A_327 = arith.addi %mul3A_34, %mul3A_326 : i32
    %dma_start3A_328 = arith.constant 1 : i32
    %dma_start3A_329 = arith.constant 0 : i32
    %dma_start3A_330 = arith.constant 0 : i32
    %dma_start3A_331 = tpu.memref_slice %arg11[%arg1, %dma_start3A_328, %dma_start3A_329, %dma_start3A_330] : memref<16x4x8x2048xf32, #tpu.memory_space<vmem_shared>> -> memref<1x1x8x2048xf32, #tpu.memory_space<vmem_shared>>
    %dma_start3A_332 = tpu.memref_squeeze %dma_start3A_331 : memref<1x1x8x2048xf32, #tpu.memory_space<vmem_shared>> -> memref<8x2048xf32, #tpu.memory_space<vmem_shared>>
    %dma_start3A_333 = tpu.memref_slice %arg2[%mul3A_32, %add3A_327] : memref<64x1000000xf32, #tpu.memory_space<hbm>> -> memref<8x2048xf32, #tpu.memory_space<hbm>>
    tpu.enqueue_dma source(%dma_start3A_333 : memref<8x2048xf32, #tpu.memory_space<hbm>>) target(%dma_start3A_332 : memref<8x2048xf32, #tpu.memory_space<vmem_shared>>) target_semaphore(%arg13 : memref<!tpu.dma_semaphore, #tpu.memory_space<semaphore_mem>>)
    %mul3A_334 = arith.constant 2048 : i32
    %mul3A_335 = arith.muli %reduce_min3A_250, %mul3A_334 : i32
    %add3A_336 = arith.addi %mul3A_34, %mul3A_335 : i32
    %dma_start3A_337 = arith.constant 2 : i32
    %dma_start3A_338 = arith.constant 0 : i32
    %dma_start3A_339 = arith.constant 0 : i32
    %dma_start3A_340 = tpu.memref_slice %arg11[%arg1, %dma_start3A_337, %dma_start3A_338, %dma_start3A_339] : memref<16x4x8x2048xf32, #tpu.memory_space<vmem_shared>> -> memref<1x1x8x2048xf32, #tpu.memory_space<vmem_shared>>
    %dma_start3A_341 = tpu.memref_squeeze %dma_start3A_340 : memref<1x1x8x2048xf32, #tpu.memory_space<vmem_shared>> -> memref<8x2048xf32, #tpu.memory_space<vmem_shared>>
    %dma_start3A_342 = tpu.memref_slice %arg2[%mul3A_32, %add3A_336] : memref<64x1000000xf32, #tpu.memory_space<hbm>> -> memref<8x2048xf32, #tpu.memory_space<hbm>>
    tpu.enqueue_dma source(%dma_start3A_342 : memref<8x2048xf32, #tpu.memory_space<hbm>>) target(%dma_start3A_341 : memref<8x2048xf32, #tpu.memory_space<vmem_shared>>) target_semaphore(%arg14 : memref<!tpu.dma_semaphore, #tpu.memory_space<semaphore_mem>>)
    %mul3A_343 = arith.constant 2048 : i32
    %mul3A_344 = arith.muli %reduce_min3A_263, %mul3A_343 : i32
    %add3A_345 = arith.addi %mul3A_34, %mul3A_344 : i32
    %dma_start3A_346 = arith.constant 3 : i32
    %dma_start3A_347 = arith.constant 0 : i32
    %dma_start3A_348 = arith.constant 0 : i32
    %dma_start3A_349 = tpu.memref_slice %arg11[%arg1, %dma_start3A_346, %dma_start3A_347, %dma_start3A_348] : memref<16x4x8x2048xf32, #tpu.memory_space<vmem_shared>> -> memref<1x1x8x2048xf32, #tpu.memory_space<vmem_shared>>
    %dma_start3A_350 = tpu.memref_squeeze %dma_start3A_349 : memref<1x1x8x2048xf32, #tpu.memory_space<vmem_shared>> -> memref<8x2048xf32, #tpu.memory_space<vmem_shared>>
    %dma_start3A_351 = tpu.memref_slice %arg2[%mul3A_32, %add3A_345] : memref<64x1000000xf32, #tpu.memory_space<hbm>> -> memref<8x2048xf32, #tpu.memory_space<hbm>>
    tpu.enqueue_dma source(%dma_start3A_351 : memref<8x2048xf32, #tpu.memory_space<hbm>>) target(%dma_start3A_350 : memref<8x2048xf32, #tpu.memory_space<vmem_shared>>) target_semaphore(%arg15 : memref<!tpu.dma_semaphore, #tpu.memory_space<semaphore_mem>>)
    %mul3A_352 = arith.constant 2048 : i32
    %mul3A_353 = arith.muli %reduce_min3A_224, %mul3A_352 : i32
    %add3A_354 = arith.addi %mul3A_34, %mul3A_353 : i32
    %dma_wait3A_355 = arith.constant 0 : i32
    %dma_wait3A_356 = arith.constant 0 : i32
    %dma_wait3A_357 = arith.constant 0 : i32
    %dma_wait3A_358 = tpu.memref_slice %arg11[%arg1, %dma_wait3A_355, %dma_wait3A_356, %dma_wait3A_357] : memref<16x4x8x2048xf32, #tpu.memory_space<vmem_shared>> -> memref<1x1x8x2048xf32, #tpu.memory_space<vmem_shared>>
    %dma_wait3A_359 = tpu.memref_squeeze %dma_wait3A_358 : memref<1x1x8x2048xf32, #tpu.memory_space<vmem_shared>> -> memref<8x2048xf32, #tpu.memory_space<vmem_shared>>
    %dma_wait3A_360 = tpu.memref_slice %arg2[%mul3A_32, %add3A_354] : memref<64x1000000xf32, #tpu.memory_space<hbm>> -> memref<8x2048xf32, #tpu.memory_space<hbm>>
    tpu.wait_dma2 semaphore(%arg12 : memref<!tpu.dma_semaphore, #tpu.memory_space<semaphore_mem>>) src(%dma_wait3A_360 : memref<8x2048xf32, #tpu.memory_space<hbm>>) dst(%dma_wait3A_359 : memref<8x2048xf32, #tpu.memory_space<vmem_shared>>)
    %dma_start3A_361 = arith.constant 0 : i32
    %dma_start3A_362 = arith.constant 0 : i32
    %dma_start3A_363 = arith.constant 0 : i32
    %dma_start3A_364 = tpu.memref_slice %arg11[%arg1, %dma_start3A_361, %dma_start3A_362, %dma_start3A_363] : memref<16x4x8x2048xf32, #tpu.memory_space<vmem_shared>> -> memref<1x1x8x2048xf32, #tpu.memory_space<vmem_shared>>
    %dma_start3A_365 = tpu.memref_squeeze %dma_start3A_364 : memref<1x1x8x2048xf32, #tpu.memory_space<vmem_shared>> -> memref<8x2048xf32, #tpu.memory_space<vmem_shared>>
    %dma_start3A_366 = arith.constant 0 : i32
    %dma_start3A_367 = arith.constant 0 : i32
    %dma_start3A_368 = tpu.memref_slice %arg11[%arg1, %dma_start3A_361, %dma_start3A_366, %dma_start3A_367] : memref<16x4x8x2048xf32, #tpu.memory_space<vmem_shared>> -> memref<1x1x8x2048xf32, #tpu.memory_space<vmem_shared>>
    %dma_start3A_369 = tpu.memref_squeeze %dma_start3A_368 : memref<1x1x8x2048xf32, #tpu.memory_space<vmem_shared>> -> memref<8x2048xf32, #tpu.memory_space<vmem_shared>>
    tpu.enqueue_dma source(%dma_start3A_369 : memref<8x2048xf32, #tpu.memory_space<vmem_shared>>) target(%arg6 : memref<8x2048xf32, #tpu.memory_space<vmem>>) target_semaphore(%arg16 : memref<!tpu.dma_semaphore, #tpu.memory_space<semaphore_mem>>)
    %mul3A_370 = arith.constant 2048 : i32
    %mul3A_371 = arith.muli %reduce_min3A_237, %mul3A_370 : i32
    %add3A_372 = arith.addi %mul3A_34, %mul3A_371 : i32
    %dma_wait3A_373 = arith.constant 1 : i32
    %dma_wait3A_374 = arith.constant 0 : i32
    %dma_wait3A_375 = arith.constant 0 : i32
    %dma_wait3A_376 = tpu.memref_slice %arg11[%arg1, %dma_wait3A_373, %dma_wait3A_374, %dma_wait3A_375] : memref<16x4x8x2048xf32, #tpu.memory_space<vmem_shared>> -> memref<1x1x8x2048xf32, #tpu.memory_space<vmem_shared>>
    %dma_wait3A_377 = tpu.memref_squeeze %dma_wait3A_376 : memref<1x1x8x2048xf32, #tpu.memory_space<vmem_shared>> -> memref<8x2048xf32, #tpu.memory_space<vmem_shared>>
    %dma_wait3A_378 = tpu.memref_slice %arg2[%mul3A_32, %add3A_372] : memref<64x1000000xf32, #tpu.memory_space<hbm>> -> memref<8x2048xf32, #tpu.memory_space<hbm>>
    tpu.wait_dma2 semaphore(%arg13 : memref<!tpu.dma_semaphore, #tpu.memory_space<semaphore_mem>>) src(%dma_wait3A_378 : memref<8x2048xf32, #tpu.memory_space<hbm>>) dst(%dma_wait3A_377 : memref<8x2048xf32, #tpu.memory_space<vmem_shared>>)
    %dma_start3A_379 = arith.constant 1 : i32
    %dma_start3A_380 = arith.constant 0 : i32
    %dma_start3A_381 = arith.constant 0 : i32
    %dma_start3A_382 = tpu.memref_slice %arg11[%arg1, %dma_start3A_379, %dma_start3A_380, %dma_start3A_381] : memref<16x4x8x2048xf32, #tpu.memory_space<vmem_shared>> -> memref<1x1x8x2048xf32, #tpu.memory_space<vmem_shared>>
    %dma_start3A_383 = tpu.memref_squeeze %dma_start3A_382 : memref<1x1x8x2048xf32, #tpu.memory_space<vmem_shared>> -> memref<8x2048xf32, #tpu.memory_space<vmem_shared>>
    %dma_start3A_384 = arith.constant 0 : i32
    %dma_start3A_385 = arith.constant 0 : i32
    %dma_start3A_386 = tpu.memref_slice %arg11[%arg1, %dma_start3A_379, %dma_start3A_384, %dma_start3A_385] : memref<16x4x8x2048xf32, #tpu.memory_space<vmem_shared>> -> memref<1x1x8x2048xf32, #tpu.memory_space<vmem_shared>>
    %dma_start3A_387 = tpu.memref_squeeze %dma_start3A_386 : memref<1x1x8x2048xf32, #tpu.memory_space<vmem_shared>> -> memref<8x2048xf32, #tpu.memory_space<vmem_shared>>
    tpu.enqueue_dma source(%dma_start3A_387 : memref<8x2048xf32, #tpu.memory_space<vmem_shared>>) target(%arg7 : memref<8x2048xf32, #tpu.memory_space<vmem>>) target_semaphore(%arg17 : memref<!tpu.dma_semaphore, #tpu.memory_space<semaphore_mem>>)
    %dma_wait3A_388 = arith.constant 0 : i32
    %dma_wait3A_389 = arith.constant 0 : i32
    %dma_wait3A_390 = arith.constant 0 : i32
    %dma_wait3A_391 = tpu.memref_slice %arg11[%arg1, %dma_wait3A_388, %dma_wait3A_389, %dma_wait3A_390] : memref<16x4x8x2048xf32, #tpu.memory_space<vmem_shared>> -> memref<1x1x8x2048xf32, #tpu.memory_space<vmem_shared>>
    %dma_wait3A_392 = tpu.memref_squeeze %dma_wait3A_391 : memref<1x1x8x2048xf32, #tpu.memory_space<vmem_shared>> -> memref<8x2048xf32, #tpu.memory_space<vmem_shared>>
    %dma_wait3A_393 = arith.constant 0 : i32
    %dma_wait3A_394 = arith.constant 0 : i32
    %dma_wait3A_395 = tpu.memref_slice %arg11[%arg1, %dma_wait3A_388, %dma_wait3A_393, %dma_wait3A_394] : memref<16x4x8x2048xf32, #tpu.memory_space<vmem_shared>> -> memref<1x1x8x2048xf32, #tpu.memory_space<vmem_shared>>
    %dma_wait3A_396 = tpu.memref_squeeze %dma_wait3A_395 : memref<1x1x8x2048xf32, #tpu.memory_space<vmem_shared>> -> memref<8x2048xf32, #tpu.memory_space<vmem_shared>>
    tpu.wait_dma2 semaphore(%arg16 : memref<!tpu.dma_semaphore, #tpu.memory_space<semaphore_mem>>) src(%dma_wait3A_396 : memref<8x2048xf32, #tpu.memory_space<vmem_shared>>) dst(%arg6 : memref<8x2048xf32, #tpu.memory_space<vmem>>)
    %mul3A_397 = arith.constant 2048 : i32
    %mul3A_398 = arith.muli %reduce_min3A_276, %mul3A_397 : i32
    %add3A_399 = arith.addi %mul3A_34, %mul3A_398 : i32
    %dma_start3A_400 = arith.constant 0 : i32
    %dma_start3A_401 = arith.constant 0 : i32
    %dma_start3A_402 = arith.constant 0 : i32
    %dma_start3A_403 = tpu.memref_slice %arg11[%arg1, %dma_start3A_400, %dma_start3A_401, %dma_start3A_402] : memref<16x4x8x2048xf32, #tpu.memory_space<vmem_shared>> -> memref<1x1x8x2048xf32, #tpu.memory_space<vmem_shared>>
    %dma_start3A_404 = tpu.memref_squeeze %dma_start3A_403 : memref<1x1x8x2048xf32, #tpu.memory_space<vmem_shared>> -> memref<8x2048xf32, #tpu.memory_space<vmem_shared>>
    %dma_start3A_405 = tpu.memref_slice %arg2[%mul3A_32, %add3A_399] : memref<64x1000000xf32, #tpu.memory_space<hbm>> -> memref<8x2048xf32, #tpu.memory_space<hbm>>
    tpu.enqueue_dma source(%dma_start3A_405 : memref<8x2048xf32, #tpu.memory_space<hbm>>) target(%dma_start3A_404 : memref<8x2048xf32, #tpu.memory_space<vmem_shared>>) target_semaphore(%arg12 : memref<!tpu.dma_semaphore, #tpu.memory_space<semaphore_mem>>)
    %mul3A_406 = arith.constant 2048 : i32
    %mul3A_407 = arith.muli %reduce_min3A_224, %mul3A_406 : i32
    %add3A_408 = arith.addi %mul3A_34, %mul3A_407 : i32
    %broadcast_in_dim3A_409 = arith.constant 2147483647 : i32
    %broadcast_in_dim3A_410 = vector.broadcast %broadcast_in_dim3A_409 : i32 to vector<16xi32>
    %scan3A_411 = arith.constant 0 : i32
    %scan3A_412 = arith.constant 128 : i32
    %scan3A_413 = arith.addi %scan3A_411, %scan3A_412 : i32
    %scan3A_414 = arith.constant 1 : i32
    %scan3A_415 = scf.for %scan3A_875 = %scan3A_411 to %scan3A_413 step %scan3A_414 iter_args(%scan3A_876 = %broadcast_in_dim3A_410) -> (vector<16xi32>)  : i32 {
      %mul3A_877 = arith.constant 16 : i32
      %mul3A_878 = arith.muli %scan3A_875, %mul3A_877 : i32
      %get3A = arith.constant 0 : i32
      %get3A_879 = arith.index_cast %get3A : i32 to index
      %get3A_880 = arith.index_cast %mul3A_878 : i32 to index
      %get3A_881 = tpu.vector_load %arg6[%get3A_879, %get3A_880] {strides = array<i32>} : memref<8x2048xf32, #tpu.memory_space<vmem>>, vector<16xf32>,
      %mul3A_882 = arith.constant 16 : i32
      %mul3A_883 = arith.muli %scan3A_875, %mul3A_882 : i32
      %add3A_884 = arith.addi %add3A_408, %mul3A_883 : i32
      %add3A_885 = vector.broadcast %add3A_884 : i32 to vector<16xi32>
      %add3A_886 = arith.addi %add3A_885, %iota3A : vector<16xi32>
      %eq3A_887 = vector.broadcast %reduce_max3A_153 : f32 to vector<16xf32>
      %eq3A_888 = arith.cmpf oeq, %get3A_881, %eq3A_887 : vector<16xf32>
      %jit3A_889 = arith.constant 2147483647 : i32
      %broadcast_in_dim3A_890 = vector.broadcast %jit3A_889 : i32 to vector<16xi32>
      %select_n3A_891 = arith.select %eq3A_888, %add3A_886, %broadcast_in_dim3A_890 : vector<16xi1>, vector<16xi32>
      %min3A = arith.minsi %scan3A_876, %select_n3A_891 : vector<16xi32>
      scf.yield %min3A : vector<16xi32>
    }
    %scan3A_416 = arith.constant 128 : i32
    %reduce_min3A_417 = arith.constant true
    %reduce_min3A_418 = vector.broadcast %reduce_min3A_417 : i1 to vector<16xi1>
    %reduce_min3A_419 = arith.constant -2147483648 : i32
    %reduce_min3A_420 = vector.broadcast %reduce_min3A_419 : i32 to vector<16xi32>
    %reduce_min3A_421 = arith.xori %scan3A_415, %reduce_min3A_420 : vector<16xi32>
    %reduce_min3A_422 = tpu.scan <min>, %reduce_min3A_421 masked %reduce_min3A_418 : vector<16xi32>, vector<16xi1> -> vector<16xi32>
    %reduce_min3A_423 = arith.xori %reduce_min3A_422, %reduce_min3A_420 : vector<16xi32>
    %reduce_min3A_424 = vector.extract %reduce_min3A_423[15] : i32 from vector<16xi32>
    %mul3A_425 = arith.constant 2048 : i32
    %mul3A_426 = arith.muli %reduce_min3A_250, %mul3A_425 : i32
    %add3A_427 = arith.addi %mul3A_34, %mul3A_426 : i32
    %dma_wait3A_428 = arith.constant 2 : i32
    %dma_wait3A_429 = arith.constant 0 : i32
    %dma_wait3A_430 = arith.constant 0 : i32
    %dma_wait3A_431 = tpu.memref_slice %arg11[%arg1, %dma_wait3A_428, %dma_wait3A_429, %dma_wait3A_430] : memref<16x4x8x2048xf32, #tpu.memory_space<vmem_shared>> -> memref<1x1x8x2048xf32, #tpu.memory_space<vmem_shared>>
    %dma_wait3A_432 = tpu.memref_squeeze %dma_wait3A_431 : memref<1x1x8x2048xf32, #tpu.memory_space<vmem_shared>> -> memref<8x2048xf32, #tpu.memory_space<vmem_shared>>
    %dma_wait3A_433 = tpu.memref_slice %arg2[%mul3A_32, %add3A_427] : memref<64x1000000xf32, #tpu.memory_space<hbm>> -> memref<8x2048xf32, #tpu.memory_space<hbm>>
    tpu.wait_dma2 semaphore(%arg14 : memref<!tpu.dma_semaphore, #tpu.memory_space<semaphore_mem>>) src(%dma_wait3A_433 : memref<8x2048xf32, #tpu.memory_space<hbm>>) dst(%dma_wait3A_432 : memref<8x2048xf32, #tpu.memory_space<vmem_shared>>)
    %dma_start3A_434 = arith.constant 2 : i32
    %dma_start3A_435 = arith.constant 0 : i32
    %dma_start3A_436 = arith.constant 0 : i32
    %dma_start3A_437 = tpu.memref_slice %arg11[%arg1, %dma_start3A_434, %dma_start3A_435, %dma_start3A_436] : memref<16x4x8x2048xf32, #tpu.memory_space<vmem_shared>> -> memref<1x1x8x2048xf32, #tpu.memory_space<vmem_shared>>
    %dma_start3A_438 = tpu.memref_squeeze %dma_start3A_437 : memref<1x1x8x2048xf32, #tpu.memory_space<vmem_shared>> -> memref<8x2048xf32, #tpu.memory_space<vmem_shared>>
    %dma_start3A_439 = arith.constant 0 : i32
    %dma_start3A_440 = arith.constant 0 : i32
    %dma_start3A_441 = tpu.memref_slice %arg11[%arg1, %dma_start3A_434, %dma_start3A_439, %dma_start3A_440] : memref<16x4x8x2048xf32, #tpu.memory_space<vmem_shared>> -> memref<1x1x8x2048xf32, #tpu.memory_space<vmem_shared>>
    %dma_start3A_442 = tpu.memref_squeeze %dma_start3A_441 : memref<1x1x8x2048xf32, #tpu.memory_space<vmem_shared>> -> memref<8x2048xf32, #tpu.memory_space<vmem_shared>>
    tpu.enqueue_dma source(%dma_start3A_442 : memref<8x2048xf32, #tpu.memory_space<vmem_shared>>) target(%arg6 : memref<8x2048xf32, #tpu.memory_space<vmem>>) target_semaphore(%arg16 : memref<!tpu.dma_semaphore, #tpu.memory_space<semaphore_mem>>)
    %broadcast_in_dim3A_443 = vector.broadcast %reduce_max3A_153 : f32 to vector<16xf32>
    %swap3A = arith.constant 0 : i32
    %swap3A_444 = arith.index_cast %swap3A : i32 to index
    %swap3A_445 = arith.constant 0 : index
    %swap3A_446 = tpu.vector_load %arg8[%swap3A_444, %swap3A_445] {strides = array<i32>} : memref<8x128xf32, #tpu.memory_space<vmem>>, vector<16xf32>,
    tpu.vector_store %arg8[%swap3A_444, %swap3A_445], %broadcast_in_dim3A_443 {strides = array<i32>} : memref<8x128xf32, #tpu.memory_space<vmem>>, vector<16xf32>,
    %broadcast_in_dim3A_447 = vector.broadcast %reduce_sum3A_184 : f32 to vector<16xf32>
    %swap3A_448 = arith.constant 0 : i32
    %swap3A_449 = arith.index_cast %swap3A_448 : i32 to index
    %swap3A_450 = arith.constant 0 : index
    %swap3A_451 = tpu.vector_load %arg9[%swap3A_449, %swap3A_450] {strides = array<i32>} : memref<8x128xf32, #tpu.memory_space<vmem>>, vector<16xf32>,
    tpu.vector_store %arg9[%swap3A_449, %swap3A_450], %broadcast_in_dim3A_447 {strides = array<i32>} : memref<8x128xf32, #tpu.memory_space<vmem>>, vector<16xf32>,
    %broadcast_in_dim3A_452 = vector.broadcast %reduce_min3A_424 : i32 to vector<16xi32>
    %swap3A_453 = arith.constant 0 : i32
    %swap3A_454 = arith.index_cast %swap3A_453 : i32 to index
    %swap3A_455 = arith.constant 0 : index
    %swap3A_456 = tpu.vector_load %arg10[%swap3A_454, %swap3A_455] {strides = array<i32>} : memref<8x128xi32, #tpu.memory_space<vmem>>, vector<16xi32>,
    tpu.vector_store %arg10[%swap3A_454, %swap3A_455], %broadcast_in_dim3A_452 {strides = array<i32>} : memref<8x128xi32, #tpu.memory_space<vmem>>, vector<16xi32>,
    %dma_wait3A_457 = arith.constant 1 : i32
    %dma_wait3A_458 = arith.constant 0 : i32
    %dma_wait3A_459 = arith.constant 0 : i32
    %dma_wait3A_460 = tpu.memref_slice %arg11[%arg1, %dma_wait3A_457, %dma_wait3A_458, %dma_wait3A_459] : memref<16x4x8x2048xf32, #tpu.memory_space<vmem_shared>> -> memref<1x1x8x2048xf32, #tpu.memory_space<vmem_shared>>
    %dma_wait3A_461 = tpu.memref_squeeze %dma_wait3A_460 : memref<1x1x8x2048xf32, #tpu.memory_space<vmem_shared>> -> memref<8x2048xf32, #tpu.memory_space<vmem_shared>>
    %dma_wait3A_462 = arith.constant 0 : i32
    %dma_wait3A_463 = arith.constant 0 : i32
    %dma_wait3A_464 = tpu.memref_slice %arg11[%arg1, %dma_wait3A_457, %dma_wait3A_462, %dma_wait3A_463] : memref<16x4x8x2048xf32, #tpu.memory_space<vmem_shared>> -> memref<1x1x8x2048xf32, #tpu.memory_space<vmem_shared>>
    %dma_wait3A_465 = tpu.memref_squeeze %dma_wait3A_464 : memref<1x1x8x2048xf32, #tpu.memory_space<vmem_shared>> -> memref<8x2048xf32, #tpu.memory_space<vmem_shared>>
    tpu.wait_dma2 semaphore(%arg17 : memref<!tpu.dma_semaphore, #tpu.memory_space<semaphore_mem>>) src(%dma_wait3A_465 : memref<8x2048xf32, #tpu.memory_space<vmem_shared>>) dst(%arg7 : memref<8x2048xf32, #tpu.memory_space<vmem>>)
    %mul3A_466 = arith.constant 2048 : i32
    %mul3A_467 = arith.muli %reduce_min3A_289, %mul3A_466 : i32
    %add3A_468 = arith.addi %mul3A_34, %mul3A_467 : i32
    %dma_start3A_469 = arith.constant 1 : i32
    %dma_start3A_470 = arith.constant 0 : i32
    %dma_start3A_471 = arith.constant 0 : i32
    %dma_start3A_472 = tpu.memref_slice %arg11[%arg1, %dma_start3A_469, %dma_start3A_470, %dma_start3A_471] : memref<16x4x8x2048xf32, #tpu.memory_space<vmem_shared>> -> memref<1x1x8x2048xf32, #tpu.memory_space<vmem_shared>>
    %dma_start3A_473 = tpu.memref_squeeze %dma_start3A_472 : memref<1x1x8x2048xf32, #tpu.memory_space<vmem_shared>> -> memref<8x2048xf32, #tpu.memory_space<vmem_shared>>
    %dma_start3A_474 = tpu.memref_slice %arg2[%mul3A_32, %add3A_468] : memref<64x1000000xf32, #tpu.memory_space<hbm>> -> memref<8x2048xf32, #tpu.memory_space<hbm>>
    tpu.enqueue_dma source(%dma_start3A_474 : memref<8x2048xf32, #tpu.memory_space<hbm>>) target(%dma_start3A_473 : memref<8x2048xf32, #tpu.memory_space<vmem_shared>>) target_semaphore(%arg13 : memref<!tpu.dma_semaphore, #tpu.memory_space<semaphore_mem>>)
    %mul3A_475 = arith.constant 2048 : i32
    %mul3A_476 = arith.muli %reduce_min3A_237, %mul3A_475 : i32
    %add3A_477 = arith.addi %mul3A_34, %mul3A_476 : i32
    %broadcast_in_dim3A_478 = arith.constant 2147483647 : i32
    %broadcast_in_dim3A_479 = vector.broadcast %broadcast_in_dim3A_478 : i32 to vector<16xi32>
    %scan3A_480 = arith.constant 0 : i32
    %scan3A_481 = arith.constant 128 : i32
    %scan3A_482 = arith.addi %scan3A_480, %scan3A_481 : i32
    %scan3A_483 = arith.constant 1 : i32
    %scan3A_484 = scf.for %scan3A_875 = %scan3A_480 to %scan3A_482 step %scan3A_483 iter_args(%scan3A_876 = %broadcast_in_dim3A_479) -> (vector<16xi32>)  : i32 {
      %mul3A_877 = arith.constant 16 : i32
      %mul3A_878 = arith.muli %scan3A_875, %mul3A_877 : i32
      %get3A = arith.constant 1 : i32
      %get3A_879 = arith.index_cast %get3A : i32 to index
      %get3A_880 = arith.index_cast %mul3A_878 : i32 to index
      %get3A_881 = tpu.vector_load %arg7[%get3A_879, %get3A_880] {strides = array<i32>} : memref<8x2048xf32, #tpu.memory_space<vmem>>, vector<16xf32>,
      %mul3A_882 = arith.constant 16 : i32
      %mul3A_883 = arith.muli %scan3A_875, %mul3A_882 : i32
      %add3A_884 = arith.addi %add3A_477, %mul3A_883 : i32
      %add3A_885 = vector.broadcast %add3A_884 : i32 to vector<16xi32>
      %add3A_886 = arith.addi %add3A_885, %iota3A : vector<16xi32>
      %eq3A_887 = vector.broadcast %reduce_max3A_157 : f32 to vector<16xf32>
      %eq3A_888 = arith.cmpf oeq, %get3A_881, %eq3A_887 : vector<16xf32>
      %jit3A_889 = arith.constant 2147483647 : i32
      %broadcast_in_dim3A_890 = vector.broadcast %jit3A_889 : i32 to vector<16xi32>
      %select_n3A_891 = arith.select %eq3A_888, %add3A_886, %broadcast_in_dim3A_890 : vector<16xi1>, vector<16xi32>
      %min3A = arith.minsi %scan3A_876, %select_n3A_891 : vector<16xi32>
      scf.yield %min3A : vector<16xi32>
    }
    %scan3A_485 = arith.constant 128 : i32
    %reduce_min3A_486 = arith.constant true
    %reduce_min3A_487 = vector.broadcast %reduce_min3A_486 : i1 to vector<16xi1>
    %reduce_min3A_488 = arith.constant -2147483648 : i32
    %reduce_min3A_489 = vector.broadcast %reduce_min3A_488 : i32 to vector<16xi32>
    %reduce_min3A_490 = arith.xori %scan3A_484, %reduce_min3A_489 : vector<16xi32>
    %reduce_min3A_491 = tpu.scan <min>, %reduce_min3A_490 masked %reduce_min3A_487 : vector<16xi32>, vector<16xi1> -> vector<16xi32>
    %reduce_min3A_492 = arith.xori %reduce_min3A_491, %reduce_min3A_489 : vector<16xi32>
    %reduce_min3A_493 = vector.extract %reduce_min3A_492[15] : i32 from vector<16xi32>
    %mul3A_494 = arith.constant 2048 : i32
    %mul3A_495 = arith.muli %reduce_min3A_263, %mul3A_494 : i32
    %add3A_496 = arith.addi %mul3A_34, %mul3A_495 : i32
    %dma_wait3A_497 = arith.constant 3 : i32
    %dma_wait3A_498 = arith.constant 0 : i32
    %dma_wait3A_499 = arith.constant 0 : i32
    %dma_wait3A_500 = tpu.memref_slice %arg11[%arg1, %dma_wait3A_497, %dma_wait3A_498, %dma_wait3A_499] : memref<16x4x8x2048xf32, #tpu.memory_space<vmem_shared>> -> memref<1x1x8x2048xf32, #tpu.memory_space<vmem_shared>>
    %dma_wait3A_501 = tpu.memref_squeeze %dma_wait3A_500 : memref<1x1x8x2048xf32, #tpu.memory_space<vmem_shared>> -> memref<8x2048xf32, #tpu.memory_space<vmem_shared>>
    %dma_wait3A_502 = tpu.memref_slice %arg2[%mul3A_32, %add3A_496] : memref<64x1000000xf32, #tpu.memory_space<hbm>> -> memref<8x2048xf32, #tpu.memory_space<hbm>>
    tpu.wait_dma2 semaphore(%arg15 : memref<!tpu.dma_semaphore, #tpu.memory_space<semaphore_mem>>) src(%dma_wait3A_502 : memref<8x2048xf32, #tpu.memory_space<hbm>>) dst(%dma_wait3A_501 : memref<8x2048xf32, #tpu.memory_space<vmem_shared>>)
    %dma_start3A_503 = arith.constant 3 : i32
    %dma_start3A_504 = arith.constant 0 : i32
    %dma_start3A_505 = arith.constant 0 : i32
    %dma_start3A_506 = tpu.memref_slice %arg11[%arg1, %dma_start3A_503, %dma_start3A_504, %dma_start3A_505] : memref<16x4x8x2048xf32, #tpu.memory_space<vmem_shared>> -> memref<1x1x8x2048xf32, #tpu.memory_space<vmem_shared>>
    %dma_start3A_507 = tpu.memref_squeeze %dma_start3A_506 : memref<1x1x8x2048xf32, #tpu.memory_space<vmem_shared>> -> memref<8x2048xf32, #tpu.memory_space<vmem_shared>>
    %dma_start3A_508 = arith.constant 0 : i32
    %dma_start3A_509 = arith.constant 0 : i32
    %dma_start3A_510 = tpu.memref_slice %arg11[%arg1, %dma_start3A_503, %dma_start3A_508, %dma_start3A_509] : memref<16x4x8x2048xf32, #tpu.memory_space<vmem_shared>> -> memref<1x1x8x2048xf32, #tpu.memory_space<vmem_shared>>
    %dma_start3A_511 = tpu.memref_squeeze %dma_start3A_510 : memref<1x1x8x2048xf32, #tpu.memory_space<vmem_shared>> -> memref<8x2048xf32, #tpu.memory_space<vmem_shared>>
    tpu.enqueue_dma source(%dma_start3A_511 : memref<8x2048xf32, #tpu.memory_space<vmem_shared>>) target(%arg7 : memref<8x2048xf32, #tpu.memory_space<vmem>>) target_semaphore(%arg17 : memref<!tpu.dma_semaphore, #tpu.memory_space<semaphore_mem>>)
    %broadcast_in_dim3A_512 = vector.broadcast %reduce_max3A_157 : f32 to vector<16xf32>
    %swap3A_513 = arith.constant 1 : i32
    %swap3A_514 = arith.index_cast %swap3A_513 : i32 to index
    %swap3A_515 = arith.constant 0 : index
    %swap3A_516 = tpu.vector_load %arg8[%swap3A_514, %swap3A_515] {strides = array<i32>} : memref<8x128xf32, #tpu.memory_space<vmem>>, vector<16xf32>,
    tpu.vector_store %arg8[%swap3A_514, %swap3A_515], %broadcast_in_dim3A_512 {strides = array<i32>} : memref<8x128xf32, #tpu.memory_space<vmem>>, vector<16xf32>,
    %broadcast_in_dim3A_517 = vector.broadcast %reduce_sum3A_188 : f32 to vector<16xf32>
    %swap3A_518 = arith.constant 1 : i32
    %swap3A_519 = arith.index_cast %swap3A_518 : i32 to index
    %swap3A_520 = arith.constant 0 : index
    %swap3A_521 = tpu.vector_load %arg9[%swap3A_519, %swap3A_520] {strides = array<i32>} : memref<8x128xf32, #tpu.memory_space<vmem>>, vector<16xf32>,
    tpu.vector_store %arg9[%swap3A_519, %swap3A_520], %broadcast_in_dim3A_517 {strides = array<i32>} : memref<8x128xf32, #tpu.memory_space<vmem>>, vector<16xf32>,
    %broadcast_in_dim3A_522 = vector.broadcast %reduce_min3A_493 : i32 to vector<16xi32>
    %swap3A_523 = arith.constant 1 : i32
    %swap3A_524 = arith.index_cast %swap3A_523 : i32 to index
    %swap3A_525 = arith.constant 0 : index
    %swap3A_526 = tpu.vector_load %arg10[%swap3A_524, %swap3A_525] {strides = array<i32>} : memref<8x128xi32, #tpu.memory_space<vmem>>, vector<16xi32>,
    tpu.vector_store %arg10[%swap3A_524, %swap3A_525], %broadcast_in_dim3A_522 {strides = array<i32>} : memref<8x128xi32, #tpu.memory_space<vmem>>, vector<16xi32>,
    %dma_wait3A_527 = arith.constant 2 : i32
    %dma_wait3A_528 = arith.constant 0 : i32
    %dma_wait3A_529 = arith.constant 0 : i32
    %dma_wait3A_530 = tpu.memref_slice %arg11[%arg1, %dma_wait3A_527, %dma_wait3A_528, %dma_wait3A_529] : memref<16x4x8x2048xf32, #tpu.memory_space<vmem_shared>> -> memref<1x1x8x2048xf32, #tpu.memory_space<vmem_shared>>
    %dma_wait3A_531 = tpu.memref_squeeze %dma_wait3A_530 : memref<1x1x8x2048xf32, #tpu.memory_space<vmem_shared>> -> memref<8x2048xf32, #tpu.memory_space<vmem_shared>>
    %dma_wait3A_532 = arith.constant 0 : i32
    %dma_wait3A_533 = arith.constant 0 : i32
    %dma_wait3A_534 = tpu.memref_slice %arg11[%arg1, %dma_wait3A_527, %dma_wait3A_532, %dma_wait3A_533] : memref<16x4x8x2048xf32, #tpu.memory_space<vmem_shared>> -> memref<1x1x8x2048xf32, #tpu.memory_space<vmem_shared>>
    %dma_wait3A_535 = tpu.memref_squeeze %dma_wait3A_534 : memref<1x1x8x2048xf32, #tpu.memory_space<vmem_shared>> -> memref<8x2048xf32, #tpu.memory_space<vmem_shared>>
    tpu.wait_dma2 semaphore(%arg16 : memref<!tpu.dma_semaphore, #tpu.memory_space<semaphore_mem>>) src(%dma_wait3A_535 : memref<8x2048xf32, #tpu.memory_space<vmem_shared>>) dst(%arg6 : memref<8x2048xf32, #tpu.memory_space<vmem>>)
    %mul3A_536 = arith.constant 2048 : i32
    %mul3A_537 = arith.muli %reduce_min3A_302, %mul3A_536 : i32
    %add3A_538 = arith.addi %mul3A_34, %mul3A_537 : i32
    %dma_start3A_539 = arith.constant 2 : i32
    %dma_start3A_540 = arith.constant 0 : i32
    %dma_start3A_541 = arith.constant 0 : i32
    %dma_start3A_542 = tpu.memref_slice %arg11[%arg1, %dma_start3A_539, %dma_start3A_540, %dma_start3A_541] : memref<16x4x8x2048xf32, #tpu.memory_space<vmem_shared>> -> memref<1x1x8x2048xf32, #tpu.memory_space<vmem_shared>>
    %dma_start3A_543 = tpu.memref_squeeze %dma_start3A_542 : memref<1x1x8x2048xf32, #tpu.memory_space<vmem_shared>> -> memref<8x2048xf32, #tpu.memory_space<vmem_shared>>
    %dma_start3A_544 = tpu.memref_slice %arg2[%mul3A_32, %add3A_538] : memref<64x1000000xf32, #tpu.memory_space<hbm>> -> memref<8x2048xf32, #tpu.memory_space<hbm>>
    tpu.enqueue_dma source(%dma_start3A_544 : memref<8x2048xf32, #tpu.memory_space<hbm>>) target(%dma_start3A_543 : memref<8x2048xf32, #tpu.memory_space<vmem_shared>>) target_semaphore(%arg14 : memref<!tpu.dma_semaphore, #tpu.memory_space<semaphore_mem>>)
    %mul3A_545 = arith.constant 2048 : i32
    %mul3A_546 = arith.muli %reduce_min3A_250, %mul3A_545 : i32
    %add3A_547 = arith.addi %mul3A_34, %mul3A_546 : i32
    %broadcast_in_dim3A_548 = arith.constant 2147483647 : i32
    %broadcast_in_dim3A_549 = vector.broadcast %broadcast_in_dim3A_548 : i32 to vector<16xi32>
    %scan3A_550 = arith.constant 0 : i32
    %scan3A_551 = arith.constant 128 : i32
    %scan3A_552 = arith.addi %scan3A_550, %scan3A_551 : i32
    %scan3A_553 = arith.constant 1 : i32
    %scan3A_554 = scf.for %scan3A_875 = %scan3A_550 to %scan3A_552 step %scan3A_553 iter_args(%scan3A_876 = %broadcast_in_dim3A_549) -> (vector<16xi32>)  : i32 {
      %mul3A_877 = arith.constant 16 : i32
      %mul3A_878 = arith.muli %scan3A_875, %mul3A_877 : i32
      %get3A = arith.constant 2 : i32
      %get3A_879 = arith.index_cast %get3A : i32 to index
      %get3A_880 = arith.index_cast %mul3A_878 : i32 to index
      %get3A_881 = tpu.vector_load %arg6[%get3A_879, %get3A_880] {strides = array<i32>} : memref<8x2048xf32, #tpu.memory_space<vmem>>, vector<16xf32>,
      %mul3A_882 = arith.constant 16 : i32
      %mul3A_883 = arith.muli %scan3A_875, %mul3A_882 : i32
      %add3A_884 = arith.addi %add3A_547, %mul3A_883 : i32
      %add3A_885 = vector.broadcast %add3A_884 : i32 to vector<16xi32>
      %add3A_886 = arith.addi %add3A_885, %iota3A : vector<16xi32>
      %eq3A_887 = vector.broadcast %reduce_max3A_161 : f32 to vector<16xf32>
      %eq3A_888 = arith.cmpf oeq, %get3A_881, %eq3A_887 : vector<16xf32>
      %jit3A_889 = arith.constant 2147483647 : i32
      %broadcast_in_dim3A_890 = vector.broadcast %jit3A_889 : i32 to vector<16xi32>
      %select_n3A_891 = arith.select %eq3A_888, %add3A_886, %broadcast_in_dim3A_890 : vector<16xi1>, vector<16xi32>
      %min3A = arith.minsi %scan3A_876, %select_n3A_891 : vector<16xi32>
      scf.yield %min3A : vector<16xi32>
    }
    %scan3A_555 = arith.constant 128 : i32
    %reduce_min3A_556 = arith.constant true
    %reduce_min3A_557 = vector.broadcast %reduce_min3A_556 : i1 to vector<16xi1>
    %reduce_min3A_558 = arith.constant -2147483648 : i32
    %reduce_min3A_559 = vector.broadcast %reduce_min3A_558 : i32 to vector<16xi32>
    %reduce_min3A_560 = arith.xori %scan3A_554, %reduce_min3A_559 : vector<16xi32>
    %reduce_min3A_561 = tpu.scan <min>, %reduce_min3A_560 masked %reduce_min3A_557 : vector<16xi32>, vector<16xi1> -> vector<16xi32>
    %reduce_min3A_562 = arith.xori %reduce_min3A_561, %reduce_min3A_559 : vector<16xi32>
    %reduce_min3A_563 = vector.extract %reduce_min3A_562[15] : i32 from vector<16xi32>
    %mul3A_564 = arith.constant 2048 : i32
    %mul3A_565 = arith.muli %reduce_min3A_276, %mul3A_564 : i32
    %add3A_566 = arith.addi %mul3A_34, %mul3A_565 : i32
    %dma_wait3A_567 = arith.constant 0 : i32
    %dma_wait3A_568 = arith.constant 0 : i32
    %dma_wait3A_569 = arith.constant 0 : i32
    %dma_wait3A_570 = tpu.memref_slice %arg11[%arg1, %dma_wait3A_567, %dma_wait3A_568, %dma_wait3A_569] : memref<16x4x8x2048xf32, #tpu.memory_space<vmem_shared>> -> memref<1x1x8x2048xf32, #tpu.memory_space<vmem_shared>>
    %dma_wait3A_571 = tpu.memref_squeeze %dma_wait3A_570 : memref<1x1x8x2048xf32, #tpu.memory_space<vmem_shared>> -> memref<8x2048xf32, #tpu.memory_space<vmem_shared>>
    %dma_wait3A_572 = tpu.memref_slice %arg2[%mul3A_32, %add3A_566] : memref<64x1000000xf32, #tpu.memory_space<hbm>> -> memref<8x2048xf32, #tpu.memory_space<hbm>>
    tpu.wait_dma2 semaphore(%arg12 : memref<!tpu.dma_semaphore, #tpu.memory_space<semaphore_mem>>) src(%dma_wait3A_572 : memref<8x2048xf32, #tpu.memory_space<hbm>>) dst(%dma_wait3A_571 : memref<8x2048xf32, #tpu.memory_space<vmem_shared>>)
    %dma_start3A_573 = arith.constant 0 : i32
    %dma_start3A_574 = arith.constant 0 : i32
    %dma_start3A_575 = arith.constant 0 : i32
    %dma_start3A_576 = tpu.memref_slice %arg11[%arg1, %dma_start3A_573, %dma_start3A_574, %dma_start3A_575] : memref<16x4x8x2048xf32, #tpu.memory_space<vmem_shared>> -> memref<1x1x8x2048xf32, #tpu.memory_space<vmem_shared>>
    %dma_start3A_577 = tpu.memref_squeeze %dma_start3A_576 : memref<1x1x8x2048xf32, #tpu.memory_space<vmem_shared>> -> memref<8x2048xf32, #tpu.memory_space<vmem_shared>>
    %dma_start3A_578 = arith.constant 0 : i32
    %dma_start3A_579 = arith.constant 0 : i32
    %dma_start3A_580 = tpu.memref_slice %arg11[%arg1, %dma_start3A_573, %dma_start3A_578, %dma_start3A_579] : memref<16x4x8x2048xf32, #tpu.memory_space<vmem_shared>> -> memref<1x1x8x2048xf32, #tpu.memory_space<vmem_shared>>
    %dma_start3A_581 = tpu.memref_squeeze %dma_start3A_580 : memref<1x1x8x2048xf32, #tpu.memory_space<vmem_shared>> -> memref<8x2048xf32, #tpu.memory_space<vmem_shared>>
    tpu.enqueue_dma source(%dma_start3A_581 : memref<8x2048xf32, #tpu.memory_space<vmem_shared>>) target(%arg6 : memref<8x2048xf32, #tpu.memory_space<vmem>>) target_semaphore(%arg16 : memref<!tpu.dma_semaphore, #tpu.memory_space<semaphore_mem>>)
    %broadcast_in_dim3A_582 = vector.broadcast %reduce_max3A_161 : f32 to vector<16xf32>
    %swap3A_583 = arith.constant 2 : i32
    %swap3A_584 = arith.index_cast %swap3A_583 : i32 to index
    %swap3A_585 = arith.constant 0 : index
    %swap3A_586 = tpu.vector_load %arg8[%swap3A_584, %swap3A_585] {strides = array<i32>} : memref<8x128xf32, #tpu.memory_space<vmem>>, vector<16xf32>,
    tpu.vector_store %arg8[%swap3A_584, %swap3A_585], %broadcast_in_dim3A_582 {strides = array<i32>} : memref<8x128xf32, #tpu.memory_space<vmem>>, vector<16xf32>,
    %broadcast_in_dim3A_587 = vector.broadcast %reduce_sum3A_192 : f32 to vector<16xf32>
    %swap3A_588 = arith.constant 2 : i32
    %swap3A_589 = arith.index_cast %swap3A_588 : i32 to index
    %swap3A_590 = arith.constant 0 : index
    %swap3A_591 = tpu.vector_load %arg9[%swap3A_589, %swap3A_590] {strides = array<i32>} : memref<8x128xf32, #tpu.memory_space<vmem>>, vector<16xf32>,
    tpu.vector_store %arg9[%swap3A_589, %swap3A_590], %broadcast_in_dim3A_587 {strides = array<i32>} : memref<8x128xf32, #tpu.memory_space<vmem>>, vector<16xf32>,
    %broadcast_in_dim3A_592 = vector.broadcast %reduce_min3A_563 : i32 to vector<16xi32>
    %swap3A_593 = arith.constant 2 : i32
    %swap3A_594 = arith.index_cast %swap3A_593 : i32 to index
    %swap3A_595 = arith.constant 0 : index
    %swap3A_596 = tpu.vector_load %arg10[%swap3A_594, %swap3A_595] {strides = array<i32>} : memref<8x128xi32, #tpu.memory_space<vmem>>, vector<16xi32>,
    tpu.vector_store %arg10[%swap3A_594, %swap3A_595], %broadcast_in_dim3A_592 {strides = array<i32>} : memref<8x128xi32, #tpu.memory_space<vmem>>, vector<16xi32>,
    %dma_wait3A_597 = arith.constant 3 : i32
    %dma_wait3A_598 = arith.constant 0 : i32
    %dma_wait3A_599 = arith.constant 0 : i32
    %dma_wait3A_600 = tpu.memref_slice %arg11[%arg1, %dma_wait3A_597, %dma_wait3A_598, %dma_wait3A_599] : memref<16x4x8x2048xf32, #tpu.memory_space<vmem_shared>> -> memref<1x1x8x2048xf32, #tpu.memory_space<vmem_shared>>
    %dma_wait3A_601 = tpu.memref_squeeze %dma_wait3A_600 : memref<1x1x8x2048xf32, #tpu.memory_space<vmem_shared>> -> memref<8x2048xf32, #tpu.memory_space<vmem_shared>>
    %dma_wait3A_602 = arith.constant 0 : i32
    %dma_wait3A_603 = arith.constant 0 : i32
    %dma_wait3A_604 = tpu.memref_slice %arg11[%arg1, %dma_wait3A_597, %dma_wait3A_602, %dma_wait3A_603] : memref<16x4x8x2048xf32, #tpu.memory_space<vmem_shared>> -> memref<1x1x8x2048xf32, #tpu.memory_space<vmem_shared>>
    %dma_wait3A_605 = tpu.memref_squeeze %dma_wait3A_604 : memref<1x1x8x2048xf32, #tpu.memory_space<vmem_shared>> -> memref<8x2048xf32, #tpu.memory_space<vmem_shared>>
    tpu.wait_dma2 semaphore(%arg17 : memref<!tpu.dma_semaphore, #tpu.memory_space<semaphore_mem>>) src(%dma_wait3A_605 : memref<8x2048xf32, #tpu.memory_space<vmem_shared>>) dst(%arg7 : memref<8x2048xf32, #tpu.memory_space<vmem>>)
    %mul3A_606 = arith.constant 2048 : i32
    %mul3A_607 = arith.muli %reduce_min3A_315, %mul3A_606 : i32
    %add3A_608 = arith.addi %mul3A_34, %mul3A_607 : i32
    %dma_start3A_609 = arith.constant 3 : i32
    %dma_start3A_610 = arith.constant 0 : i32
    %dma_start3A_611 = arith.constant 0 : i32
    %dma_start3A_612 = tpu.memref_slice %arg11[%arg1, %dma_start3A_609, %dma_start3A_610, %dma_start3A_611] : memref<16x4x8x2048xf32, #tpu.memory_space<vmem_shared>> -> memref<1x1x8x2048xf32, #tpu.memory_space<vmem_shared>>
    %dma_start3A_613 = tpu.memref_squeeze %dma_start3A_612 : memref<1x1x8x2048xf32, #tpu.memory_space<vmem_shared>> -> memref<8x2048xf32, #tpu.memory_space<vmem_shared>>
    %dma_start3A_614 = tpu.memref_slice %arg2[%mul3A_32, %add3A_608] : memref<64x1000000xf32, #tpu.memory_space<hbm>> -> memref<8x2048xf32, #tpu.memory_space<hbm>>
    tpu.enqueue_dma source(%dma_start3A_614 : memref<8x2048xf32, #tpu.memory_space<hbm>>) target(%dma_start3A_613 : memref<8x2048xf32, #tpu.memory_space<vmem_shared>>) target_semaphore(%arg15 : memref<!tpu.dma_semaphore, #tpu.memory_space<semaphore_mem>>)
    %mul3A_615 = arith.constant 2048 : i32
    %mul3A_616 = arith.muli %reduce_min3A_263, %mul3A_615 : i32
    %add3A_617 = arith.addi %mul3A_34, %mul3A_616 : i32
    %broadcast_in_dim3A_618 = arith.constant 2147483647 : i32
    %broadcast_in_dim3A_619 = vector.broadcast %broadcast_in_dim3A_618 : i32 to vector<16xi32>
    %scan3A_620 = arith.constant 0 : i32
    %scan3A_621 = arith.constant 128 : i32
    %scan3A_622 = arith.addi %scan3A_620, %scan3A_621 : i32
    %scan3A_623 = arith.constant 1 : i32
    %scan3A_624 = scf.for %scan3A_875 = %scan3A_620 to %scan3A_622 step %scan3A_623 iter_args(%scan3A_876 = %broadcast_in_dim3A_619) -> (vector<16xi32>)  : i32 {
      %mul3A_877 = arith.constant 16 : i32
      %mul3A_878 = arith.muli %scan3A_875, %mul3A_877 : i32
      %get3A = arith.constant 3 : i32
      %get3A_879 = arith.index_cast %get3A : i32 to index
      %get3A_880 = arith.index_cast %mul3A_878 : i32 to index
      %get3A_881 = tpu.vector_load %arg7[%get3A_879, %get3A_880] {strides = array<i32>} : memref<8x2048xf32, #tpu.memory_space<vmem>>, vector<16xf32>,
      %mul3A_882 = arith.constant 16 : i32
      %mul3A_883 = arith.muli %scan3A_875, %mul3A_882 : i32
      %add3A_884 = arith.addi %add3A_617, %mul3A_883 : i32
      %add3A_885 = vector.broadcast %add3A_884 : i32 to vector<16xi32>
      %add3A_886 = arith.addi %add3A_885, %iota3A : vector<16xi32>
      %eq3A_887 = vector.broadcast %reduce_max3A_165 : f32 to vector<16xf32>
      %eq3A_888 = arith.cmpf oeq, %get3A_881, %eq3A_887 : vector<16xf32>
      %jit3A_889 = arith.constant 2147483647 : i32
      %broadcast_in_dim3A_890 = vector.broadcast %jit3A_889 : i32 to vector<16xi32>
      %select_n3A_891 = arith.select %eq3A_888, %add3A_886, %broadcast_in_dim3A_890 : vector<16xi1>, vector<16xi32>
      %min3A = arith.minsi %scan3A_876, %select_n3A_891 : vector<16xi32>
      scf.yield %min3A : vector<16xi32>
    }
    %scan3A_625 = arith.constant 128 : i32
    %reduce_min3A_626 = arith.constant true
    %reduce_min3A_627 = vector.broadcast %reduce_min3A_626 : i1 to vector<16xi1>
    %reduce_min3A_628 = arith.constant -2147483648 : i32
    %reduce_min3A_629 = vector.broadcast %reduce_min3A_628 : i32 to vector<16xi32>
    %reduce_min3A_630 = arith.xori %scan3A_624, %reduce_min3A_629 : vector<16xi32>
    %reduce_min3A_631 = tpu.scan <min>, %reduce_min3A_630 masked %reduce_min3A_627 : vector<16xi32>, vector<16xi1> -> vector<16xi32>
    %reduce_min3A_632 = arith.xori %reduce_min3A_631, %reduce_min3A_629 : vector<16xi32>
    %reduce_min3A_633 = vector.extract %reduce_min3A_632[15] : i32 from vector<16xi32>
    %mul3A_634 = arith.constant 2048 : i32
    %mul3A_635 = arith.muli %reduce_min3A_289, %mul3A_634 : i32
    %add3A_636 = arith.addi %mul3A_34, %mul3A_635 : i32
    %dma_wait3A_637 = arith.constant 1 : i32
    %dma_wait3A_638 = arith.constant 0 : i32
    %dma_wait3A_639 = arith.constant 0 : i32
    %dma_wait3A_640 = tpu.memref_slice %arg11[%arg1, %dma_wait3A_637, %dma_wait3A_638, %dma_wait3A_639] : memref<16x4x8x2048xf32, #tpu.memory_space<vmem_shared>> -> memref<1x1x8x2048xf32, #tpu.memory_space<vmem_shared>>
    %dma_wait3A_641 = tpu.memref_squeeze %dma_wait3A_640 : memref<1x1x8x2048xf32, #tpu.memory_space<vmem_shared>> -> memref<8x2048xf32, #tpu.memory_space<vmem_shared>>
    %dma_wait3A_642 = tpu.memref_slice %arg2[%mul3A_32, %add3A_636] : memref<64x1000000xf32, #tpu.memory_space<hbm>> -> memref<8x2048xf32, #tpu.memory_space<hbm>>
    tpu.wait_dma2 semaphore(%arg13 : memref<!tpu.dma_semaphore, #tpu.memory_space<semaphore_mem>>) src(%dma_wait3A_642 : memref<8x2048xf32, #tpu.memory_space<hbm>>) dst(%dma_wait3A_641 : memref<8x2048xf32, #tpu.memory_space<vmem_shared>>)
    %dma_start3A_643 = arith.constant 1 : i32
    %dma_start3A_644 = arith.constant 0 : i32
    %dma_start3A_645 = arith.constant 0 : i32
    %dma_start3A_646 = tpu.memref_slice %arg11[%arg1, %dma_start3A_643, %dma_start3A_644, %dma_start3A_645] : memref<16x4x8x2048xf32, #tpu.memory_space<vmem_shared>> -> memref<1x1x8x2048xf32, #tpu.memory_space<vmem_shared>>
    %dma_start3A_647 = tpu.memref_squeeze %dma_start3A_646 : memref<1x1x8x2048xf32, #tpu.memory_space<vmem_shared>> -> memref<8x2048xf32, #tpu.memory_space<vmem_shared>>
    %dma_start3A_648 = arith.constant 0 : i32
    %dma_start3A_649 = arith.constant 0 : i32
    %dma_start3A_650 = tpu.memref_slice %arg11[%arg1, %dma_start3A_643, %dma_start3A_648, %dma_start3A_649] : memref<16x4x8x2048xf32, #tpu.memory_space<vmem_shared>> -> memref<1x1x8x2048xf32, #tpu.memory_space<vmem_shared>>
    %dma_start3A_651 = tpu.memref_squeeze %dma_start3A_650 : memref<1x1x8x2048xf32, #tpu.memory_space<vmem_shared>> -> memref<8x2048xf32, #tpu.memory_space<vmem_shared>>
    tpu.enqueue_dma source(%dma_start3A_651 : memref<8x2048xf32, #tpu.memory_space<vmem_shared>>) target(%arg7 : memref<8x2048xf32, #tpu.memory_space<vmem>>) target_semaphore(%arg17 : memref<!tpu.dma_semaphore, #tpu.memory_space<semaphore_mem>>)
    %broadcast_in_dim3A_652 = vector.broadcast %reduce_max3A_165 : f32 to vector<16xf32>
    %swap3A_653 = arith.constant 3 : i32
    %swap3A_654 = arith.index_cast %swap3A_653 : i32 to index
    %swap3A_655 = arith.constant 0 : index
    %swap3A_656 = tpu.vector_load %arg8[%swap3A_654, %swap3A_655] {strides = array<i32>} : memref<8x128xf32, #tpu.memory_space<vmem>>, vector<16xf32>,
    tpu.vector_store %arg8[%swap3A_654, %swap3A_655], %broadcast_in_dim3A_652 {strides = array<i32>} : memref<8x128xf32, #tpu.memory_space<vmem>>, vector<16xf32>,
    %broadcast_in_dim3A_657 = vector.broadcast %reduce_sum3A_196 : f32 to vector<16xf32>
    %swap3A_658 = arith.constant 3 : i32
    %swap3A_659 = arith.index_cast %swap3A_658 : i32 to index
    %swap3A_660 = arith.constant 0 : index
    %swap3A_661 = tpu.vector_load %arg9[%swap3A_659, %swap3A_660] {strides = array<i32>} : memref<8x128xf32, #tpu.memory_space<vmem>>, vector<16xf32>,
    tpu.vector_store %arg9[%swap3A_659, %swap3A_660], %broadcast_in_dim3A_657 {strides = array<i32>} : memref<8x128xf32, #tpu.memory_space<vmem>>, vector<16xf32>,
    %broadcast_in_dim3A_662 = vector.broadcast %reduce_min3A_633 : i32 to vector<16xi32>
    %swap3A_663 = arith.constant 3 : i32
    %swap3A_664 = arith.index_cast %swap3A_663 : i32 to index
    %swap3A_665 = arith.constant 0 : index
    %swap3A_666 = tpu.vector_load %arg10[%swap3A_664, %swap3A_665] {strides = array<i32>} : memref<8x128xi32, #tpu.memory_space<vmem>>, vector<16xi32>,
    tpu.vector_store %arg10[%swap3A_664, %swap3A_665], %broadcast_in_dim3A_662 {strides = array<i32>} : memref<8x128xi32, #tpu.memory_space<vmem>>, vector<16xi32>,
    %dma_wait3A_667 = arith.constant 0 : i32
    %dma_wait3A_668 = arith.constant 0 : i32
    %dma_wait3A_669 = arith.constant 0 : i32
    %dma_wait3A_670 = tpu.memref_slice %arg11[%arg1, %dma_wait3A_667, %dma_wait3A_668, %dma_wait3A_669] : memref<16x4x8x2048xf32, #tpu.memory_space<vmem_shared>> -> memref<1x1x8x2048xf32, #tpu.memory_space<vmem_shared>>
    %dma_wait3A_671 = tpu.memref_squeeze %dma_wait3A_670 : memref<1x1x8x2048xf32, #tpu.memory_space<vmem_shared>> -> memref<8x2048xf32, #tpu.memory_space<vmem_shared>>
    %dma_wait3A_672 = arith.constant 0 : i32
    %dma_wait3A_673 = arith.constant 0 : i32
    %dma_wait3A_674 = tpu.memref_slice %arg11[%arg1, %dma_wait3A_667, %dma_wait3A_672, %dma_wait3A_673] : memref<16x4x8x2048xf32, #tpu.memory_space<vmem_shared>> -> memref<1x1x8x2048xf32, #tpu.memory_space<vmem_shared>>
    %dma_wait3A_675 = tpu.memref_squeeze %dma_wait3A_674 : memref<1x1x8x2048xf32, #tpu.memory_space<vmem_shared>> -> memref<8x2048xf32, #tpu.memory_space<vmem_shared>>
    tpu.wait_dma2 semaphore(%arg16 : memref<!tpu.dma_semaphore, #tpu.memory_space<semaphore_mem>>) src(%dma_wait3A_675 : memref<8x2048xf32, #tpu.memory_space<vmem_shared>>) dst(%arg6 : memref<8x2048xf32, #tpu.memory_space<vmem>>)
    %mul3A_676 = arith.constant 2048 : i32
    %mul3A_677 = arith.muli %reduce_min3A_276, %mul3A_676 : i32
    %add3A_678 = arith.addi %mul3A_34, %mul3A_677 : i32
    %broadcast_in_dim3A_679 = arith.constant 2147483647 : i32
    %broadcast_in_dim3A_680 = vector.broadcast %broadcast_in_dim3A_679 : i32 to vector<16xi32>
    %scan3A_681 = arith.constant 0 : i32
    %scan3A_682 = arith.constant 128 : i32
    %scan3A_683 = arith.addi %scan3A_681, %scan3A_682 : i32
    %scan3A_684 = arith.constant 1 : i32
    %scan3A_685 = scf.for %scan3A_875 = %scan3A_681 to %scan3A_683 step %scan3A_684 iter_args(%scan3A_876 = %broadcast_in_dim3A_680) -> (vector<16xi32>)  : i32 {
      %mul3A_877 = arith.constant 16 : i32
      %mul3A_878 = arith.muli %scan3A_875, %mul3A_877 : i32
      %get3A = arith.constant 4 : i32
      %get3A_879 = arith.index_cast %get3A : i32 to index
      %get3A_880 = arith.index_cast %mul3A_878 : i32 to index
      %get3A_881 = tpu.vector_load %arg6[%get3A_879, %get3A_880] {strides = array<i32>} : memref<8x2048xf32, #tpu.memory_space<vmem>>, vector<16xf32>,
      %mul3A_882 = arith.constant 16 : i32
      %mul3A_883 = arith.muli %scan3A_875, %mul3A_882 : i32
      %add3A_884 = arith.addi %add3A_678, %mul3A_883 : i32
      %add3A_885 = vector.broadcast %add3A_884 : i32 to vector<16xi32>
      %add3A_886 = arith.addi %add3A_885, %iota3A : vector<16xi32>
      %eq3A_887 = vector.broadcast %reduce_max3A_169 : f32 to vector<16xf32>
      %eq3A_888 = arith.cmpf oeq, %get3A_881, %eq3A_887 : vector<16xf32>
      %jit3A_889 = arith.constant 2147483647 : i32
      %broadcast_in_dim3A_890 = vector.broadcast %jit3A_889 : i32 to vector<16xi32>
      %select_n3A_891 = arith.select %eq3A_888, %add3A_886, %broadcast_in_dim3A_890 : vector<16xi1>, vector<16xi32>
      %min3A = arith.minsi %scan3A_876, %select_n3A_891 : vector<16xi32>
      scf.yield %min3A : vector<16xi32>
    }
    %scan3A_686 = arith.constant 128 : i32
    %reduce_min3A_687 = arith.constant true
    %reduce_min3A_688 = vector.broadcast %reduce_min3A_687 : i1 to vector<16xi1>
    %reduce_min3A_689 = arith.constant -2147483648 : i32
    %reduce_min3A_690 = vector.broadcast %reduce_min3A_689 : i32 to vector<16xi32>
    %reduce_min3A_691 = arith.xori %scan3A_685, %reduce_min3A_690 : vector<16xi32>
    %reduce_min3A_692 = tpu.scan <min>, %reduce_min3A_691 masked %reduce_min3A_688 : vector<16xi32>, vector<16xi1> -> vector<16xi32>
    %reduce_min3A_693 = arith.xori %reduce_min3A_692, %reduce_min3A_690 : vector<16xi32>
    %reduce_min3A_694 = vector.extract %reduce_min3A_693[15] : i32 from vector<16xi32>
    %mul3A_695 = arith.constant 2048 : i32
    %mul3A_696 = arith.muli %reduce_min3A_302, %mul3A_695 : i32
    %add3A_697 = arith.addi %mul3A_34, %mul3A_696 : i32
    %dma_wait3A_698 = arith.constant 2 : i32
    %dma_wait3A_699 = arith.constant 0 : i32
    %dma_wait3A_700 = arith.constant 0 : i32
    %dma_wait3A_701 = tpu.memref_slice %arg11[%arg1, %dma_wait3A_698, %dma_wait3A_699, %dma_wait3A_700] : memref<16x4x8x2048xf32, #tpu.memory_space<vmem_shared>> -> memref<1x1x8x2048xf32, #tpu.memory_space<vmem_shared>>
    %dma_wait3A_702 = tpu.memref_squeeze %dma_wait3A_701 : memref<1x1x8x2048xf32, #tpu.memory_space<vmem_shared>> -> memref<8x2048xf32, #tpu.memory_space<vmem_shared>>
    %dma_wait3A_703 = tpu.memref_slice %arg2[%mul3A_32, %add3A_697] : memref<64x1000000xf32, #tpu.memory_space<hbm>> -> memref<8x2048xf32, #tpu.memory_space<hbm>>
    tpu.wait_dma2 semaphore(%arg14 : memref<!tpu.dma_semaphore, #tpu.memory_space<semaphore_mem>>) src(%dma_wait3A_703 : memref<8x2048xf32, #tpu.memory_space<hbm>>) dst(%dma_wait3A_702 : memref<8x2048xf32, #tpu.memory_space<vmem_shared>>)
    %dma_start3A_704 = arith.constant 2 : i32
    %dma_start3A_705 = arith.constant 0 : i32
    %dma_start3A_706 = arith.constant 0 : i32
    %dma_start3A_707 = tpu.memref_slice %arg11[%arg1, %dma_start3A_704, %dma_start3A_705, %dma_start3A_706] : memref<16x4x8x2048xf32, #tpu.memory_space<vmem_shared>> -> memref<1x1x8x2048xf32, #tpu.memory_space<vmem_shared>>
    %dma_start3A_708 = tpu.memref_squeeze %dma_start3A_707 : memref<1x1x8x2048xf32, #tpu.memory_space<vmem_shared>> -> memref<8x2048xf32, #tpu.memory_space<vmem_shared>>
    %dma_start3A_709 = arith.constant 0 : i32
    %dma_start3A_710 = arith.constant 0 : i32
    %dma_start3A_711 = tpu.memref_slice %arg11[%arg1, %dma_start3A_704, %dma_start3A_709, %dma_start3A_710] : memref<16x4x8x2048xf32, #tpu.memory_space<vmem_shared>> -> memref<1x1x8x2048xf32, #tpu.memory_space<vmem_shared>>
    %dma_start3A_712 = tpu.memref_squeeze %dma_start3A_711 : memref<1x1x8x2048xf32, #tpu.memory_space<vmem_shared>> -> memref<8x2048xf32, #tpu.memory_space<vmem_shared>>
    tpu.enqueue_dma source(%dma_start3A_712 : memref<8x2048xf32, #tpu.memory_space<vmem_shared>>) target(%arg6 : memref<8x2048xf32, #tpu.memory_space<vmem>>) target_semaphore(%arg16 : memref<!tpu.dma_semaphore, #tpu.memory_space<semaphore_mem>>)
    %broadcast_in_dim3A_713 = vector.broadcast %reduce_max3A_169 : f32 to vector<16xf32>
    %swap3A_714 = arith.constant 4 : i32
    %swap3A_715 = arith.index_cast %swap3A_714 : i32 to index
    %swap3A_716 = arith.constant 0 : index
    %swap3A_717 = tpu.vector_load %arg8[%swap3A_715, %swap3A_716] {strides = array<i32>} : memref<8x128xf32, #tpu.memory_space<vmem>>, vector<16xf32>,
    tpu.vector_store %arg8[%swap3A_715, %swap3A_716], %broadcast_in_dim3A_713 {strides = array<i32>} : memref<8x128xf32, #tpu.memory_space<vmem>>, vector<16xf32>,
    %broadcast_in_dim3A_718 = vector.broadcast %reduce_sum3A_200 : f32 to vector<16xf32>
    %swap3A_719 = arith.constant 4 : i32
    %swap3A_720 = arith.index_cast %swap3A_719 : i32 to index
    %swap3A_721 = arith.constant 0 : index
    %swap3A_722 = tpu.vector_load %arg9[%swap3A_720, %swap3A_721] {strides = array<i32>} : memref<8x128xf32, #tpu.memory_space<vmem>>, vector<16xf32>,
    tpu.vector_store %arg9[%swap3A_720, %swap3A_721], %broadcast_in_dim3A_718 {strides = array<i32>} : memref<8x128xf32, #tpu.memory_space<vmem>>, vector<16xf32>,
    %broadcast_in_dim3A_723 = vector.broadcast %reduce_min3A_694 : i32 to vector<16xi32>
    %swap3A_724 = arith.constant 4 : i32
    %swap3A_725 = arith.index_cast %swap3A_724 : i32 to index
    %swap3A_726 = arith.constant 0 : index
    %swap3A_727 = tpu.vector_load %arg10[%swap3A_725, %swap3A_726] {strides = array<i32>} : memref<8x128xi32, #tpu.memory_space<vmem>>, vector<16xi32>,
    tpu.vector_store %arg10[%swap3A_725, %swap3A_726], %broadcast_in_dim3A_723 {strides = array<i32>} : memref<8x128xi32, #tpu.memory_space<vmem>>, vector<16xi32>,
    %dma_wait3A_728 = arith.constant 1 : i32
    %dma_wait3A_729 = arith.constant 0 : i32
    %dma_wait3A_730 = arith.constant 0 : i32
    %dma_wait3A_731 = tpu.memref_slice %arg11[%arg1, %dma_wait3A_728, %dma_wait3A_729, %dma_wait3A_730] : memref<16x4x8x2048xf32, #tpu.memory_space<vmem_shared>> -> memref<1x1x8x2048xf32, #tpu.memory_space<vmem_shared>>
    %dma_wait3A_732 = tpu.memref_squeeze %dma_wait3A_731 : memref<1x1x8x2048xf32, #tpu.memory_space<vmem_shared>> -> memref<8x2048xf32, #tpu.memory_space<vmem_shared>>
    %dma_wait3A_733 = arith.constant 0 : i32
    %dma_wait3A_734 = arith.constant 0 : i32
    %dma_wait3A_735 = tpu.memref_slice %arg11[%arg1, %dma_wait3A_728, %dma_wait3A_733, %dma_wait3A_734] : memref<16x4x8x2048xf32, #tpu.memory_space<vmem_shared>> -> memref<1x1x8x2048xf32, #tpu.memory_space<vmem_shared>>
    %dma_wait3A_736 = tpu.memref_squeeze %dma_wait3A_735 : memref<1x1x8x2048xf32, #tpu.memory_space<vmem_shared>> -> memref<8x2048xf32, #tpu.memory_space<vmem_shared>>
    tpu.wait_dma2 semaphore(%arg17 : memref<!tpu.dma_semaphore, #tpu.memory_space<semaphore_mem>>) src(%dma_wait3A_736 : memref<8x2048xf32, #tpu.memory_space<vmem_shared>>) dst(%arg7 : memref<8x2048xf32, #tpu.memory_space<vmem>>)
    %mul3A_737 = arith.constant 2048 : i32
    %mul3A_738 = arith.muli %reduce_min3A_289, %mul3A_737 : i32
    %add3A_739 = arith.addi %mul3A_34, %mul3A_738 : i32
    %broadcast_in_dim3A_740 = arith.constant 2147483647 : i32
    %broadcast_in_dim3A_741 = vector.broadcast %broadcast_in_dim3A_740 : i32 to vector<16xi32>
    %scan3A_742 = arith.constant 0 : i32
    %scan3A_743 = arith.constant 128 : i32
    %scan3A_744 = arith.addi %scan3A_742, %scan3A_743 : i32
    %scan3A_745 = arith.constant 1 : i32
    %scan3A_746 = scf.for %scan3A_875 = %scan3A_742 to %scan3A_744 step %scan3A_745 iter_args(%scan3A_876 = %broadcast_in_dim3A_741) -> (vector<16xi32>)  : i32 {
      %mul3A_877 = arith.constant 16 : i32
      %mul3A_878 = arith.muli %scan3A_875, %mul3A_877 : i32
      %get3A = arith.constant 5 : i32
      %get3A_879 = arith.index_cast %get3A : i32 to index
      %get3A_880 = arith.index_cast %mul3A_878 : i32 to index
      %get3A_881 = tpu.vector_load %arg7[%get3A_879, %get3A_880] {strides = array<i32>} : memref<8x2048xf32, #tpu.memory_space<vmem>>, vector<16xf32>,
      %mul3A_882 = arith.constant 16 : i32
      %mul3A_883 = arith.muli %scan3A_875, %mul3A_882 : i32
      %add3A_884 = arith.addi %add3A_739, %mul3A_883 : i32
      %add3A_885 = vector.broadcast %add3A_884 : i32 to vector<16xi32>
      %add3A_886 = arith.addi %add3A_885, %iota3A : vector<16xi32>
      %eq3A_887 = vector.broadcast %reduce_max3A_173 : f32 to vector<16xf32>
      %eq3A_888 = arith.cmpf oeq, %get3A_881, %eq3A_887 : vector<16xf32>
      %jit3A_889 = arith.constant 2147483647 : i32
      %broadcast_in_dim3A_890 = vector.broadcast %jit3A_889 : i32 to vector<16xi32>
      %select_n3A_891 = arith.select %eq3A_888, %add3A_886, %broadcast_in_dim3A_890 : vector<16xi1>, vector<16xi32>
      %min3A = arith.minsi %scan3A_876, %select_n3A_891 : vector<16xi32>
      scf.yield %min3A : vector<16xi32>
    }
    %scan3A_747 = arith.constant 128 : i32
    %reduce_min3A_748 = arith.constant true
    %reduce_min3A_749 = vector.broadcast %reduce_min3A_748 : i1 to vector<16xi1>
    %reduce_min3A_750 = arith.constant -2147483648 : i32
    %reduce_min3A_751 = vector.broadcast %reduce_min3A_750 : i32 to vector<16xi32>
    %reduce_min3A_752 = arith.xori %scan3A_746, %reduce_min3A_751 : vector<16xi32>
    %reduce_min3A_753 = tpu.scan <min>, %reduce_min3A_752 masked %reduce_min3A_749 : vector<16xi32>, vector<16xi1> -> vector<16xi32>
    %reduce_min3A_754 = arith.xori %reduce_min3A_753, %reduce_min3A_751 : vector<16xi32>
    %reduce_min3A_755 = vector.extract %reduce_min3A_754[15] : i32 from vector<16xi32>
    %mul3A_756 = arith.constant 2048 : i32
    %mul3A_757 = arith.muli %reduce_min3A_315, %mul3A_756 : i32
    %add3A_758 = arith.addi %mul3A_34, %mul3A_757 : i32
    %dma_wait3A_759 = arith.constant 3 : i32
    %dma_wait3A_760 = arith.constant 0 : i32
    %dma_wait3A_761 = arith.constant 0 : i32
    %dma_wait3A_762 = tpu.memref_slice %arg11[%arg1, %dma_wait3A_759, %dma_wait3A_760, %dma_wait3A_761] : memref<16x4x8x2048xf32, #tpu.memory_space<vmem_shared>> -> memref<1x1x8x2048xf32, #tpu.memory_space<vmem_shared>>
    %dma_wait3A_763 = tpu.memref_squeeze %dma_wait3A_762 : memref<1x1x8x2048xf32, #tpu.memory_space<vmem_shared>> -> memref<8x2048xf32, #tpu.memory_space<vmem_shared>>
    %dma_wait3A_764 = tpu.memref_slice %arg2[%mul3A_32, %add3A_758] : memref<64x1000000xf32, #tpu.memory_space<hbm>> -> memref<8x2048xf32, #tpu.memory_space<hbm>>
    tpu.wait_dma2 semaphore(%arg15 : memref<!tpu.dma_semaphore, #tpu.memory_space<semaphore_mem>>) src(%dma_wait3A_764 : memref<8x2048xf32, #tpu.memory_space<hbm>>) dst(%dma_wait3A_763 : memref<8x2048xf32, #tpu.memory_space<vmem_shared>>)
    %dma_start3A_765 = arith.constant 3 : i32
    %dma_start3A_766 = arith.constant 0 : i32
    %dma_start3A_767 = arith.constant 0 : i32
    %dma_start3A_768 = tpu.memref_slice %arg11[%arg1, %dma_start3A_765, %dma_start3A_766, %dma_start3A_767] : memref<16x4x8x2048xf32, #tpu.memory_space<vmem_shared>> -> memref<1x1x8x2048xf32, #tpu.memory_space<vmem_shared>>
    %dma_start3A_769 = tpu.memref_squeeze %dma_start3A_768 : memref<1x1x8x2048xf32, #tpu.memory_space<vmem_shared>> -> memref<8x2048xf32, #tpu.memory_space<vmem_shared>>
    %dma_start3A_770 = arith.constant 0 : i32
    %dma_start3A_771 = arith.constant 0 : i32
    %dma_start3A_772 = tpu.memref_slice %arg11[%arg1, %dma_start3A_765, %dma_start3A_770, %dma_start3A_771] : memref<16x4x8x2048xf32, #tpu.memory_space<vmem_shared>> -> memref<1x1x8x2048xf32, #tpu.memory_space<vmem_shared>>
    %dma_start3A_773 = tpu.memref_squeeze %dma_start3A_772 : memref<1x1x8x2048xf32, #tpu.memory_space<vmem_shared>> -> memref<8x2048xf32, #tpu.memory_space<vmem_shared>>
    tpu.enqueue_dma source(%dma_start3A_773 : memref<8x2048xf32, #tpu.memory_space<vmem_shared>>) target(%arg7 : memref<8x2048xf32, #tpu.memory_space<vmem>>) target_semaphore(%arg17 : memref<!tpu.dma_semaphore, #tpu.memory_space<semaphore_mem>>)
    %broadcast_in_dim3A_774 = vector.broadcast %reduce_max3A_173 : f32 to vector<16xf32>
    %swap3A_775 = arith.constant 5 : i32
    %swap3A_776 = arith.index_cast %swap3A_775 : i32 to index
    %swap3A_777 = arith.constant 0 : index
    %swap3A_778 = tpu.vector_load %arg8[%swap3A_776, %swap3A_777] {strides = array<i32>} : memref<8x128xf32, #tpu.memory_space<vmem>>, vector<16xf32>,
    tpu.vector_store %arg8[%swap3A_776, %swap3A_777], %broadcast_in_dim3A_774 {strides = array<i32>} : memref<8x128xf32, #tpu.memory_space<vmem>>, vector<16xf32>,
    %broadcast_in_dim3A_779 = vector.broadcast %reduce_sum3A_204 : f32 to vector<16xf32>
    %swap3A_780 = arith.constant 5 : i32
    %swap3A_781 = arith.index_cast %swap3A_780 : i32 to index
    %swap3A_782 = arith.constant 0 : index
    %swap3A_783 = tpu.vector_load %arg9[%swap3A_781, %swap3A_782] {strides = array<i32>} : memref<8x128xf32, #tpu.memory_space<vmem>>, vector<16xf32>,
    tpu.vector_store %arg9[%swap3A_781, %swap3A_782], %broadcast_in_dim3A_779 {strides = array<i32>} : memref<8x128xf32, #tpu.memory_space<vmem>>, vector<16xf32>,
    %broadcast_in_dim3A_784 = vector.broadcast %reduce_min3A_755 : i32 to vector<16xi32>
    %swap3A_785 = arith.constant 5 : i32
    %swap3A_786 = arith.index_cast %swap3A_785 : i32 to index
    %swap3A_787 = arith.constant 0 : index
    %swap3A_788 = tpu.vector_load %arg10[%swap3A_786, %swap3A_787] {strides = array<i32>} : memref<8x128xi32, #tpu.memory_space<vmem>>, vector<16xi32>,
    tpu.vector_store %arg10[%swap3A_786, %swap3A_787], %broadcast_in_dim3A_784 {strides = array<i32>} : memref<8x128xi32, #tpu.memory_space<vmem>>, vector<16xi32>,
    %dma_wait3A_789 = arith.constant 2 : i32
    %dma_wait3A_790 = arith.constant 0 : i32
    %dma_wait3A_791 = arith.constant 0 : i32
    %dma_wait3A_792 = tpu.memref_slice %arg11[%arg1, %dma_wait3A_789, %dma_wait3A_790, %dma_wait3A_791] : memref<16x4x8x2048xf32, #tpu.memory_space<vmem_shared>> -> memref<1x1x8x2048xf32, #tpu.memory_space<vmem_shared>>
    %dma_wait3A_793 = tpu.memref_squeeze %dma_wait3A_792 : memref<1x1x8x2048xf32, #tpu.memory_space<vmem_shared>> -> memref<8x2048xf32, #tpu.memory_space<vmem_shared>>
    %dma_wait3A_794 = arith.constant 0 : i32
    %dma_wait3A_795 = arith.constant 0 : i32
    %dma_wait3A_796 = tpu.memref_slice %arg11[%arg1, %dma_wait3A_789, %dma_wait3A_794, %dma_wait3A_795] : memref<16x4x8x2048xf32, #tpu.memory_space<vmem_shared>> -> memref<1x1x8x2048xf32, #tpu.memory_space<vmem_shared>>
    %dma_wait3A_797 = tpu.memref_squeeze %dma_wait3A_796 : memref<1x1x8x2048xf32, #tpu.memory_space<vmem_shared>> -> memref<8x2048xf32, #tpu.memory_space<vmem_shared>>
    tpu.wait_dma2 semaphore(%arg16 : memref<!tpu.dma_semaphore, #tpu.memory_space<semaphore_mem>>) src(%dma_wait3A_797 : memref<8x2048xf32, #tpu.memory_space<vmem_shared>>) dst(%arg6 : memref<8x2048xf32, #tpu.memory_space<vmem>>)
    %mul3A_798 = arith.constant 2048 : i32
    %mul3A_799 = arith.muli %reduce_min3A_302, %mul3A_798 : i32
    %add3A_800 = arith.addi %mul3A_34, %mul3A_799 : i32
    %broadcast_in_dim3A_801 = arith.constant 2147483647 : i32
    %broadcast_in_dim3A_802 = vector.broadcast %broadcast_in_dim3A_801 : i32 to vector<16xi32>
    %scan3A_803 = arith.constant 0 : i32
    %scan3A_804 = arith.constant 128 : i32
    %scan3A_805 = arith.addi %scan3A_803, %scan3A_804 : i32
    %scan3A_806 = arith.constant 1 : i32
    %scan3A_807 = scf.for %scan3A_875 = %scan3A_803 to %scan3A_805 step %scan3A_806 iter_args(%scan3A_876 = %broadcast_in_dim3A_802) -> (vector<16xi32>)  : i32 {
      %mul3A_877 = arith.constant 16 : i32
      %mul3A_878 = arith.muli %scan3A_875, %mul3A_877 : i32
      %get3A = arith.constant 6 : i32
      %get3A_879 = arith.index_cast %get3A : i32 to index
      %get3A_880 = arith.index_cast %mul3A_878 : i32 to index
      %get3A_881 = tpu.vector_load %arg6[%get3A_879, %get3A_880] {strides = array<i32>} : memref<8x2048xf32, #tpu.memory_space<vmem>>, vector<16xf32>,
      %mul3A_882 = arith.constant 16 : i32
      %mul3A_883 = arith.muli %scan3A_875, %mul3A_882 : i32
      %add3A_884 = arith.addi %add3A_800, %mul3A_883 : i32
      %add3A_885 = vector.broadcast %add3A_884 : i32 to vector<16xi32>
      %add3A_886 = arith.addi %add3A_885, %iota3A : vector<16xi32>
      %eq3A_887 = vector.broadcast %reduce_max3A_177 : f32 to vector<16xf32>
      %eq3A_888 = arith.cmpf oeq, %get3A_881, %eq3A_887 : vector<16xf32>
      %jit3A_889 = arith.constant 2147483647 : i32
      %broadcast_in_dim3A_890 = vector.broadcast %jit3A_889 : i32 to vector<16xi32>
      %select_n3A_891 = arith.select %eq3A_888, %add3A_886, %broadcast_in_dim3A_890 : vector<16xi1>, vector<16xi32>
      %min3A = arith.minsi %scan3A_876, %select_n3A_891 : vector<16xi32>
      scf.yield %min3A : vector<16xi32>
    }
    %scan3A_808 = arith.constant 128 : i32
    %reduce_min3A_809 = arith.constant true
    %reduce_min3A_810 = vector.broadcast %reduce_min3A_809 : i1 to vector<16xi1>
    %reduce_min3A_811 = arith.constant -2147483648 : i32
    %reduce_min3A_812 = vector.broadcast %reduce_min3A_811 : i32 to vector<16xi32>
    %reduce_min3A_813 = arith.xori %scan3A_807, %reduce_min3A_812 : vector<16xi32>
    %reduce_min3A_814 = tpu.scan <min>, %reduce_min3A_813 masked %reduce_min3A_810 : vector<16xi32>, vector<16xi1> -> vector<16xi32>
    %reduce_min3A_815 = arith.xori %reduce_min3A_814, %reduce_min3A_812 : vector<16xi32>
    %reduce_min3A_816 = vector.extract %reduce_min3A_815[15] : i32 from vector<16xi32>
    %broadcast_in_dim3A_817 = vector.broadcast %reduce_max3A_177 : f32 to vector<16xf32>
    %swap3A_818 = arith.constant 6 : i32
    %swap3A_819 = arith.index_cast %swap3A_818 : i32 to index
    %swap3A_820 = arith.constant 0 : index
    %swap3A_821 = tpu.vector_load %arg8[%swap3A_819, %swap3A_820] {strides = array<i32>} : memref<8x128xf32, #tpu.memory_space<vmem>>, vector<16xf32>,
    tpu.vector_store %arg8[%swap3A_819, %swap3A_820], %broadcast_in_dim3A_817 {strides = array<i32>} : memref<8x128xf32, #tpu.memory_space<vmem>>, vector<16xf32>,
    %broadcast_in_dim3A_822 = vector.broadcast %reduce_sum3A_208 : f32 to vector<16xf32>
    %swap3A_823 = arith.constant 6 : i32
    %swap3A_824 = arith.index_cast %swap3A_823 : i32 to index
    %swap3A_825 = arith.constant 0 : index
    %swap3A_826 = tpu.vector_load %arg9[%swap3A_824, %swap3A_825] {strides = array<i32>} : memref<8x128xf32, #tpu.memory_space<vmem>>, vector<16xf32>,
    tpu.vector_store %arg9[%swap3A_824, %swap3A_825], %broadcast_in_dim3A_822 {strides = array<i32>} : memref<8x128xf32, #tpu.memory_space<vmem>>, vector<16xf32>,
    %broadcast_in_dim3A_827 = vector.broadcast %reduce_min3A_816 : i32 to vector<16xi32>
    %swap3A_828 = arith.constant 6 : i32
    %swap3A_829 = arith.index_cast %swap3A_828 : i32 to index
    %swap3A_830 = arith.constant 0 : index
    %swap3A_831 = tpu.vector_load %arg10[%swap3A_829, %swap3A_830] {strides = array<i32>} : memref<8x128xi32, #tpu.memory_space<vmem>>, vector<16xi32>,
    tpu.vector_store %arg10[%swap3A_829, %swap3A_830], %broadcast_in_dim3A_827 {strides = array<i32>} : memref<8x128xi32, #tpu.memory_space<vmem>>, vector<16xi32>,
    %dma_wait3A_832 = arith.constant 3 : i32
    %dma_wait3A_833 = arith.constant 0 : i32
    %dma_wait3A_834 = arith.constant 0 : i32
    %dma_wait3A_835 = tpu.memref_slice %arg11[%arg1, %dma_wait3A_832, %dma_wait3A_833, %dma_wait3A_834] : memref<16x4x8x2048xf32, #tpu.memory_space<vmem_shared>> -> memref<1x1x8x2048xf32, #tpu.memory_space<vmem_shared>>
    %dma_wait3A_836 = tpu.memref_squeeze %dma_wait3A_835 : memref<1x1x8x2048xf32, #tpu.memory_space<vmem_shared>> -> memref<8x2048xf32, #tpu.memory_space<vmem_shared>>
    %dma_wait3A_837 = arith.constant 0 : i32
    %dma_wait3A_838 = arith.constant 0 : i32
    %dma_wait3A_839 = tpu.memref_slice %arg11[%arg1, %dma_wait3A_832, %dma_wait3A_837, %dma_wait3A_838] : memref<16x4x8x2048xf32, #tpu.memory_space<vmem_shared>> -> memref<1x1x8x2048xf32, #tpu.memory_space<vmem_shared>>
    %dma_wait3A_840 = tpu.memref_squeeze %dma_wait3A_839 : memref<1x1x8x2048xf32, #tpu.memory_space<vmem_shared>> -> memref<8x2048xf32, #tpu.memory_space<vmem_shared>>
    tpu.wait_dma2 semaphore(%arg17 : memref<!tpu.dma_semaphore, #tpu.memory_space<semaphore_mem>>) src(%dma_wait3A_840 : memref<8x2048xf32, #tpu.memory_space<vmem_shared>>) dst(%arg7 : memref<8x2048xf32, #tpu.memory_space<vmem>>)
    %mul3A_841 = arith.constant 2048 : i32
    %mul3A_842 = arith.muli %reduce_min3A_315, %mul3A_841 : i32
    %add3A_843 = arith.addi %mul3A_34, %mul3A_842 : i32
    %broadcast_in_dim3A_844 = arith.constant 2147483647 : i32
    %broadcast_in_dim3A_845 = vector.broadcast %broadcast_in_dim3A_844 : i32 to vector<16xi32>
    %scan3A_846 = arith.constant 0 : i32
    %scan3A_847 = arith.constant 128 : i32
    %scan3A_848 = arith.addi %scan3A_846, %scan3A_847 : i32
    %scan3A_849 = arith.constant 1 : i32
    %scan3A_850 = scf.for %scan3A_875 = %scan3A_846 to %scan3A_848 step %scan3A_849 iter_args(%scan3A_876 = %broadcast_in_dim3A_845) -> (vector<16xi32>)  : i32 {
      %mul3A_877 = arith.constant 16 : i32
      %mul3A_878 = arith.muli %scan3A_875, %mul3A_877 : i32
      %get3A = arith.constant 7 : i32
      %get3A_879 = arith.index_cast %get3A : i32 to index
      %get3A_880 = arith.index_cast %mul3A_878 : i32 to index
      %get3A_881 = tpu.vector_load %arg7[%get3A_879, %get3A_880] {strides = array<i32>} : memref<8x2048xf32, #tpu.memory_space<vmem>>, vector<16xf32>,
      %mul3A_882 = arith.constant 16 : i32
      %mul3A_883 = arith.muli %scan3A_875, %mul3A_882 : i32
      %add3A_884 = arith.addi %add3A_843, %mul3A_883 : i32
      %add3A_885 = vector.broadcast %add3A_884 : i32 to vector<16xi32>
      %add3A_886 = arith.addi %add3A_885, %iota3A : vector<16xi32>
      %eq3A_887 = vector.broadcast %reduce_max3A_181 : f32 to vector<16xf32>
      %eq3A_888 = arith.cmpf oeq, %get3A_881, %eq3A_887 : vector<16xf32>
      %jit3A_889 = arith.constant 2147483647 : i32
      %broadcast_in_dim3A_890 = vector.broadcast %jit3A_889 : i32 to vector<16xi32>
      %select_n3A_891 = arith.select %eq3A_888, %add3A_886, %broadcast_in_dim3A_890 : vector<16xi1>, vector<16xi32>
      %min3A = arith.minsi %scan3A_876, %select_n3A_891 : vector<16xi32>
      scf.yield %min3A : vector<16xi32>
    }
    %scan3A_851 = arith.constant 128 : i32
    %reduce_min3A_852 = arith.constant true
    %reduce_min3A_853 = vector.broadcast %reduce_min3A_852 : i1 to vector<16xi1>
    %reduce_min3A_854 = arith.constant -2147483648 : i32
    %reduce_min3A_855 = vector.broadcast %reduce_min3A_854 : i32 to vector<16xi32>
    %reduce_min3A_856 = arith.xori %scan3A_850, %reduce_min3A_855 : vector<16xi32>
    %reduce_min3A_857 = tpu.scan <min>, %reduce_min3A_856 masked %reduce_min3A_853 : vector<16xi32>, vector<16xi1> -> vector<16xi32>
    %reduce_min3A_858 = arith.xori %reduce_min3A_857, %reduce_min3A_855 : vector<16xi32>
    %reduce_min3A_859 = vector.extract %reduce_min3A_858[15] : i32 from vector<16xi32>
    %broadcast_in_dim3A_860 = vector.broadcast %reduce_max3A_181 : f32 to vector<16xf32>
    %swap3A_861 = arith.constant 7 : i32
    %swap3A_862 = arith.index_cast %swap3A_861 : i32 to index
    %swap3A_863 = arith.constant 0 : index
    %swap3A_864 = tpu.vector_load %arg8[%swap3A_862, %swap3A_863] {strides = array<i32>} : memref<8x128xf32, #tpu.memory_space<vmem>>, vector<16xf32>,
    tpu.vector_store %arg8[%swap3A_862, %swap3A_863], %broadcast_in_dim3A_860 {strides = array<i32>} : memref<8x128xf32, #tpu.memory_space<vmem>>, vector<16xf32>,
    %broadcast_in_dim3A_865 = vector.broadcast %reduce_sum3A_212 : f32 to vector<16xf32>
    %swap3A_866 = arith.constant 7 : i32
    %swap3A_867 = arith.index_cast %swap3A_866 : i32 to index
    %swap3A_868 = arith.constant 0 : index
    %swap3A_869 = tpu.vector_load %arg9[%swap3A_867, %swap3A_868] {strides = array<i32>} : memref<8x128xf32, #tpu.memory_space<vmem>>, vector<16xf32>,
    tpu.vector_store %arg9[%swap3A_867, %swap3A_868], %broadcast_in_dim3A_865 {strides = array<i32>} : memref<8x128xf32, #tpu.memory_space<vmem>>, vector<16xf32>,
    %broadcast_in_dim3A_870 = vector.broadcast %reduce_min3A_859 : i32 to vector<16xi32>
    %swap3A_871 = arith.constant 7 : i32
    %swap3A_872 = arith.index_cast %swap3A_871 : i32 to index
    %swap3A_873 = arith.constant 0 : index
    %swap3A_874 = tpu.vector_load %arg10[%swap3A_872, %swap3A_873] {strides = array<i32>} : memref<8x128xi32, #tpu.memory_space<vmem>>, vector<16xi32>,
    tpu.vector_store %arg10[%swap3A_872, %swap3A_873], %broadcast_in_dim3A_870 {strides = array<i32>} : memref<8x128xi32, #tpu.memory_space<vmem>>, vector<16xi32>,
    "tpu.region"() ({
      %run_scoped3A = tpu.sem_alloc : memref<!tpu.dma_semaphore, #tpu.memory_space<semaphore_mem>>
      %dma_start3A_875 = arith.constant 0 : i32
      %dma_start3A_876 = tpu.memref_slice %arg3[%select_n3A_30, %mul3A_32, %dma_start3A_875] : memref<4x64x128xf32, #tpu.memory_space<hbm>> -> memref<1x8x128xf32, #tpu.memory_space<hbm>>
      %dma_start3A_877 = tpu.memref_squeeze %dma_start3A_876 : memref<1x8x128xf32, #tpu.memory_space<hbm>> -> memref<8x128xf32, #tpu.memory_space<hbm>>
      %dma_start3A_878 = arith.constant 0 : i32
      %dma_start3A_879 = tpu.memref_slice %arg3[%select_n3A_30, %mul3A_32, %dma_start3A_878] : memref<4x64x128xf32, #tpu.memory_space<hbm>> -> memref<1x8x128xf32, #tpu.memory_space<hbm>>
      %dma_start3A_880 = tpu.memref_squeeze %dma_start3A_879 : memref<1x8x128xf32, #tpu.memory_space<hbm>> -> memref<8x128xf32, #tpu.memory_space<hbm>>
      tpu.enqueue_dma source(%arg8 : memref<8x128xf32, #tpu.memory_space<vmem>>) target(%dma_start3A_880 : memref<8x128xf32, #tpu.memory_space<hbm>>) target_semaphore(%run_scoped3A : memref<!tpu.dma_semaphore, #tpu.memory_space<semaphore_mem>>)
      %dma_wait3A_881 = arith.constant 0 : i32
      %dma_wait3A_882 = tpu.memref_slice %arg3[%select_n3A_30, %mul3A_32, %dma_wait3A_881] : memref<4x64x128xf32, #tpu.memory_space<hbm>> -> memref<1x8x128xf32, #tpu.memory_space<hbm>>
      %dma_wait3A_883 = tpu.memref_squeeze %dma_wait3A_882 : memref<1x8x128xf32, #tpu.memory_space<hbm>> -> memref<8x128xf32, #tpu.memory_space<hbm>>
      %dma_wait3A_884 = arith.constant 0 : i32
      %dma_wait3A_885 = tpu.memref_slice %arg3[%select_n3A_30, %mul3A_32, %dma_wait3A_884] : memref<4x64x128xf32, #tpu.memory_space<hbm>> -> memref<1x8x128xf32, #tpu.memory_space<hbm>>
      %dma_wait3A_886 = tpu.memref_squeeze %dma_wait3A_885 : memref<1x8x128xf32, #tpu.memory_space<hbm>> -> memref<8x128xf32, #tpu.memory_space<hbm>>
      tpu.wait_dma2 semaphore(%run_scoped3A : memref<!tpu.dma_semaphore, #tpu.memory_space<semaphore_mem>>) src(%arg8 : memref<8x128xf32, #tpu.memory_space<vmem>>) dst(%dma_wait3A_886 : memref<8x128xf32, #tpu.memory_space<hbm>>)
      tpu.yield
    }) : () -> ()
    "tpu.region"() ({
      %run_scoped3A = tpu.sem_alloc : memref<!tpu.dma_semaphore, #tpu.memory_space<semaphore_mem>>
      %dma_start3A_875 = arith.constant 0 : i32
      %dma_start3A_876 = tpu.memref_slice %arg4[%select_n3A_30, %mul3A_32, %dma_start3A_875] : memref<4x64x128xf32, #tpu.memory_space<hbm>> -> memref<1x8x128xf32, #tpu.memory_space<hbm>>
      %dma_start3A_877 = tpu.memref_squeeze %dma_start3A_876 : memref<1x8x128xf32, #tpu.memory_space<hbm>> -> memref<8x128xf32, #tpu.memory_space<hbm>>
      %dma_start3A_878 = arith.constant 0 : i32
      %dma_start3A_879 = tpu.memref_slice %arg4[%select_n3A_30, %mul3A_32, %dma_start3A_878] : memref<4x64x128xf32, #tpu.memory_space<hbm>> -> memref<1x8x128xf32, #tpu.memory_space<hbm>>
      %dma_start3A_880 = tpu.memref_squeeze %dma_start3A_879 : memref<1x8x128xf32, #tpu.memory_space<hbm>> -> memref<8x128xf32, #tpu.memory_space<hbm>>
      tpu.enqueue_dma source(%arg9 : memref<8x128xf32, #tpu.memory_space<vmem>>) target(%dma_start3A_880 : memref<8x128xf32, #tpu.memory_space<hbm>>) target_semaphore(%run_scoped3A : memref<!tpu.dma_semaphore, #tpu.memory_space<semaphore_mem>>)
      %dma_wait3A_881 = arith.constant 0 : i32
      %dma_wait3A_882 = tpu.memref_slice %arg4[%select_n3A_30, %mul3A_32, %dma_wait3A_881] : memref<4x64x128xf32, #tpu.memory_space<hbm>> -> memref<1x8x128xf32, #tpu.memory_space<hbm>>
      %dma_wait3A_883 = tpu.memref_squeeze %dma_wait3A_882 : memref<1x8x128xf32, #tpu.memory_space<hbm>> -> memref<8x128xf32, #tpu.memory_space<hbm>>
      %dma_wait3A_884 = arith.constant 0 : i32
      %dma_wait3A_885 = tpu.memref_slice %arg4[%select_n3A_30, %mul3A_32, %dma_wait3A_884] : memref<4x64x128xf32, #tpu.memory_space<hbm>> -> memref<1x8x128xf32, #tpu.memory_space<hbm>>
      %dma_wait3A_886 = tpu.memref_squeeze %dma_wait3A_885 : memref<1x8x128xf32, #tpu.memory_space<hbm>> -> memref<8x128xf32, #tpu.memory_space<hbm>>
      tpu.wait_dma2 semaphore(%run_scoped3A : memref<!tpu.dma_semaphore, #tpu.memory_space<semaphore_mem>>) src(%arg9 : memref<8x128xf32, #tpu.memory_space<vmem>>) dst(%dma_wait3A_886 : memref<8x128xf32, #tpu.memory_space<hbm>>)
      tpu.yield
    }) : () -> ()
    "tpu.region"() ({
      %run_scoped3A = tpu.sem_alloc : memref<!tpu.dma_semaphore, #tpu.memory_space<semaphore_mem>>
      %dma_start3A_875 = arith.constant 0 : i32
      %dma_start3A_876 = tpu.memref_slice %arg5[%select_n3A_30, %mul3A_32, %dma_start3A_875] : memref<4x64x128xi32, #tpu.memory_space<hbm>> -> memref<1x8x128xi32, #tpu.memory_space<hbm>>
      %dma_start3A_877 = tpu.memref_squeeze %dma_start3A_876 : memref<1x8x128xi32, #tpu.memory_space<hbm>> -> memref<8x128xi32, #tpu.memory_space<hbm>>
      %dma_start3A_878 = arith.constant 0 : i32
      %dma_start3A_879 = tpu.memref_slice %arg5[%select_n3A_30, %mul3A_32, %dma_start3A_878] : memref<4x64x128xi32, #tpu.memory_space<hbm>> -> memref<1x8x128xi32, #tpu.memory_space<hbm>>
      %dma_start3A_880 = tpu.memref_squeeze %dma_start3A_879 : memref<1x8x128xi32, #tpu.memory_space<hbm>> -> memref<8x128xi32, #tpu.memory_space<hbm>>
      tpu.enqueue_dma source(%arg10 : memref<8x128xi32, #tpu.memory_space<vmem>>) target(%dma_start3A_880 : memref<8x128xi32, #tpu.memory_space<hbm>>) target_semaphore(%run_scoped3A : memref<!tpu.dma_semaphore, #tpu.memory_space<semaphore_mem>>)
      %dma_wait3A_881 = arith.constant 0 : i32
      %dma_wait3A_882 = tpu.memref_slice %arg5[%select_n3A_30, %mul3A_32, %dma_wait3A_881] : memref<4x64x128xi32, #tpu.memory_space<hbm>> -> memref<1x8x128xi32, #tpu.memory_space<hbm>>
      %dma_wait3A_883 = tpu.memref_squeeze %dma_wait3A_882 : memref<1x8x128xi32, #tpu.memory_space<hbm>> -> memref<8x128xi32, #tpu.memory_space<hbm>>
      %dma_wait3A_884 = arith.constant 0 : i32
      %dma_wait3A_885 = tpu.memref_slice %arg5[%select_n3A_30, %mul3A_32, %dma_wait3A_884] : memref<4x64x128xi32, #tpu.memory_space<hbm>> -> memref<1x8x128xi32, #tpu.memory_space<hbm>>
      %dma_wait3A_886 = tpu.memref_squeeze %dma_wait3A_885 : memref<1x8x128xi32, #tpu.memory_space<hbm>> -> memref<8x128xi32, #tpu.memory_space<hbm>>
      tpu.wait_dma2 semaphore(%run_scoped3A : memref<!tpu.dma_semaphore, #tpu.memory_space<semaphore_mem>>) src(%arg10 : memref<8x128xi32, #tpu.memory_space<vmem>>) dst(%dma_wait3A_886 : memref<8x128xi32, #tpu.memory_space<hbm>>)
      tpu.yield
    }) : () -> ()
    return
  }
}

module attributes {stable_mosaic.version = 14 : i64} {
  func.func @_tc_reduce_body(%arg0: i32, %arg1: memref<64x16384xf32, #tpu.memory_space<vmem>>, %arg2: memref<64x576xf32, #tpu.memory_space<vmem>>, %arg3: memref<64x1xf32, #tpu.memory_space<vmem>>, %arg4: memref<64x1xi32, #tpu.memory_space<vmem>>, %arg5: memref<64x1xf32, #tpu.memory_space<vmem>>, %arg6: memref<64x128xf32, #tpu.memory_space<vmem>>, %arg7: memref<64x128xf32, #tpu.memory_space<vmem>>, %arg8: memref<64x128xi32, #tpu.memory_space<vmem>>) attributes {dimension_semantics = [#tpu.dimension_semantics<arbitrary>], iteration_bounds = array<i64: 33>, scalar_prefetch = 0 : i64, scratch_operands = 3 : i64, tpu.core_type = #tpu.core_type<tc>, window_params = [{transform_indices = @transform_0, window_bounds = array<i64: 64, 16384>}, {pipeline_mode = #tpu.pipeline_mode<synchronous>, transform_indices = @transform_1, window_bounds = array<i64: 64, 576>}, {pipeline_mode = #tpu.pipeline_mode<synchronous>, transform_indices = @transform_2, window_bounds = array<i64: 64, 1>}, {pipeline_mode = #tpu.pipeline_mode<synchronous>, transform_indices = @transform_3, window_bounds = array<i64: 64, 1>}, {pipeline_mode = #tpu.pipeline_mode<synchronous>, transform_indices = @transform_4, window_bounds = array<i64: 64, 1>}]} {
    %eq3A = arith.constant 0 : i32
    %eq3A_0 = arith.cmpi eq, %arg0, %eq3A : i32
    %convert_element_type3A = arith.extui %eq3A_0 : i1 to i32
    %cond3A = arith.constant 0 : i32
    %cond3A_1 = arith.cmpi ne, %convert_element_type3A, %cond3A : i32
    scf.if %cond3A_1 {
      %broadcast_in_dim3A = arith.constant -3.000000e+38 : f32
      %broadcast_in_dim3A_28 = vector.broadcast %broadcast_in_dim3A : f32 to vector<64x128xf32>
      %swap3A_29 = arith.constant 0 : index
      %swap3A_30 = arith.constant 0 : index
      %swap3A_31 = vector.load %arg6[%swap3A_29, %swap3A_30] : memref<64x128xf32, #tpu.memory_space<vmem>>, vector<64x128xf32>
      tpu.vector_store %arg6[%swap3A_29, %swap3A_30], %broadcast_in_dim3A_28 {strides = array<i32>} : memref<64x128xf32, #tpu.memory_space<vmem>>, vector<64x128xf32>,
      %broadcast_in_dim3A_32 = arith.constant 0.000000e+00 : f32
      %broadcast_in_dim3A_33 = vector.broadcast %broadcast_in_dim3A_32 : f32 to vector<64x128xf32>
      %swap3A_34 = arith.constant 0 : index
      %swap3A_35 = arith.constant 0 : index
      %swap3A_36 = vector.load %arg7[%swap3A_34, %swap3A_35] : memref<64x128xf32, #tpu.memory_space<vmem>>, vector<64x128xf32>
      tpu.vector_store %arg7[%swap3A_34, %swap3A_35], %broadcast_in_dim3A_33 {strides = array<i32>} : memref<64x128xf32, #tpu.memory_space<vmem>>, vector<64x128xf32>,
      %broadcast_in_dim3A_37 = arith.constant 0 : i32
      %broadcast_in_dim3A_38 = vector.broadcast %broadcast_in_dim3A_37 : i32 to vector<64x128xi32>
      %swap3A_39 = arith.constant 0 : index
      %swap3A_40 = arith.constant 0 : index
      %swap3A_41 = vector.load %arg8[%swap3A_39, %swap3A_40] : memref<64x128xi32, #tpu.memory_space<vmem>>, vector<64x128xi32>
      tpu.vector_store %arg8[%swap3A_39, %swap3A_40], %broadcast_in_dim3A_38 {strides = array<i32>} : memref<64x128xi32, #tpu.memory_space<vmem>>, vector<64x128xi32>,
    } else {
    }
    %get3A = arith.constant 0 : index
    %get3A_2 = arith.constant 0 : index
    %get3A_3 = vector.load %arg6[%get3A, %get3A_2] : memref<64x128xf32, #tpu.memory_space<vmem>>, vector<64x128xf32>
    %get3A_4 = arith.constant 0 : index
    %get3A_5 = arith.constant 0 : index
    %get3A_6 = vector.load %arg7[%get3A_4, %get3A_5] : memref<64x128xf32, #tpu.memory_space<vmem>>, vector<64x128xf32>
    %get3A_7 = arith.constant 0 : index
    %get3A_8 = arith.constant 0 : index
    %get3A_9 = vector.load %arg8[%get3A_7, %get3A_8] : memref<64x128xi32, #tpu.memory_space<vmem>>, vector<64x128xi32>
    %scan3A = arith.constant 0 : i32
    %scan3A_10 = arith.constant 128 : i32
    %scan3A_11 = arith.addi %scan3A, %scan3A_10 : i32
    %scan3A_12 = arith.constant 1 : i32
    %scan3A_13:3 = scf.for %scan3A_28 = %scan3A to %scan3A_11 step %scan3A_12 iter_args(%scan3A_29 = %get3A_3, %scan3A_30 = %get3A_6, %scan3A_31 = %get3A_9) -> (vector<64x128xf32>, vector<64x128xf32>, vector<64x128xi32>)  : i32 {
      %mul3A = arith.constant 128 : i32
      %mul3A_32 = arith.muli %scan3A_28, %mul3A : i32
      %get3A_33 = arith.constant 0 : index
      %get3A_34 = arith.index_cast %mul3A_32 : i32 to index
      %get3A_35 = vector.load %arg1[%get3A_33, %get3A_34] : memref<64x16384xf32, #tpu.memory_space<vmem>>, vector<64x128xf32>
      %max3A = arith.maximumf %scan3A_29, %get3A_35 : vector<64x128xf32>
      %exp3A = math.exp %get3A_35 : vector<64x128xf32>
      %add3A = arith.addf %scan3A_30, %exp3A : vector<64x128xf32>
      %ne3A = arith.cmpf one, %max3A, %scan3A_29 : vector<64x128xf32>
      %mul3A_36 = arith.constant 128 : i32
      %mul3A_37 = arith.muli %arg0, %mul3A_36 : i32
      %add3A_38 = arith.addi %mul3A_37, %scan3A_28 : i32
      %broadcast_in_dim3A = vector.broadcast %add3A_38 : i32 to vector<64x128xi32>
      %select_n3A = arith.select %ne3A, %broadcast_in_dim3A, %scan3A_31 : vector<64x128xi1>, vector<64x128xi32>
      scf.yield %max3A, %add3A, %select_n3A : vector<64x128xf32>, vector<64x128xf32>, vector<64x128xi32>
    }
    %scan3A_14 = arith.constant 128 : i32
    %swap3A = arith.constant 0 : index
    %swap3A_15 = arith.constant 0 : index
    %swap3A_16 = vector.load %arg6[%swap3A, %swap3A_15] : memref<64x128xf32, #tpu.memory_space<vmem>>, vector<64x128xf32>
    tpu.vector_store %arg6[%swap3A, %swap3A_15], %scan3A_13#0 {strides = array<i32>} : memref<64x128xf32, #tpu.memory_space<vmem>>, vector<64x128xf32>,
    %swap3A_17 = arith.constant 0 : index
    %swap3A_18 = arith.constant 0 : index
    %swap3A_19 = vector.load %arg7[%swap3A_17, %swap3A_18] : memref<64x128xf32, #tpu.memory_space<vmem>>, vector<64x128xf32>
    tpu.vector_store %arg7[%swap3A_17, %swap3A_18], %scan3A_13#1 {strides = array<i32>} : memref<64x128xf32, #tpu.memory_space<vmem>>, vector<64x128xf32>,
    %swap3A_20 = arith.constant 0 : index
    %swap3A_21 = arith.constant 0 : index
    %swap3A_22 = vector.load %arg8[%swap3A_20, %swap3A_21] : memref<64x128xi32, #tpu.memory_space<vmem>>, vector<64x128xi32>
    tpu.vector_store %arg8[%swap3A_20, %swap3A_21], %scan3A_13#2 {strides = array<i32>} : memref<64x128xi32, #tpu.memory_space<vmem>>, vector<64x128xi32>,
    %eq3A_23 = arith.constant 32 : i32
    %eq3A_24 = arith.cmpi eq, %arg0, %eq3A_23 : i32
    %convert_element_type3A_25 = arith.extui %eq3A_24 : i1 to i32
    %cond3A_26 = arith.constant 0 : i32
    %cond3A_27 = arith.cmpi ne, %convert_element_type3A_25, %cond3A_26 : i32
    scf.if %cond3A_27 {
      %reduce_max3A = arith.constant dense<0xFF800000> : vector<64xf32>
      %reduce_max3A_28 = vector.multi_reduction <maximumf>, %scan3A_13#0, %reduce_max3A [1] : vector<64x128xf32> to vector<64xf32>
      %broadcast_in_dim3A = vector.shape_cast %reduce_max3A_28 : vector<64xf32> to vector<64x1xf32>
      %iota3A = tpu.iota {dimensions = array<i32: 1>} : vector<64x128xi32>
      %eq3A_29 = vector.broadcast %broadcast_in_dim3A : vector<64x1xf32> to vector<64x128xf32>
      %eq3A_30 = arith.cmpf oeq, %scan3A_13#0, %eq3A_29 : vector<64x128xf32>
      %mul3A = arith.constant 128 : i32
      %mul3A_31 = vector.broadcast %mul3A : i32 to vector<64x128xi32>
      %mul3A_32 = arith.muli %scan3A_13#2, %mul3A_31 : vector<64x128xi32>
      %add3A = arith.addi %mul3A_32, %iota3A : vector<64x128xi32>
      %jit3A = arith.constant 2147483647 : i32
      %broadcast_in_dim3A_33 = vector.broadcast %jit3A : i32 to vector<64x128xi32>
      %select_n3A = arith.select %eq3A_30, %add3A, %broadcast_in_dim3A_33 : vector<64x128xi1>, vector<64x128xi32>
      %reduce_min3A = arith.constant dense<2147483647> : vector<64xi32>
      %reduce_min3A_34 = vector.multi_reduction <minsi>, %select_n3A, %reduce_min3A [1] : vector<64x128xi32> to vector<64xi32>
      %broadcast_in_dim3A_35 = vector.shape_cast %reduce_min3A_34 : vector<64xi32> to vector<64x1xi32>
      %add3A_36 = arith.constant 458752 : i32
      %add3A_37 = vector.broadcast %add3A_36 : i32 to vector<64x1xi32>
      %add3A_38 = arith.addi %add3A_37, %broadcast_in_dim3A_35 : vector<64x1xi32>
      %reduce_sum3A = arith.constant dense<0.000000e+00> : vector<64xf32>
      %reduce_sum3A_39 = vector.multi_reduction <add>, %scan3A_13#1, %reduce_sum3A [1] : vector<64x128xf32> to vector<64xf32>
      %broadcast_in_dim3A_40 = vector.shape_cast %reduce_sum3A_39 : vector<64xf32> to vector<64x1xf32>
      %get3A_41 = arith.constant 0 : index
      %get3A_42 = arith.constant 0 : index
      %get3A_43 = vector.load %arg2[%get3A_41, %get3A_42] : memref<64x576xf32, #tpu.memory_space<vmem>>, vector<64x576xf32>
      %reduce_max3A_44 = arith.constant dense<0xFF800000> : vector<64xf32>
      %reduce_max3A_45 = vector.multi_reduction <maximumf>, %get3A_43, %reduce_max3A_44 [1] : vector<64x576xf32> to vector<64xf32>
      %broadcast_in_dim3A_46 = vector.shape_cast %reduce_max3A_45 : vector<64xf32> to vector<64x1xf32>
      %iota3A_47 = tpu.iota {dimensions = array<i32: 1>} : vector<64x576xi32>
      %eq3A_48 = vector.broadcast %broadcast_in_dim3A_46 : vector<64x1xf32> to vector<64x576xf32>
      %eq3A_49 = arith.cmpf oeq, %get3A_43, %eq3A_48 : vector<64x576xf32>
      %add3A_50 = arith.constant 999424 : i32
      %add3A_51 = vector.broadcast %add3A_50 : i32 to vector<64x576xi32>
      %add3A_52 = arith.addi %iota3A_47, %add3A_51 : vector<64x576xi32>
      %jit3A_53 = arith.constant 2147483647 : i32
      %broadcast_in_dim3A_54 = vector.broadcast %jit3A_53 : i32 to vector<64x576xi32>
      %select_n3A_55 = arith.select %eq3A_49, %add3A_52, %broadcast_in_dim3A_54 : vector<64x576xi1>, vector<64x576xi32>
      %reduce_min3A_56 = arith.constant dense<2147483647> : vector<64xi32>
      %reduce_min3A_57 = vector.multi_reduction <minsi>, %select_n3A_55, %reduce_min3A_56 [1] : vector<64x576xi32> to vector<64xi32>
      %broadcast_in_dim3A_58 = vector.shape_cast %reduce_min3A_57 : vector<64xi32> to vector<64x1xi32>
      %gt3A = arith.cmpf ogt, %broadcast_in_dim3A_46, %broadcast_in_dim3A : vector<64x1xf32>
      %select_n3A_59 = arith.select %gt3A, %broadcast_in_dim3A_58, %add3A_38 : vector<64x1xi1>, vector<64x1xi32>
      %select_n3A_60 = arith.select %gt3A, %broadcast_in_dim3A_46, %broadcast_in_dim3A : vector<64x1xi1>, vector<64x1xf32>
      %exp3A = math.exp %get3A_43 : vector<64x576xf32>
      %reduce_sum3A_61 = arith.constant dense<0.000000e+00> : vector<64xf32>
      %reduce_sum3A_62 = vector.multi_reduction <add>, %exp3A, %reduce_sum3A_61 [1] : vector<64x576xf32> to vector<64xf32>
      %broadcast_in_dim3A_63 = vector.shape_cast %reduce_sum3A_62 : vector<64xf32> to vector<64x1xf32>
      %add3A_64 = arith.addf %broadcast_in_dim3A_40, %broadcast_in_dim3A_63 : vector<64x1xf32>
      %swap3A_65 = arith.constant 0 : index
      %swap3A_66 = arith.constant 0 : index
      %swap3A_67 = vector.load %arg3[%swap3A_65, %swap3A_66] : memref<64x1xf32, #tpu.memory_space<vmem>>, vector<64x1xf32>
      tpu.vector_store %arg3[%swap3A_65, %swap3A_66], %select_n3A_60 {strides = array<i32>} : memref<64x1xf32, #tpu.memory_space<vmem>>, vector<64x1xf32>,
      %swap3A_68 = arith.constant 0 : index
      %swap3A_69 = arith.constant 0 : index
      %swap3A_70 = vector.load %arg4[%swap3A_68, %swap3A_69] : memref<64x1xi32, #tpu.memory_space<vmem>>, vector<64x1xi32>
      tpu.vector_store %arg4[%swap3A_68, %swap3A_69], %select_n3A_59 {strides = array<i32>} : memref<64x1xi32, #tpu.memory_space<vmem>>, vector<64x1xi32>,
      %swap3A_71 = arith.constant 0 : index
      %swap3A_72 = arith.constant 0 : index
      %swap3A_73 = vector.load %arg5[%swap3A_71, %swap3A_72] : memref<64x1xf32, #tpu.memory_space<vmem>>, vector<64x1xf32>
      tpu.vector_store %arg5[%swap3A_71, %swap3A_72], %add3A_64 {strides = array<i32>} : memref<64x1xf32, #tpu.memory_space<vmem>>, vector<64x1xf32>,
    } else {
    }
    return
  }
  func.func @transform_0(%arg0: i32) -> (i32, i32) {
    %add3A = arith.constant 28 : i32
    %add3A_0 = arith.addi %add3A, %arg0 : i32
    %c0_i32 = arith.constant 0 : i32
    %c0_i32_1 = arith.constant 0 : i32
    return %c0_i32, %add3A_0 : i32, i32
  }
  func.func @transform_1(%arg0: i32) -> (i32, i32) {
    %c0_i32 = arith.constant 0 : i32
    %c0_i32_0 = arith.constant 0 : i32
    %c0_i32_1 = arith.constant 0 : i32
    return %c0_i32, %c0_i32_0 : i32, i32
  }
  func.func @transform_2(%arg0: i32) -> (i32, i32) {
    %c0_i32 = arith.constant 0 : i32
    %c0_i32_0 = arith.constant 0 : i32
    %c0_i32_1 = arith.constant 0 : i32
    return %c0_i32, %c0_i32_0 : i32, i32
  }
  func.func @transform_3(%arg0: i32) -> (i32, i32) {
    %c0_i32 = arith.constant 0 : i32
    %c0_i32_0 = arith.constant 0 : i32
    %c0_i32_1 = arith.constant 0 : i32
    return %c0_i32, %c0_i32_0 : i32, i32
  }
  func.func @transform_4(%arg0: i32) -> (i32, i32) {
    %c0_i32 = arith.constant 0 : i32
    %c0_i32_0 = arith.constant 0 : i32
    %c0_i32_1 = arith.constant 0 : i32
    return %c0_i32, %c0_i32_0 : i32, i32
  }
}

module attributes {stable_mosaic.version = 14 : i64} {
  func.func @_ep_body(%arg0: memref<4x64x128xf32, #tpu.memory_space<vmem>>, %arg1: memref<4x64x128xf32, #tpu.memory_space<vmem>>, %arg2: memref<4x64x128xi32, #tpu.memory_space<vmem>>, %arg3: memref<64x1xf32, #tpu.memory_space<vmem>>, %arg4: memref<64x1xi32, #tpu.memory_space<vmem>>, %arg5: memref<64x1xf32, #tpu.memory_space<vmem>>, %arg6: memref<64x2048xi32, #tpu.memory_space<vmem>>, %arg7: memref<64x1xi32, #tpu.memory_space<vmem>>, %arg8: memref<64x1xf32, #tpu.memory_space<vmem>>, %arg9: memref<64x2049xi32, #tpu.memory_space<vmem>>, %arg10: memref<64x1xi32, #tpu.memory_space<vmem>>, %arg11: memref<64x1xf32, #tpu.memory_space<vmem>>) attributes {dimension_semantics = [], scalar_prefetch = 0 : i64, scratch_operands = 0 : i64, tpu.core_type = #tpu.core_type<tc>} {
    %get3A = arith.constant 0 : index
    %get3A_0 = arith.constant 0 : index
    %get3A_1 = arith.constant 0 : index
    %get3A_2 = vector.load %arg0[%get3A, %get3A_0, %get3A_1] : memref<4x64x128xf32, #tpu.memory_space<vmem>>, vector<1x64x1xf32>
    %get3A_3 = vector.shape_cast %get3A_2 : vector<1x64x1xf32> to vector<64x1xf32>
    %get3A_4 = arith.constant 0 : index
    %get3A_5 = arith.constant 0 : index
    %get3A_6 = arith.constant 0 : index
    %get3A_7 = vector.load %arg2[%get3A_4, %get3A_5, %get3A_6] : memref<4x64x128xi32, #tpu.memory_space<vmem>>, vector<1x64x1xi32>
    %get3A_8 = vector.shape_cast %get3A_7 : vector<1x64x1xi32> to vector<64x1xi32>
    %get3A_9 = arith.constant 0 : index
    %get3A_10 = arith.constant 0 : index
    %get3A_11 = arith.constant 0 : index
    %get3A_12 = vector.load %arg1[%get3A_9, %get3A_10, %get3A_11] : memref<4x64x128xf32, #tpu.memory_space<vmem>>, vector<1x64x1xf32>
    %get3A_13 = vector.shape_cast %get3A_12 : vector<1x64x1xf32> to vector<64x1xf32>
    %get3A_14 = arith.constant 1 : index
    %get3A_15 = arith.constant 0 : index
    %get3A_16 = arith.constant 0 : index
    %get3A_17 = vector.load %arg0[%get3A_14, %get3A_15, %get3A_16] : memref<4x64x128xf32, #tpu.memory_space<vmem>>, vector<1x64x1xf32>
    %get3A_18 = vector.shape_cast %get3A_17 : vector<1x64x1xf32> to vector<64x1xf32>
    %gt3A = arith.cmpf ogt, %get3A_18, %get3A_3 : vector<64x1xf32>
    %get3A_19 = arith.constant 1 : index
    %get3A_20 = arith.constant 0 : index
    %get3A_21 = arith.constant 0 : index
    %get3A_22 = vector.load %arg2[%get3A_19, %get3A_20, %get3A_21] : memref<4x64x128xi32, #tpu.memory_space<vmem>>, vector<1x64x1xi32>
    %get3A_23 = vector.shape_cast %get3A_22 : vector<1x64x1xi32> to vector<64x1xi32>
    %select_n3A = arith.select %gt3A, %get3A_23, %get3A_8 : vector<64x1xi1>, vector<64x1xi32>
    %select_n3A_24 = arith.select %gt3A, %get3A_18, %get3A_3 : vector<64x1xi1>, vector<64x1xf32>
    %get3A_25 = arith.constant 1 : index
    %get3A_26 = arith.constant 0 : index
    %get3A_27 = arith.constant 0 : index
    %get3A_28 = vector.load %arg1[%get3A_25, %get3A_26, %get3A_27] : memref<4x64x128xf32, #tpu.memory_space<vmem>>, vector<1x64x1xf32>
    %get3A_29 = vector.shape_cast %get3A_28 : vector<1x64x1xf32> to vector<64x1xf32>
    %add3A = arith.addf %get3A_13, %get3A_29 : vector<64x1xf32>
    %get3A_30 = arith.constant 2 : index
    %get3A_31 = arith.constant 0 : index
    %get3A_32 = arith.constant 0 : index
    %get3A_33 = vector.load %arg0[%get3A_30, %get3A_31, %get3A_32] : memref<4x64x128xf32, #tpu.memory_space<vmem>>, vector<1x64x1xf32>
    %get3A_34 = vector.shape_cast %get3A_33 : vector<1x64x1xf32> to vector<64x1xf32>
    %gt3A_35 = arith.cmpf ogt, %get3A_34, %select_n3A_24 : vector<64x1xf32>
    %get3A_36 = arith.constant 2 : index
    %get3A_37 = arith.constant 0 : index
    %get3A_38 = arith.constant 0 : index
    %get3A_39 = vector.load %arg2[%get3A_36, %get3A_37, %get3A_38] : memref<4x64x128xi32, #tpu.memory_space<vmem>>, vector<1x64x1xi32>
    %get3A_40 = vector.shape_cast %get3A_39 : vector<1x64x1xi32> to vector<64x1xi32>
    %select_n3A_41 = arith.select %gt3A_35, %get3A_40, %select_n3A : vector<64x1xi1>, vector<64x1xi32>
    %select_n3A_42 = arith.select %gt3A_35, %get3A_34, %select_n3A_24 : vector<64x1xi1>, vector<64x1xf32>
    %get3A_43 = arith.constant 2 : index
    %get3A_44 = arith.constant 0 : index
    %get3A_45 = arith.constant 0 : index
    %get3A_46 = vector.load %arg1[%get3A_43, %get3A_44, %get3A_45] : memref<4x64x128xf32, #tpu.memory_space<vmem>>, vector<1x64x1xf32>
    %get3A_47 = vector.shape_cast %get3A_46 : vector<1x64x1xf32> to vector<64x1xf32>
    %add3A_48 = arith.addf %add3A, %get3A_47 : vector<64x1xf32>
    %get3A_49 = arith.constant 3 : index
    %get3A_50 = arith.constant 0 : index
    %get3A_51 = arith.constant 0 : index
    %get3A_52 = vector.load %arg0[%get3A_49, %get3A_50, %get3A_51] : memref<4x64x128xf32, #tpu.memory_space<vmem>>, vector<1x64x1xf32>
    %get3A_53 = vector.shape_cast %get3A_52 : vector<1x64x1xf32> to vector<64x1xf32>
    %gt3A_54 = arith.cmpf ogt, %get3A_53, %select_n3A_42 : vector<64x1xf32>
    %get3A_55 = arith.constant 3 : index
    %get3A_56 = arith.constant 0 : index
    %get3A_57 = arith.constant 0 : index
    %get3A_58 = vector.load %arg2[%get3A_55, %get3A_56, %get3A_57] : memref<4x64x128xi32, #tpu.memory_space<vmem>>, vector<1x64x1xi32>
    %get3A_59 = vector.shape_cast %get3A_58 : vector<1x64x1xi32> to vector<64x1xi32>
    %select_n3A_60 = arith.select %gt3A_54, %get3A_59, %select_n3A_41 : vector<64x1xi1>, vector<64x1xi32>
    %select_n3A_61 = arith.select %gt3A_54, %get3A_53, %select_n3A_42 : vector<64x1xi1>, vector<64x1xf32>
    %get3A_62 = arith.constant 3 : index
    %get3A_63 = arith.constant 0 : index
    %get3A_64 = arith.constant 0 : index
    %get3A_65 = vector.load %arg1[%get3A_62, %get3A_63, %get3A_64] : memref<4x64x128xf32, #tpu.memory_space<vmem>>, vector<1x64x1xf32>
    %get3A_66 = vector.shape_cast %get3A_65 : vector<1x64x1xf32> to vector<64x1xf32>
    %add3A_67 = arith.addf %add3A_48, %get3A_66 : vector<64x1xf32>
    %get3A_68 = arith.constant 0 : index
    %get3A_69 = arith.constant 0 : index
    %get3A_70 = vector.load %arg3[%get3A_68, %get3A_69] : memref<64x1xf32, #tpu.memory_space<vmem>>, vector<64x1xf32>
    %gt3A_71 = arith.cmpf ogt, %get3A_70, %select_n3A_61 : vector<64x1xf32>
    %get3A_72 = arith.constant 0 : index
    %get3A_73 = arith.constant 0 : index
    %get3A_74 = vector.load %arg4[%get3A_72, %get3A_73] : memref<64x1xi32, #tpu.memory_space<vmem>>, vector<64x1xi32>
    %select_n3A_75 = arith.select %gt3A_71, %get3A_74, %select_n3A_60 : vector<64x1xi1>, vector<64x1xi32>
    %select_n3A_76 = arith.select %gt3A_71, %get3A_70, %select_n3A_61 : vector<64x1xi1>, vector<64x1xf32>
    %get3A_77 = arith.constant 0 : index
    %get3A_78 = arith.constant 0 : index
    %get3A_79 = vector.load %arg5[%get3A_77, %get3A_78] : memref<64x1xf32, #tpu.memory_space<vmem>>, vector<64x1xf32>
    %add3A_80 = arith.addf %add3A_67, %get3A_79 : vector<64x1xf32>
    %get3A_81 = arith.constant 0 : index
    %get3A_82 = arith.constant 0 : index
    %get3A_83 = vector.load %arg7[%get3A_81, %get3A_82] : memref<64x1xi32, #tpu.memory_space<vmem>>, vector<64x1xi32>
    %ne3A = arith.constant 0 : i32
    %ne3A_84 = vector.broadcast %ne3A : i32 to vector<64x1xi32>
    %ne3A_85 = arith.cmpi ne, %get3A_83, %ne3A_84 : vector<64x1xi32>
    %log3A = math.log %add3A_80 : vector<64x1xf32>
    %sub3A = arith.subf %select_n3A_76, %log3A : vector<64x1xf32>
    %get3A_86 = arith.constant 0 : index
    %get3A_87 = arith.constant 0 : index
    %get3A_88 = vector.load %arg8[%get3A_86, %get3A_87] : memref<64x1xf32, #tpu.memory_space<vmem>>, vector<64x1xf32>
    %jit3A = arith.constant 0.000000e+00 : f32
    %broadcast_in_dim3A = vector.broadcast %jit3A : f32 to vector<64x1xf32>
    %select_n3A_89 = arith.select %ne3A_85, %broadcast_in_dim3A, %sub3A : vector<64x1xi1>, vector<64x1xf32>
    %add3A_90 = arith.addf %get3A_88, %select_n3A_89 : vector<64x1xf32>
    %swap3A = arith.constant 0 : index
    %swap3A_91 = arith.constant 0 : index
    %swap3A_92 = vector.load %arg11[%swap3A, %swap3A_91] : memref<64x1xf32, #tpu.memory_space<vmem>>, vector<64x1xf32>
    tpu.vector_store %arg11[%swap3A, %swap3A_91], %add3A_90 {strides = array<i32>} : memref<64x1xf32, #tpu.memory_space<vmem>>, vector<64x1xf32>,
    %jit3A_93 = arith.constant 2 : i32
    %broadcast_in_dim3A_94 = vector.broadcast %jit3A_93 : i32 to vector<64x1xi32>
    %select_n3A_95 = arith.select %ne3A_85, %broadcast_in_dim3A_94, %select_n3A_75 : vector<64x1xi1>, vector<64x1xi32>
    %eq3A = arith.constant 2 : i32
    %eq3A_96 = vector.broadcast %eq3A : i32 to vector<64x1xi32>
    %eq3A_97 = arith.cmpi eq, %select_n3A_95, %eq3A_96 : vector<64x1xi32>
    %or3A = arith.ori %ne3A_85, %eq3A_97 : vector<64x1xi1>
    %convert_element_type3A = arith.extui %or3A : vector<64x1xi1> to vector<64x1xi32>
    %swap3A_98 = arith.constant 0 : index
    %swap3A_99 = arith.constant 0 : index
    %swap3A_100 = vector.load %arg10[%swap3A_98, %swap3A_99] : memref<64x1xi32, #tpu.memory_space<vmem>>, vector<64x1xi32>
    tpu.vector_store %arg10[%swap3A_98, %swap3A_99], %convert_element_type3A {strides = array<i32>} : memref<64x1xi32, #tpu.memory_space<vmem>>, vector<64x1xi32>,
    %get3A_101 = arith.constant 0 : index
    %get3A_102 = arith.constant 0 : index
    %get3A_103 = vector.load %arg6[%get3A_101, %get3A_102] : memref<64x2048xi32, #tpu.memory_space<vmem>>, vector<64x2048xi32>
    %swap3A_104 = arith.constant 0 : index
    %swap3A_105 = arith.constant 0 : index
    %swap3A_106 = vector.load %arg9[%swap3A_104, %swap3A_105] : memref<64x2049xi32, #tpu.memory_space<vmem>>, vector<64x2048xi32>
    tpu.vector_store %arg9[%swap3A_104, %swap3A_105], %get3A_103 {strides = array<i32>} : memref<64x2049xi32, #tpu.memory_space<vmem>>, vector<64x2048xi32>,
    %swap3A_107 = arith.constant 0 : index
    %swap3A_108 = arith.constant 2048 : index
    %swap3A_109 = vector.load %arg9[%swap3A_107, %swap3A_108] : memref<64x2049xi32, #tpu.memory_space<vmem>>, vector<64x1xi32>
    tpu.vector_store %arg9[%swap3A_107, %swap3A_108], %select_n3A_95 {strides = array<i32>} : memref<64x2049xi32, #tpu.memory_space<vmem>>, vector<64x1xi32>,
    return
  }
}

</mosaic_0001>

<sc_bundles>
// kernel: kernel.5.cloned.1.call-start
scs
__scs_entry_jumppad:
0x0: {  	(pc) =	sbr.rel $0x88, $3  }
0x1: {  	(tag) =	ssettag $0x0;
	lr =	simm.s32 $0x1  }
0x2: {  	[smem:$0x3F9D] =	sst lr;
	_ =	strace $0xD0000000  }
0x3: {  	_ = 	snop  }
0x4: {  	_ = 	snop  }
0x5: {  	_ = 	snop  }
0x6: {  	_ = 	snop  }
0x7: {  	_ = 	snop  }
__scs_overlays_trampoline_lowered:
0x8: {  	[smem:$0x3FAC] =	sst s0  }
0x9: {  	[smem:$0x3FAD] =	sst s1  }
0xa: {  	[smem:$0x3FAE] =	sst s2  }
0xb: {  	[smem:$0x3FAF] =	sst s3  }
0xc: {  	[smem:$0x3FB0] =	sst s4  }
0xd: {  	[smem:$0x3FB1] =	sst s5  }
0xe: {  	[smem:$0x3FB2] =	sst s6  }
0xf: {  	[smem:$0x3FB3] =	sst s7  }
0x10: {  	[smem:$0x3FB4] =	sst s8  }
0x11: {  	[smem:$0x3FB5] =	sst s9;
	s0 =	simm.s32 @!p0 $0x0  }
0x12: {  	s1 =	sld [smem:$0x3F9B];
	s0 =	simm.s32 @p0 $0x1  }
0x13: {  	[smem:$0x3FB6] =	sst s0;
	s0 =	simm.s32 @!p1 $0x0  }
0x14: {  	s2 =	sld [smem:$0x3F9A];
	s0 =	simm.s32 @p1 $0x1  }
0x15: {  	[smem:$0x3FB7] =	sst s0;
	s0 =	simm.s32 @!p2 $0x0  }
0x16: {  	s3 =	sld [smem:$0x3FDB];
	s0 =	simm.s32 @p2 $0x1  }
0x17: {  	s4 =	simm.s32 $0x1BF5;
	[smem:$0x3FB9] =	sst s0  }
0x18: {  	s0 =	sld [smem:$0x3F9C];
	_ =	swait.ge [sflag:s4], $0x0  }
0x19: {  	s7 =	sld [smem:$0x3F9D]  }
0x1a: {  	s8 =	sadd.s32 $0xFFFFE003, lr  }
0x1b: {  	s9 =	sadd.s32 $0xFFFFFEF7, lr;
	s5 =	simm.s32 $0xFFFFFFFF;
	p2 =	slt.u32 s8, $0xFFFFF086  }
0x1c: {  	p1 =	slt.u32 s9, $0xF7A;
	s5 =	simm.s32 @!p2 $0x0  }
0x1d: {  	s5 =	simm.s32 @p1 $0x1;
	p0 =	seq.s32 s7, s2  }
0x1e: {  	s7 =	smul.u32 @!p0 $0xF7A, s2;
	p2 =	seq.s32 @!p0 s5, $0x0  }
0x1f: {  	s9 =	smul.u32 $0xF7A, s1;
	s8 =	simm.s32 @!p0 $0x1BF5;
	p2 =	por !p2, p0  }
0x20: {  	[sflag:s8] =	ssyncset.s32 @!p0 $0xFFFFF086;
	s6 =	sadd.s32 @!p0 s3, s7;
	s7 =	simm.s32 @!p0 $0x108  }
0x21: {  	s3 =	sadd.s32 s3, s9;
	s6 =	sadd.s32 @!p0 $0x88, s6;
	s7 =	simm.s32 @p2 $0x1082  }
0x22: {  	[simem:s7], [sflag:s8] =	dma.local @!p0 [hbm:s6], $0xF7A  }
0x23: {  	s9 =	sor.u32 $0xD0000000, s2;
	s6 =	simm.s32 $0x108;
	_ =	swait.ge @!p0 [sflag:s8], $0x0  }
0x24: {  	s3 =	sadd.s32 $0x88, s3;
	s6 =	simm.s32 @!p1 $0x1082;
	[sflag:s4] =	ssyncset.s32 $0xFFFFF086  }
0x25: {  	[simem:s6], [sflag:s4] =	dma.local [hbm:s3], $0xF7A  }
0x26: {  	[smem:$0x3F9D] =	sst s1;
	(tag) =	ssettag s2;
	_ =	strace s9  }
0x27: {  	s1 =	sld [smem:$0x3FAD]  }
0x28: {  	s2 =	sld [smem:$0x3FAE]  }
0x29: {  	s4 =	sld [smem:$0x3FB0]  }
0x2a: {  	p0 =	seq.s32 s5, $0x0;
	s5 =	sld [smem:$0x3FB1]  }
0x2b: {  	s6 =	sld [smem:$0x3FB2]  }
0x2c: {  	s7 =	sld [smem:$0x3FB3]  }
0x2d: {  	s3 =	simm.s32 $0x108;
	s8 =	sld [smem:$0x3FB4]  }
0x2e: {  	s3 =	simm.s32 @!p0 $0x1082;
	s9 =	sld [smem:$0x3FB5]  }
0x2f: {  	lr =	sadd.s32 s0, s3;
	s0 =	sld [smem:$0x3FAC]  }
0x30: {  	s3 =	sld [smem:$0x3FAF]  }
0x31: {  	[smem:$0x3FB8] =	sst s10  }
0x32: {  	s10 =	sld [smem:$0x3FB6];
	_ =	sdelay $0x3  }
0x33: {  	p0 =	seq.s32 s10, $0x1;
	s10 =	sld [smem:$0x3FB8];
	_ =	sdelay $0x3  }
0x34: {  	[smem:$0x3FB8] =	sst s10  }
0x35: {  	s10 =	sld [smem:$0x3FB7];
	_ =	sdelay $0x3  }
0x36: {  	p1 =	seq.s32 s10, $0x1;
	s10 =	sld [smem:$0x3FB8];
	_ =	sdelay $0x3  }
0x37: {  	[smem:$0x3FB8] =	sst s10  }
0x38: {  	s10 =	sld [smem:$0x3FB9]  }
0x39: {  	_ = 	snop;
	(pc) =	sbr.ind lr, $3  }
0x3a: {  	_ = 	snop  }
0x3b: {  	_ = 	snop  }
0x3c: {  	p2 =	seq.s32 s10, $0x1;
	s10 =	sld [smem:$0x3FB8]  }
0x3d: {  	_ =	shalt  }
0x3e: {  	_ =	shalt  }
0x3f: {  	_ =	shalt  }
0x40: {  	_ =	shalt  }
0x41: {  	_ =	shalt  }
0x42: {  	_ =	shalt  }
0x43: {  	_ =	shalt  }
0x44: {  	_ =	shalt  }
0x45: {  	_ =	shalt  }
0x46: {  	_ =	shalt  }
0x47: {  	_ =	shalt  }
0x48: {  	_ =	shalt  }
0x49: {  	_ =	shalt  }
0x4a: {  	_ =	shalt  }
0x4b: {  	_ =	shalt  }
0x4c: {  	_ =	shalt  }
0x4d: {  	_ =	shalt  }
0x4e: {  	_ =	shalt  }
0x4f: {  	_ =	shalt  }
0x50: {  	_ =	shalt  }
0x51: {  	_ =	shalt  }
0x52: {  	_ =	shalt  }
0x53: {  	_ =	shalt  }
0x54: {  	_ =	shalt  }
0x55: {  	_ =	shalt  }
0x56: {  	_ =	shalt  }
0x57: {  	_ =	shalt  }
0x58: {  	_ =	shalt  }
0x59: {  	_ =	shalt  }
0x5a: {  	_ =	shalt  }
0x5b: {  	_ =	shalt  }
0x5c: {  	_ =	shalt  }
0x5d: {  	_ =	shalt  }
0x5e: {  	_ =	shalt  }
0x5f: {  	_ =	shalt  }
0x60: {  	_ =	shalt  }
0x61: {  	_ =	shalt  }
0x62: {  	_ =	shalt  }
0x63: {  	_ =	shalt  }
0x64: {  	_ =	shalt  }
0x65: {  	_ =	shalt  }
0x66: {  	_ =	shalt  }
0x67: {  	_ =	shalt  }
0x68: {  	_ =	shalt  }
0x69: {  	_ =	shalt  }
0x6a: {  	_ =	shalt  }
0x6b: {  	_ =	shalt  }
0x6c: {  	_ =	shalt  }
0x6d: {  	_ =	shalt  }
0x6e: {  	_ =	shalt  }
0x6f: {  	_ =	shalt  }
0x70: {  	_ =	shalt  }
0x71: {  	_ =	shalt  }
0x72: {  	_ =	shalt  }
0x73: {  	_ =	shalt  }
0x74: {  	_ =	shalt  }
0x75: {  	_ =	shalt  }
0x76: {  	_ =	shalt  }
0x77: {  	_ =	shalt  }
0x78: {  	_ =	shalt  }
0x79: {  	_ =	shalt  }
0x7a: {  	_ =	shalt  }
0x7b: {  	_ =	shalt  }
0x7c: {  	_ =	shalt  }
0x7d: {  	_ =	shalt  }
0x7e: {  	_ =	shalt  }
0x7f: {  	_ =	shalt  }
0x80: {  	_ =	shalt  }
0x81: {  	_ =	shalt  }
0x82: {  	_ =	shalt  }
0x83: {  	_ =	shalt  }
0x84: {  	_ =	shalt  }
0x85: {  	_ =	shalt  }
0x86: {  	_ =	shalt  }
0x87: {  	_ =	shalt  }
.Lfunc_end0:
.L_simem_size_0:
called_computation_lowered:
.L_overlay_start_0:
0x88: {  	s2 =	sld [smem:$0x3FD9]  }
0x89: {  	s3 =	sld [smem:$0x3FFE];
	_ =	sdelay $0x1  }
0x8a: {  	s1 =	srdreg.scid  }
0x8b: {  	s0 =	sand.u32 $0x1, s1  }
0x8c: {  	s14 =	sshll.u32 s0, $0xA;
	s2 =	sadd.s32 s3, s2  }
0x8d: {  	s2 =	sadd.s32 s2, s14  }
0x8e: {  	[smem:$0x3FC4] =	sst s2  }
0x8f: {  	_ = 	snop  }
0x90: {  	s2 =	sld [smem:$0x3FD0];
	_ =	sdelay $0x2  }
0x91: {  	s4 =	simm.s32 $0xA;
	s5 =	simm.s32 $0x10;
	s15 =	sld [smem:$0x3FC8]  }
0x92: {  	[smem:s5], [sflag:s4] =	dma.local [hbm:s2], $0x1  }
0x93: {  	_ =	swait.eq [sflag:s4], $0x1  }
0x94: {  	[sflag:s4] =	ssyncset.done $0x0  }
0x95: {  	[sflag:s4] =	ssyncadd.s32 $0xFFFFFFFF  }
0x96: {  	s16 =	sld [smem:$0x10];
	(tm) =	ssettm $0x1  }
0x97: {  	s17 =	sld [smem:$0x3FFB];
	_ =	sdelay $0x3  }
0x98: {  	_ =	strace s17  }
0x99: {  	s4 =	sld [smem:$0x3FFC];
	_ =	sdelay $0x3  }
0x9a: {  	_ =	strace s4  }
0x9b: {  	s4 =	sld [smem:$0x3FFD];
	_ =	sdelay $0x3  }
0x9c: {  	_ =	strace s4  }
0x9d: {  	_ =	strace $0x8FFFFFFF  }
0x9e: {  	s18 =	sld [smem:$0x3FDB];
	_ =	sdelay $0x1  }
0x9f: {  	s19 =	simm.s32 $_scs_section_size  }
0xa0: {  	s6 =	simm.s32 $_size__tile_overlayer_lowered;
	s7 =	simm.s32 $_tile_overlayer_lowered  }
0xa1: {  	s22 =	simm.s32 $0x1BFF;
	s21 =	sshll.u32 s7, $0x1;
	s4 =	sadd.s32 s19, s18  }
0xa2: {  	s8 =	simm.s32 $0x0;
	s20 =	sshll.u32 s6, $0x1;
	s6 =	sadd.s32 s21, s4  }
0xa3: {  	[timem:s8], [sflag:s22] =	dma.local [hbm:s6], s20  }
0xa4: {  	_ =	swait.ge [sflag:s22], s20  }
0xa5: {  	s5 =	ssub.s32 $0x0, s20;
	[sflag:s22] =	ssyncset.done $0x0  }
0xa6: {  	[sflag:s22] =	ssyncadd.s32 s5;
	_ =	sdelay $0x1  }
0xa7: {  	s23 =	simm.s32 $0x1B8B  }
0xa8: {  	_ =	swait.ge [sflag:s23], $0x1  }
0xa9: {  	[sflag:s23] =	ssyncset.done $0x0  }
0xaa: {  	s25 =	simm.s32 $0x1B8E;
	s24 =	sld [smem:$0x3FFE];
	[sflag:s23] =	ssyncadd.s32 $0xFFFFFFFF  }
0xab: {  	s26 =	simm.s32 $execute0_lowered;
	[smem:$0x3FD2] =	sst s25  }
0xac: {  	s6 =	sshll.u32 s26, $0x1;
	_ =	strace $0x80000046;
	[dreg:$0x1] =	wrdreg $0xFFFFFFFF  }
0xad: {  	s28 =	simm.s32 $_size_execute0_lowered;
	s4 =	sadd.s32 s4, s6;
	[dreg:$0x0] =	wrdreg $0x0  }
0xae: {  	s6 =	sshll.u32 s28, $0x1;
	[dreg:$0x2] =	wrdreg s4  }
0xaf: {  	[dreg:$0x3] =	wrdreg s6  }
0xb0: {  	[dreg:$0x4] =	wrdreg $0xC0  }
0xb1: {  	_ =	task [dreg:s8], $0x5FFFF  }
0xb2: {  	[dreg:$0x1] =	wrdreg $0xFFFFFFFF  }
0xb3: {  	[dreg:$0x0] =	wrdreg $0x60  }
0xb4: {  	[dreg:$0x2] =	wrdreg s15  }
0xb5: {  	[dreg:$0x3] =	wrdreg s16  }
0xb6: {  	[dreg:$0x4] =	wrdreg s24  }
0xb7: {  	[dreg:$0x5] =	wrdreg $0x8C000  }
0xb8: {  	[dreg:$0x6] =	wrdreg $0x9  }
0xb9: {  	_ =	task.clear_ibuf [dreg:s8], $0x7FFFF;
	_ =	strace $0x90000046  }
0xba: {  	s29 =	simm.s32 $0x9;
	_ =	strace $0x80000048  }
0xbb: {  	_ =	swait.ge [sflag:s29], $0x1  }
0xbc: {  	[sflag:s29] =	ssyncadd.s32 $0xFFFFFFFF  }
0xbd: {  	_ =	strace $0x90000048  }
0xbe: {  	_ =	sfence  }
0xbf: {  	s30 =	sld [smem:$0x0];
	_ =	sdelay $0x2  }
0xc0: {  	s31 =	sshll.u32 s1, $0xD;
	s1 =	sshrl.u32 s1, $0x2  }
0xc1: {  	s3 =	sand.u32 $0x4000, s31;
	s1 =	sadd.s32 s1, s30  }
0xc2: {  	s0 =	sor.u32 s3, s0;
	s1 =	sshll.u32 s1, $0x11  }
0xc3: {  	s0 =	sor.u32 s1, s0  }
0xc4: {  	s0 =	sadd.s32 $0x8F2B, s0  }
0xc5: {  	[sflag:s0] =	ssyncadd.remote.s32 $0x1  }
0xc6: {  	_ =	sfence.sel $0xFFFF  }
0xc7: {  	[dreg:$0x0] =	wrdreg $0xFFFFFFFF;
	(pc) =	sbr.abs _section_cstart, $3  }
0xc8: {  	[dreg:$0x1] =	wrdreg $0xFFFFFFFF  }
0xc9: {  	_ =	task.clear_ibuf [dreg:s8], $0x2FFFF;
	_ =	strace $0x9FFFFFFF  }
0xca: {  	(tm) =	ssettm $0x7FFFFFFF  }
0xcb: {  	_ =	shalt  }
tec
execute0_lowered:
.L_overlay_start_1:
0x0: {  	(tag) =	ssettag $0x1  }
0x1: {  	s1 =	rddreg [dreg:$0x0]  }
0x2: {  	s0 =	rddreg [dreg:$0x1]  }
0x3: {  	s2 =	rddreg [dreg:$0x2];
	s16 =	stileid.u32  }
0x4: {  	s4 =	rddreg [dreg:$0x3];
	s3 =	srdreg.scid;
	s28 =	simm.s32 $0x4000  }
0x5: {  	s29 =	simm.s32 $0x5;
	s30 =	simm.s32 $0x3;
	s31 =	simm.s32 $0x6  }
0x6: {  	s5 =	sshll.u32 s16, $0x1;
	s6 =	sand.u32 $0x1, s3;
	s3 =	simm.s32 $0x0  }
0x7: {  	s7 =	sshrl.u32 s16, $0x1;
	s17 =	sshll.u32 s16, $0x10;
	s20 =	sshll.u32 s16, $0x6  }
0x8: {  	s22 =	sand.u32 $0x1, s16;
	s5 =	sand.u32 $0x2, s5;
	[smem:$0x7FF] =	sst s3  }
0x9: {  	s10 =	smul.u32 $0x7A1400, s7;
	s7 =	sshll.u32 s7, $0x7;
	s9 =	ssub.s32 $0x2, s6  }
0xa: {  	s5 =	sor.u32 s6, s5;
	_ =	strace $0x80000047;
	s6 =	smul.u32 $0x1C000, s6  }
0xb: {  	s15 =	sshrl.u32 s9, $0x1;
	[dreg:$0x7] =	wrdreg s20;
	s11 =	smul.u32 $0xE0000, s5  }
0xc: {  	s8 =	sshll.u32 s5, $0xA;
	s12 =	ssub.s32 s9, s15;
	s5 =	smul.u32 $0x1C000, s5  }
0xd: {  	s7 =	sor.u32 s7, s8;
	s8 =	sor.u32 $0x1C01, s20;
	s25 =	smax.u32 s12, $0x1  }
0xe: {  	s2 =	sadd.s32 s7, s2;
	s14 =	sadd.s32 s10, s11;
	[dreg:$0x5] =	wrdreg s5  }
0xf: {  	s5 =	sadd.s32 s17, s4;
	s10 =	sshrl.u32 s10, $0x3;
	s0 =	sadd.s32 s0, s7  }
0x10: {  	[dreg:$0xf] =	wrdreg s25;
	s18 =	sshrl.u32 s14, $0x3;
	s9 =	sadd.s32 $0x4000, s5  }
0x11: {  	s11 =	sadd.s32 $0x8000, s5;
	s10 =	sadd.s32 s1, s10;
	[dreg:$0xc] =	wrdreg s0  }
0x12: {  	s15 =	sadd.s32 $0x10000, s14;
	s23 =	sadd.s32 $0xE00, s2;
	[dreg:$0xb] =	wrdreg s10  }
0x13: {  	s16 =	sadd.s32 $0x14000, s14;
	s24 =	sadd.s32 $0x1E00, s2;
	[dreg:$0xd] =	wrdreg s23  }
0x14: {  	s17 =	sadd.s32 $0x18000, s14;
	s19 =	sadd.s32 s1, s18;
	[dreg:$0xe] =	wrdreg s24  }
0x15: {  	s2 =	simm.s32 $0x4;
	[dreg:$0x6] =	wrdreg s19;
	s4 =	sadd.s32 $0x1800, s19  }
0x16: {  	s21 =	sadd.s32 $0x800, s19;
	[dreg:$0xa] =	wrdreg s4;
	s4 =	smul.u32 $0x38000, s22  }
0x17: {  	s18 =	sadd.s32 $0x1C000, s14;
	s13 =	sadd.s32 $0x1000, s19;
	[dreg:$0x8] =	wrdreg s21  }
0x18: {  	[dreg:$0x9] =	wrdreg s13;
	s13 =	sadd.s32 $0xC000, s5;
	s26 =	sadd.s32 s6, s4  }
0x19: {  	v0 =	vlaneseq.u32;
	s6 =	simm.s32 $0x0;
	[dreg:$0x10] =	wrdreg s26;
	s26 =	simm.s32 $0x2  }
.LBB2_1:
0x1a: {  	[dreg:$0x11] =	wrdreg s6  }
0x1b: {  	s4 =	sshrl.u32 s5, $0x3;
	s0 =	rddreg [dreg:$0x6]  }
0x1c: {  	s20 =	sshrl.u32 s9, $0x3;
	[dreg:$0x15] =	wrdreg s4  }
0x1d: {  	[spmem:s4], [sflag:s8] =	dma.local [hbm:s0], $0x800  }
0x1e: {  	[dreg:$0x14] =	wrdreg s20  }
0x1f: {  	s0 =	rddreg [dreg:$0x7]  }
0x20: {  	s21 =	sshrl.u32 s11, $0x3;
	s4 =	rddreg [dreg:$0x8];
	s22 =	sor.u32 $0x1C02, s0  }
0x21: {  	[spmem:s20], [sflag:s22] =	dma.local [hbm:s4], $0x800  }
0x22: {  	[dreg:$0x13] =	wrdreg s21  }
0x23: {  	s23 =	sshrl.u32 s13, $0x3;
	s20 =	sor.u32 $0x1C03, s0;
	s4 =	rddreg [dreg:$0x9]  }
0x24: {  	[spmem:s21], [sflag:s20] =	dma.local [hbm:s4], $0x800  }
0x25: {  	[dreg:$0x12] =	wrdreg s23  }
0x26: {  	s25 =	simm.s32 $0x1;
	s12 =	sor.u32 $0x1C04, s0;
	s24 =	rddreg [dreg:$0xa]  }
0x27: {  	[spmem:s23], [sflag:s12] =	dma.local [hbm:s24], $0x800  }
0x28: {  	v1 =	vimm.s32 $0x0;
	_ =	swait.ge [sflag:s25], $0x800  }
0x29: {  	v4 =	vimm.f32 $-3.000000010e+38;
	[sflag:s25] =	ssyncset.done $0x0;
	[tilespmem:$0x1FFD0] =	vst v1;
	v1 =	vimm.s32 $0x0  }
0x2a: {  	v2 =	vimm.f32 $0.0e+00;
	v16 =	vimm.s32 $0x0;
	v20 =	vimm.s32 $0x0;
	[sflag:s25] =	ssyncadd.s32 $0xFFFFF800;
	[tilespmem:$0x1FFE0] =	vst v1  }
0x2b: {  	v22 =	vimm.s32 $0x0;
	v17 =	vimm.s32 $0x0;
	v1 =	vimm.s32 $0x0;
	[tilespmem:s3], [sflag:$0x5] =	stream.linear.gather [spmem:s5], $0x4000, $0x38;
	[tilespmem:$0x18C00] =	vst v63  }
0x2c: {  	v23 =	vimm.s32 $0x0;
	v3 =	vimm.f32 $0.0e+00;
	v5 =	vimm.f32 $0.0e+00;
	[tilespmem:$0x1FFF0] =	vst v1  }
0x2d: {  	v7 =	vimm.f32 $0.0e+00;
	v10 =	vimm.f32 $0.0e+00;
	v11 =	vimm.f32 $0.0e+00;
	_ =	swait.ge [sflag:s26], $0x800  }
0x2e: {  	v26 =	vimm.f32 $0.0e+00;
	v9 =	vimm.f32 $-3.000000010e+38;
	v12 =	vimm.f32 $-3.000000010e+38;
	[sflag:s26] =	ssyncset.done $0x0  }
0x2f: {  	v15 =	vimm.f32 $-3.000000010e+38;
	v18 =	vimm.f32 $-3.000000010e+38;
	v21 =	vimm.f32 $-3.000000010e+38;
	s7 =	simm.s32 $0x0;
	[sflag:s26] =	ssyncadd.s32 $0xFFFFF800  }
0x30: {  	v19 =	vimm.f32 $-3.000000010e+38;
	v14 =	vimm.f32 $-3.000000010e+38;
	v1 =	vimm.f32 $0.0e+00;
	[tilespmem:s28], [sflag:$0x6] =	stream.linear.gather [spmem:s9], $0x4000, $0x38;
	[tilespmem:$0x18C00] =	vst v63  }
.LBB2_2:
0x31: {  	p0 =	seq.s32 s7, $0xD  }
0x32: {  	s14 =	sshll.u32 @!p0 s7, $0x10  }
0x33: {  	_ =	swait.ge [sflag:s29], $0x4000;
	s21 =	simm.s32 $0x0;
	s0 =	sadd.s32 @!p0 s14, s15  }
0x34: {  	[sflag:s29] =	ssyncset.done $0x0;
	s4 =	sshrl.u32 @!p0 s5, $0x3;
	s0 =	sshrl.u32 @!p0 s0, $0x3  }
0x35: {  	s23 =	sand.u32 $0x7, s21;
	[sflag:s29] =	ssyncadd.s32 $0xFFFFC000;
	s0 =	sadd.s32 @!p0 s1, s0  }
0x36: {  	[spmem:s4], [sflag:s8] =	dma.local @!p0 [hbm:s0], $0x800  }
0x37: {  	s4 =	sshll.u32 s23, $0x4  }
0x38: {  	s4 =	sadd.s32 $0x0, s4  }
0x39: {  	s6 =	sand.u32 $0x70, s21;
	s0 =	sand.u32 $0x3C00, s21;
	s4 =	sor.u32 $0x380, s4  }
0x3a: {  	s0 =	sor.u32 s6, s0;
	v24 =	vld [tilespmem:s4+$0x0]  }
0x3b: {  	v25 =	vld [tilespmem:s0+$0x0]  }
0x3c: {  	v28 =	vld [tilespmem:s0+$0x80]  }
0x3d: {  	v29 =	vld [tilespmem:s0+$0x100]  }
0x3e: {  	v30 =	vld [tilespmem:s0+$0x180]  }
0x3f: {  	v31 =	vld [tilespmem:s0+$0x200];
	v27 =	vmul.f32 $1.442695020e+00, v24  }
0x40: {  	s24 =	simm.s32 $0x1;
	v33 =	vld [tilespmem:s0+$0x280];
	v32 =	vmul.f32 $1.442695020e+00, v25  }
0x41: {  	s25 =	simm.s32 $0x10;
	v36 =	vld [tilespmem:s0+$0x300];
	s0 =	simm.s32 $0x80;
	s4 =	sand.u32 $0x7, s24;
	v34 =	vmul.f32 $1.442695020e+00, v28;
	(erf) = vpow2.f32 v27  }
0x42: {  	s6 =	sand.u32 $0x70, s25;
	s10 =	sand.u32 $0x3C00, s0;
	s4 =	sshll.u32 s4, $0x4;
	v27 =	vmul.f32 $1.442695020e+00, v29;
	(erf) = vpow2.f32 v32  }
0x43: {  	s19 =	sor.u32 s6, s10;
	s4 =	sadd.s32 $0x80, s4;
	v59 =	vmul.f32 $1.442695020e+00, v30;
	(erf) = vpow2.f32 v34  }
0x44: {  	v41 =	vld [tilespmem:s19+$0x0];
	s4 =	sor.u32 $0x380, s4;
	v37 =	vmax.f32 v4, v24;
	v24 =	vmul.f32 $1.442695020e+00, v31;
	(erf) = vpow2.f32 v27  }
0x45: {  	v38 =	vld [tilespmem:s4+$0x0];
	v60 =	vmul.f32 $1.442695020e+00, v33;
	(erf) = vpow2.f32 v59  }
0x46: {  	v61 =	vmul.f32 $1.442695020e+00, v36;
	v27 =	vld [tilespmem:s19+$0x80];
	(erf) = vpow2.f32 v24  }
0x47: {  	v39 =	vmax.f32 v14, v25;
	(erf) = vpow2.f32 v60  }
0x48: {  	v25 =	vmax.f32 v19, v28;
	v28 =	vmax.f32 v21, v29;
	v24 =	vld [tilespmem:s19+$0x100];
	(erf) = vpow2.f32 v61  }
0x49: {  	v35 =	vld [tilespmem:s19+$0x180];
	v29 =	vmax.f32 v18, v30;
	v30 =	vmax.f32 v12, v33;
	v40 =	vmul.f32 $1.442695020e+00, v41  }
0x4a: {  	v34 =	vmax.f32 v15, v31;
	v31 =	vmax.f32 v9, v36;
	v36 =	vld [tilespmem:s19+$0x200];
	v42 =	vmul.f32 $1.442695020e+00, v38;
	v62 =	vpop (erf)  }
0x4b: {  	s21 =	simm.s32 $0x2;
	s25 =	sshll.u32 s7, $0x2;
	v33 =	vmax.f32 v39, v41;
	v32 =	vmax.f32 v37, v38;
	v37 =	vld [tilespmem:s19+$0x280];
	v41 =	vmul.f32 $1.442695020e+00, v27;
	v63 =	vpop (erf)  }
0x4c: {  	s10 =	simm.s32 $0x20;
	s6 =	simm.s32 $0x30;
	s4 =	sand.u32 $0x7, s21;
	v38 =	vld [tilespmem:s19+$0x300];
	(erf) = vpow2.f32 v42;
	v2 =	vadd.f32 v62, v2;
	v26 =	vadd.f32 v63, v26;
	v39 =	vpop (erf)  }
.LBB2_3:
0x4d: {  	p1 =	sne.s32 s6, $0x7F0;
	s4 =	sshll.u32 s4, $0x4;
	v42 =	vmul.f32 $1.442695020e+00, v24;
	s0 =	sadd.s32 $0x80, s0;
	(erf) = vpow2.f32 v40;
	v11 =	vadd.f32 v39, v11;
	v39 =	vpop (erf)  }
0x4e: {  	s10 =	sand.u32 $0x70, s10;
	s4 =	sadd.s32 s4, s0;
	s19 =	sand.u32 $0x3C00, s0;
	v40 =	vmul.f32 $1.442695020e+00, v35;
	(erf) = vpow2.f32 v41;
	v10 =	vadd.f32 v39, v10;
	v39 =	vpop (erf)  }
0x4f: {  	s19 =	sor.u32 s10, s19;
	s4 =	sor.u32 $0x380, s4;
	v41 =	vmul.f32 $1.442695020e+00, v36;
	(erf) = vpow2.f32 v42;
	v7 =	vadd.f32 v39, v7;
	v39 =	vpop (erf);
	s10 =	smov.u32 s6  }
0x50: {  	v42 =	vld [tilespmem:s4+$0x0];
	v43 =	vmul.f32 $1.442695020e+00, v37;
	(erf) = vpow2.f32 v40;
	v5 =	vadd.f32 v39, v5;
	v39 =	vpop (erf)  }
0x51: {  	v44 =	vld [tilespmem:s19+$0x0];
	v40 =	vmul.f32 $1.442695020e+00, v38;
	(erf) = vpow2.f32 v41;
	v3 =	vadd.f32 v39, v3;
	v39 =	vpop (erf)  }
0x52: {  	v25 =	vmax.f32 v25, v27;
	v27 =	vld [tilespmem:s19+$0x80];
	(erf) = vpow2.f32 v43;
	v1 =	vadd.f32 v39, v1  }
.Ltmp0:
0x53: {  	v28 =	vmax.f32 v28, v24;
	v29 =	vmax.f32 v29, v35;
	v24 =	vld [tilespmem:s19+$0x100];
	(erf) = vpow2.f32 v40;
	(pc) =	sbr.rel @p1 .LBB2_3-.Ltmp0, $4  }
0x54: {  	v34 =	vmax.f32 v34, v36;
	v30 =	vmax.f32 v30, v37;
	v31 =	vmax.f32 v31, v38;
	v35 =	vld [tilespmem:s19+$0x180]  }
0x55: {  	v36 =	vld [tilespmem:s19+$0x200];
	v6 =	vmul.f32 $1.442695020e+00, v42;
	v32 =	vmax.f32 v32, v42;
	v38 =	vpop (erf)  }
0x56: {  	s21 =	sadd.s32 $0x1, s21;
	v40 =	vmul.f32 $1.442695020e+00, v44;
	v33 =	vmax.f32 v33, v44;
	v37 =	vld [tilespmem:s19+$0x280];
	v2 =	vadd.f32 v38, v2;
	v42 =	vpop (erf)  }
0x57: {  	s6 =	sadd.s32 $0x10, s6;
	s4 =	sand.u32 $0x7, s21;
	v41 =	vmul.f32 $1.442695020e+00, v27;
	v38 =	vld [tilespmem:s19+$0x300];
	(erf) = vpow2.f32 v6;
	v26 =	vadd.f32 v42, v26;
	v39 =	vpop (erf)  }
0x58: {  	s4 =	sshll.u32 s4, $0x4;
	s0 =	sadd.s32 $0x80, s0  }
0x59: {  	s4 =	sadd.s32 s4, s0  }
0x5a: {  	s6 =	sand.u32 $0x70, s10;
	s0 =	sand.u32 $0x3C00, s0;
	s4 =	sor.u32 $0x380, s4  }
0x5b: {  	v42 =	vmul.f32 $1.442695020e+00, v24;
	(erf) = vpow2.f32 v40;
	s0 =	sor.u32 s6, s0;
	v40 =	vld [tilespmem:s4+$0x0]  }
0x5c: {  	v43 =	vmul.f32 $1.442695020e+00, v35;
	(erf) = vpow2.f32 v41;
	v41 =	vld [tilespmem:s0+$0x0]  }
0x5d: {  	v44 =	vmul.f32 $1.442695020e+00, v36;
	(erf) = vpow2.f32 v42;
	v42 =	vld [tilespmem:s0+$0x80]  }
0x5e: {  	v45 =	vpop (erf);
	v46 =	vmul.f32 $1.442695020e+00, v37;
	(erf) = vpow2.f32 v43;
	v43 =	vld [tilespmem:s0+$0x100]  }
0x5f: {  	v47 =	vpop (erf);
	v48 =	vmul.f32 $1.442695020e+00, v38;
	(erf) = vpow2.f32 v44;
	v44 =	vld [tilespmem:s0+$0x180]  }
0x60: {  	v49 =	vpop (erf);
	(erf) = vpow2.f32 v46;
	v46 =	vld [tilespmem:s0+$0x200];
	v50 =	vmul.f32 $1.442695020e+00, v40  }
0x61: {  	v51 =	vpop (erf);
	v52 =	vld [tilespmem:s0+$0x280];
	(erf) = vpow2.f32 v48  }
0x62: {  	v55 =	vld [tilespmem:s0+$0x300];
	v63 =	vmul.f32 $1.442695020e+00, v41;
	v54 =	vmul.f32 $1.442695020e+00, v42  }
0x63: {  	v53 =	vpop (erf);
	v56 =	vmul.f32 $1.442695020e+00, v43;
	(erf) = vpow2.f32 v50  }
0x64: {  	v57 =	vmul.f32 $1.442695020e+00, v44;
	v50 =	vpop (erf);
	(erf) = vpow2.f32 v63  }
0x65: {  	v58 =	vmul.f32 $1.442695020e+00, v46;
	v48 =	vpop (erf);
	(erf) = vpow2.f32 v54  }
0x66: {  	v59 =	vmul.f32 $1.442695020e+00, v52;
	v54 =	vpop (erf);
	(erf) = vpow2.f32 v56  }
0x67: {  	v60 =	vmul.f32 $1.442695020e+00, v55;
	v56 =	vpop (erf);
	(erf) = vpow2.f32 v57  }
0x68: {  	v57 =	vpop (erf);
	(erf) = vpow2.f32 v58  }
0x69: {  	v58 =	vpop (erf);
	(erf) = vpow2.f32 v59  }
0x6a: {  	v59 =	vpop (erf);
	(erf) = vpow2.f32 v60  }
0x6b: {  	v60 =	vpop (erf)  }
0x6c: {  	v61 =	vpop (erf)  }
0x6d: {  	v62 =	vpop (erf)  }
0x6e: {  	v63 =	vpop (erf)  }
0x6f: {  	v6 =	vpop (erf)  }
0x70: {  	v8 =	vpop (erf)  }
0x71: {  	v13 =	vpop (erf)  }
0x72: {  	v11 =	vadd.f32 v39, v11;
	v39 =	vpop (erf)  }
0x73: {  	v10 =	vadd.f32 v45, v10;
	v45 =	vpop (erf)  }
0x74: {  	_ =	swait.ge [sflag:s30], $0x800  }
0x75: {  	[sflag:s30] =	ssyncset.done $0x0  }
0x76: {  	[sflag:s30] =	ssyncadd.s32 $0xFFFFF800  }
0x77: {  	v7 =	vadd.f32 v47, v7;
	v5 =	vadd.f32 v49, v5;
	[tilespmem:s3], [sflag:$0x5] =	stream.linear.gather [spmem:s11], $0x4000, $0x38;
	[tilespmem:$0x18C00] =	vst v63  }
0x78: {  	s21 =	simm.s32 $0x0;
	v47 =	vadd.f32 v51, v3;
	v3 =	vmax.f32 v25, v27;
	v25 =	vmax.f32 v28, v24;
	s0 =	sadd.s32 @!p0 s14, s16;
	_ =	swait.ge [sflag:s31], $0x4000  }
0x79: {  	s23 =	sand.u32 $0x7, s21;
	v27 =	vmax.f32 v29, v35;
	v28 =	vmax.f32 v34, v36;
	s0 =	sshrl.u32 @!p0 s0, $0x3;
	v24 =	vmax.f32 v33, v41;
	[sflag:s31] =	ssyncset.done $0x0  }
0x7a: {  	s4 =	sshrl.u32 @!p0 s9, $0x3;
	v29 =	vmax.f32 v30, v37;
	s0 =	sadd.s32 @!p0 s1, s0;
	vm0 =	vlt.f32 v24, v14;
	vm1 =	vgt.f32 v24, v14;
	[sflag:s31] =	ssyncadd.s32 $0xFFFFC000  }
0x7b: {  	v30 =	vmax.f32 v31, v38;
	v1 =	vadd.f32 v53, v1;
	vm0 =	vmor vm1, vm0;
	[spmem:s4], [sflag:s22] =	dma.local @!p0 [hbm:s0], $0x800  }
0x7c: {  	v31 =	vadd.f32 v50, v2;
	v2 =	vmax.f32 v32, v40;
	v49 =	vadd.f32 v54, v11;
	s4 =	sshll.u32 s23, $0x4  }
0x7d: {  	v11 =	vsel vm0, s25, v23;
	v50 =	vadd.f32 v56, v10;
	v10 =	vmax.f32 v28, v46;
	s4 =	sadd.s32 $0x0, s4  }
0x7e: {  	s24 =	sand.u32 $0x70, s21;
	v51 =	vadd.f32 v57, v7;
	v7 =	vmax.f32 v25, v43;
	vm7 =	vlt.f32 v10, v15;
	s0 =	sand.u32 $0x3C00, s21;
	s4 =	sor.u32 $0x380, s4  }
0x7f: {  	vm8 =	vgt.f32 v10, v15;
	v15 =	vmax.f32 v30, v55;
	v53 =	vadd.f32 v58, v5;
	s0 =	sor.u32 s24, s0;
	v25 =	vld [tilespmem:s4+$0x4000]  }
0x80: {  	v5 =	vmax.f32 v3, v42;
	v3 =	vmax.f32 v27, v44;
	vm14 =	vlt.f32 v7, v21;
	v27 =	vld [tilespmem:s0+$0x4000]  }
0x81: {  	vm15 =	vgt.f32 v7, v21;
	vm12 =	vlt.f32 v5, v19;
	vm2 =	vgt.f32 v5, v19;
	v28 =	vld [tilespmem:s0+$0x4080]  }
0x82: {  	vm0 =	vmor vm15, vm14;
	vm4 =	vlt.f32 v3, v18;
	vm5 =	vgt.f32 v3, v18  }
0x83: {  	vm14 =	vlt.f32 v2, v4;
	vm15 =	vgt.f32 v2, v4;
	vm13 =	vmor vm2, vm12  }
0x84: {  	vm12 =	vlt.f32 v15, v9;
	v4 =	vadd.f32 v6, v50;
	v18 =	vmul.f32 $1.442695020e+00, v25  }
0x85: {  	[tilespmem:$0x1FFA0] =	vst v11;
	v11 =	vsel vm13, s25, v17;
	vm13 =	vgt.f32 v15, v9;
	v6 =	vmul.f32 $1.442695020e+00, v27  }
0x86: {  	v9 =	vadd.f32 v8, v51;
	v8 =	vmul.f32 $1.442695020e+00, v28;
	(erf) = vpow2.f32 v18  }
0x87: {  	(erf) = vpow2.f32 v6  }
0x88: {  	(erf) = vpow2.f32 v8;
	v8 =	vld [tilespmem:$0x1FFE0];
	_ =	sdelay $0x1  }
0x89: {  	v21 =	vsel vm0, s25, v22;
	[tilespmem:$0x1FFB0] =	vst v11;
	v11 =	vmax.f32 v29, v52;
	v29 =	vld [tilespmem:s0+$0x4100]  }
0x8a: {  	vm0 =	vmor vm8, vm7;
	v54 =	vadd.f32 v61, v31;
	vm9 =	vlt.f32 v11, v12;
	v30 =	vld [tilespmem:s0+$0x4180]  }
0x8b: {  	vm10 =	vgt.f32 v11, v12;
	v12 =	vsel vm0, s25, v16;
	vm0 =	vmor vm13, vm12;
	v31 =	vld [tilespmem:s0+$0x4200]  }
0x8c: {  	v22 =	vsel vm0, s25, v8;
	v8 =	vld [tilespmem:$0x1FFD0]  }
0x8d: {  	v26 =	vadd.f32 v48, v26;
	v56 =	vld [tilespmem:s0+$0x4280]  }
0x8e: {  	s10 =	simm.s32 $0x1;
	vm6 =	vmor vm5, vm4;
	vm1 =	vmor vm15, vm14;
	v19 =	vadd.f32 v60, v1;
	[tilespmem:$0x1FFC0] =	vst v12;
	v12 =	vld [tilespmem:$0x1FFF0]  }
0x8f: {  	v20 =	vsel vm6, s25, v20;
	v55 =	vadd.f32 v62, v26;
	s21 =	simm.s32 $0x10;
	s23 =	simm.s32 $0x80;
	s4 =	sand.u32 $0x7, s10;
	v18 =	vadd.f32 v13, v53;
	v13 =	vld [tilespmem:s0+$0x4300]  }
0x90: {  	v1 =	vadd.f32 v63, v49;
	v19 =	vadd.f32 v45, v19;
	s24 =	sand.u32 $0x3C00, s23;
	s19 =	sshll.u32 s4, $0x4;
	s4 =	sand.u32 $0x70, s21;
	v6 =	vmul.f32 $1.442695020e+00, v29  }
0x91: {  	vm11 =	vmor vm10, vm9;
	s24 =	sor.u32 s4, s24;
	s0 =	sadd.s32 $0x80, s19;
	v23 =	vsel vm1, s25, v8;
	v8 =	vmul.f32 $1.442695020e+00, v30  }
0x92: {  	v60 =	vld [tilespmem:s24+$0x4000];
	v57 =	vmax.f32 v2, v25;
	v25 =	vmul.f32 $1.442695020e+00, v31;
	s0 =	sor.u32 $0x380, s0;
	(erf) = vpow2.f32 v6  }
0x93: {  	v26 =	vmax.f32 v7, v29;
	v58 =	vld [tilespmem:s0+$0x4000];
	v6 =	vmul.f32 $1.442695020e+00, v56;
	(erf) = vpow2.f32 v8  }
0x94: {  	v42 =	vsel vm11, s25, v12;
	v61 =	vmul.f32 $1.442695020e+00, v13;
	(erf) = vpow2.f32 v25  }
0x95: {  	v12 =	vadd.f32 v59, v47;
	v59 =	vmax.f32 v24, v27;
	v25 =	vld [tilespmem:s24+$0x4080];
	(erf) = vpow2.f32 v6  }
0x96: {  	v27 =	vmax.f32 v3, v30;
	v31 =	vmax.f32 v10, v31;
	v6 =	vld [tilespmem:s24+$0x4100];
	(erf) = vpow2.f32 v61  }
0x97: {  	v33 =	vld [tilespmem:s24+$0x4180];
	v12 =	vadd.f32 v39, v12;
	v40 =	vmul.f32 $1.442695020e+00, v60;
	v32 =	vmax.f32 v59, v60;
	v62 =	vpop (erf)  }
0x98: {  	v34 =	vld [tilespmem:s24+$0x4200];
	v29 =	vmax.f32 v15, v13;
	v13 =	vmul.f32 $1.442695020e+00, v58;
	v35 =	vadd.f32 v62, v54;
	v63 =	vpop (erf)  }
0x99: {  	s6 =	simm.s32 $0x2;
	s10 =	simm.s32 $0x30;
	s21 =	sor.u32 $0x1, s25;
	v37 =	vld [tilespmem:s24+$0x4280];
	v36 =	vadd.f32 v63, v55;
	v30 =	vmax.f32 v57, v58;
	v8 =	vmax.f32 v5, v28  }
0x9a: {  	s4 =	simm.s32 $0x20;
	v38 =	vld [tilespmem:s24+$0x4300];
	s19 =	sand.u32 $0x7, s6;
	s0 =	sor.u32 $0x2, s25;
	v39 =	vpop (erf);
	v28 =	vmax.f32 v11, v56;
	(erf) = vpow2.f32 v13;
	v41 =	vmul.f32 $1.442695020e+00, v25  }
.LBB2_5:
0x9b: {  	p1 =	sne.s32 s10, $0x7F0;
	s19 =	sshll.u32 s19, $0x4;
	v14 =	vmul.f32 $1.442695020e+00, v6;
	s23 =	sadd.s32 $0x80, s23;
	(erf) = vpow2.f32 v40;
	v1 =	vadd.f32 v39, v1;
	v39 =	vpop (erf)  }
0x9c: {  	s4 =	sand.u32 $0x70, s4;
	s19 =	sadd.s32 s19, s23;
	s24 =	sand.u32 $0x3C00, s23;
	v40 =	vmul.f32 $1.442695020e+00, v33;
	(erf) = vpow2.f32 v41;
	v4 =	vadd.f32 v39, v4;
	v39 =	vpop (erf)  }
0x9d: {  	s24 =	sor.u32 s4, s24;
	s19 =	sor.u32 $0x380, s19;
	v41 =	vmul.f32 $1.442695020e+00, v34;
	(erf) = vpow2.f32 v14;
	v9 =	vadd.f32 v39, v9;
	v13 =	vpop (erf);
	s4 =	smov.u32 s10  }
0x9e: {  	v39 =	vld [tilespmem:s19+$0x4000];
	v43 =	vmul.f32 $1.442695020e+00, v37;
	(erf) = vpow2.f32 v40;
	v18 =	vadd.f32 v13, v18;
	v13 =	vpop (erf)  }
0x9f: {  	v44 =	vld [tilespmem:s24+$0x4000];
	v40 =	vmul.f32 $1.442695020e+00, v38;
	(erf) = vpow2.f32 v41;
	v12 =	vadd.f32 v13, v12;
	v13 =	vpop (erf)  }
0xa0: {  	v8 =	vmax.f32 v8, v25;
	v25 =	vld [tilespmem:s24+$0x4080];
	(erf) = vpow2.f32 v43;
	v19 =	vadd.f32 v13, v19  }
.Ltmp1:
0xa1: {  	v26 =	vmax.f32 v26, v6;
	v27 =	vmax.f32 v27, v33;
	v6 =	vld [tilespmem:s24+$0x4100];
	(erf) = vpow2.f32 v40;
	(pc) =	sbr.rel @p1 .LBB2_5-.Ltmp1, $4  }
0xa2: {  	v31 =	vmax.f32 v31, v34;
	v28 =	vmax.f32 v28, v37;
	v29 =	vmax.f32 v29, v38;
	v33 =	vld [tilespmem:s24+$0x4180]  }
0xa3: {  	v34 =	vld [tilespmem:s24+$0x4200];
	v13 =	vmul.f32 $1.442695020e+00, v39;
	v30 =	vmax.f32 v30, v39;
	v38 =	vpop (erf)  }
0xa4: {  	s6 =	sadd.s32 $0x1, s6;
	v40 =	vmul.f32 $1.442695020e+00, v44;
	v32 =	vmax.f32 v32, v44;
	v37 =	vld [tilespmem:s24+$0x4280];
	v35 =	vadd.f32 v38, v35;
	v39 =	vpop (erf)  }
0xa5: {  	s10 =	sadd.s32 $0x10, s10;
	s19 =	sand.u32 $0x7, s6;
	v41 =	vmul.f32 $1.442695020e+00, v25;
	v38 =	vld [tilespmem:s24+$0x4300];
	(erf) = vpow2.f32 v13;
	v36 =	vadd.f32 v39, v36;
	v39 =	vpop (erf)  }
0xa6: {  	s6 =	sshll.u32 s19, $0x4;
	s10 =	sadd.s32 $0x80, s23  }
0xa7: {  	s6 =	sadd.s32 s6, s10  }
0xa8: {  	s4 =	sand.u32 $0x70, s4;
	s10 =	sand.u32 $0x3C00, s10;
	s6 =	sor.u32 $0x380, s6  }
0xa9: {  	v13 =	vmul.f32 $1.442695020e+00, v6;
	(erf) = vpow2.f32 v40;
	s4 =	sor.u32 s4, s10;
	v40 =	vld [tilespmem:s6+$0x4000]  }
0xaa: {  	v43 =	vmul.f32 $1.442695020e+00, v33;
	(erf) = vpow2.f32 v41;
	v41 =	vld [tilespmem:s4+$0x4000]  }
0xab: {  	v44 =	vmul.f32 $1.442695020e+00, v34;
	(erf) = vpow2.f32 v13;
	v13 =	vld [tilespmem:s4+$0x4080]  }
0xac: {  	v45 =	vpop (erf);
	v46 =	vmul.f32 $1.442695020e+00, v37;
	(erf) = vpow2.f32 v43;
	v43 =	vld [tilespmem:s4+$0x4100]  }
0xad: {  	v47 =	vpop (erf);
	v48 =	vmul.f32 $1.442695020e+00, v38;
	(erf) = vpow2.f32 v44;
	v44 =	vld [tilespmem:s4+$0x4180]  }
0xae: {  	v49 =	vpop (erf);
	(erf) = vpow2.f32 v46;
	v46 =	vld [tilespmem:s4+$0x4200];
	v50 =	vmul.f32 $1.442695020e+00, v40  }
0xaf: {  	v51 =	vpop (erf);
	v52 =	vld [tilespmem:s4+$0x4280];
	(erf) = vpow2.f32 v48  }
0xb0: {  	v55 =	vld [tilespmem:s4+$0x4300];
	v63 =	vmul.f32 $1.442695020e+00, v41;
	v54 =	vmul.f32 $1.442695020e+00, v13  }
0xb1: {  	v53 =	vpop (erf);
	v56 =	vmul.f32 $1.442695020e+00, v43;
	(erf) = vpow2.f32 v50  }
0xb2: {  	v57 =	vmul.f32 $1.442695020e+00, v44;
	v50 =	vpop (erf);
	(erf) = vpow2.f32 v63  }
0xb3: {  	v58 =	vmul.f32 $1.442695020e+00, v46;
	v48 =	vpop (erf);
	(erf) = vpow2.f32 v54  }
0xb4: {  	v59 =	vmul.f32 $1.442695020e+00, v52;
	v54 =	vpop (erf);
	(erf) = vpow2.f32 v56  }
0xb5: {  	v60 =	vmul.f32 $1.442695020e+00, v55;
	v56 =	vpop (erf);
	(erf) = vpow2.f32 v57  }
0xb6: {  	v57 =	vpop (erf);
	(erf) = vpow2.f32 v58  }
0xb7: {  	v58 =	vpop (erf);
	(erf) = vpow2.f32 v59  }
0xb8: {  	v59 =	vpop (erf);
	(erf) = vpow2.f32 v60  }
0xb9: {  	v60 =	vpop (erf)  }
0xba: {  	v61 =	vpop (erf)  }
0xbb: {  	v62 =	vpop (erf)  }
0xbc: {  	v63 =	vpop (erf)  }
0xbd: {  	v14 =	vpop (erf)  }
0xbe: {  	v16 =	vpop (erf)  }
0xbf: {  	v17 =	vpop (erf)  }
0xc0: {  	v4 =	vadd.f32 v45, v4;
	v45 =	vpop (erf)  }
0xc1: {  	v18 =	vadd.f32 v49, v18;
	v49 =	vpop (erf)  }
0xc2: {  	_ =	swait.ge [sflag:s2], $0x800  }
0xc3: {  	v39 =	vadd.f32 v39, v1;
	v8 =	vmax.f32 v8, v25;
	v6 =	vmax.f32 v26, v6;
	[sflag:s2] =	ssyncset.done $0x0  }
0xc4: {  	v47 =	vadd.f32 v47, v9;
	v26 =	vmax.f32 v28, v37;
	v51 =	vadd.f32 v51, v12;
	[sflag:s2] =	ssyncadd.s32 $0xFFFFF800  }
0xc5: {  	v12 =	vmax.f32 v27, v33;
	v27 =	vmax.f32 v29, v38;
	v25 =	vadd.f32 v53, v19;
	[tilespmem:s28], [sflag:$0x6] =	stream.linear.gather [spmem:s13], $0x4000, $0x38;
	[tilespmem:$0x18C00] =	vst v63  }
0xc6: {  	v19 =	vmax.f32 v31, v34;
	s4 =	sadd.s32 @!p0 s14, s17;
	v1 =	vmax.f32 v30, v40;
	v9 =	vmax.f32 v32, v41;
	_ =	swait.ge [sflag:s29], $0x4000  }
0xc7: {  	s19 =	simm.s32 $0x0;
	s4 =	sshrl.u32 @!p0 s4, $0x3;
	v8 =	vmax.f32 v8, v13;
	v6 =	vmax.f32 v6, v43;
	vm0 =	vlt.f32 v9, v24;
	[sflag:s29] =	ssyncset.done $0x0  }
0xc8: {  	s6 =	sshrl.u32 @!p0 s11, $0x3;
	s4 =	sadd.s32 @!p0 s1, s4;
	vm1 =	vgt.f32 v9, v24;
	vm12 =	vlt.f32 v8, v5;
	vm2 =	vgt.f32 v8, v5;
	[sflag:s29] =	ssyncadd.s32 $0xFFFFC000  }
0xc9: {  	vm14 =	vlt.f32 v6, v7;
	vm15 =	vgt.f32 v6, v7;
	v7 =	vmax.f32 v26, v52;
	[spmem:s6], [sflag:s20] =	dma.local @!p0 [hbm:s4], $0x800  }
0xca: {  	s23 =	sand.u32 $0x7, s19;
	vm0 =	vmor vm1, vm0;
	v31 =	vadd.f32 v56, v4;
	v4 =	vmax.f32 v12, v44;
	v12 =	vld [tilespmem:$0x1FFA0]  }
0xcb: {  	s24 =	sand.u32 $0x70, s19;
	v5 =	vmax.f32 v19, v46;
	vm9 =	vlt.f32 v7, v11;
	vm10 =	vgt.f32 v7, v11;
	s6 =	sshll.u32 s23, $0x4;
	s4 =	sand.u32 $0x3C00, s19  }
0xcc: {  	vm7 =	vlt.f32 v5, v10;
	vm8 =	vgt.f32 v5, v10;
	v10 =	vmax.f32 v27, v55;
	s6 =	sadd.s32 $0x0, s6;
	s4 =	sor.u32 s24, s4  }
0xcd: {  	vm13 =	vmor vm2, vm12;
	vm11 =	vmor vm10, vm9;
	vm12 =	vlt.f32 v10, v15;
	s6 =	sor.u32 $0x380, s6;
	v27 =	vld [tilespmem:s4+$0x0]  }
0xce: {  	v28 =	vadd.f32 v50, v35;
	vm4 =	vlt.f32 v4, v3;
	vm5 =	vgt.f32 v4, v3;
	v26 =	vld [tilespmem:s6+$0x0]  }
0xcf: {  	v29 =	vadd.f32 v48, v36;
	vm6 =	vmor vm5, vm4;
	v19 =	vsel vm0, s21, v12;
	v12 =	vld [tilespmem:$0x1FFB0]  }
0xd0: {  	v30 =	vadd.f32 v54, v39;
	v56 =	vadd.f32 v57, v47;
	v3 =	vsel vm6, s21, v20  }
0xd1: {  	v57 =	vadd.f32 v58, v18;
	v13 =	vadd.f32 v14, v31;
	[tilespmem:$0x1FF60] =	vst v3;
	v3 =	vld [tilespmem:$0x1FFC0];
	vm0 =	vmor vm15, vm14  }
0xd2: {  	vm14 =	vlt.f32 v1, v2;
	vm15 =	vgt.f32 v1, v2;
	v2 =	vadd.f32 v59, v51  }
0xd3: {  	v58 =	vld [tilespmem:s4+$0x80];
	v43 =	vsel vm0, s21, v21;
	vm0 =	vmor vm8, vm7;
	vm1 =	vmor vm15, vm14  }
0xd4: {  	v59 =	vld [tilespmem:s4+$0x100];
	v24 =	vmul.f32 $1.442695020e+00, v27;
	v20 =	vmul.f32 $1.442695020e+00, v26;
	v18 =	vsel vm13, s21, v12  }
0xd5: {  	vm13 =	vgt.f32 v10, v15;
	v15 =	vadd.f32 v60, v25;
	v60 =	vadd.f32 v61, v28;
	v28 =	vld [tilespmem:s4+$0x180]  }
0xd6: {  	s10 =	simm.s32 $0x1;
	v14 =	vld [tilespmem:s4+$0x200];
	v21 =	vadd.f32 v17, v57;
	v11 =	vsel vm0, s21, v3;
	v3 =	vsel vm11, s21, v42  }
0xd7: {  	s6 =	sand.u32 $0x7, s10;
	[tilespmem:$0x1FF70] =	vst v3;
	v3 =	vadd.f32 v63, v30;
	(erf) = vpow2.f32 v20;
	v61 =	vadd.f32 v62, v29;
	v29 =	vld [tilespmem:s4+$0x280]  }
0xd8: {  	s14 =	sshll.u32 s6, $0x4;
	v17 =	vld [tilespmem:s4+$0x300];
	v20 =	vadd.f32 v45, v2;
	v25 =	vmul.f32 $1.442695020e+00, v58;
	vm0 =	vmor vm13, vm12  }
0xd9: {  	s19 =	simm.s32 $0x10;
	s23 =	simm.s32 $0x80;
	(erf) = vpow2.f32 v24;
	v30 =	vmul.f32 $1.442695020e+00, v59;
	s4 =	sadd.s32 $0x80, s14;
	v2 =	vsel vm0, s21, v22  }
0xda: {  	s6 =	sand.u32 $0x70, s19;
	s4 =	sor.u32 $0x380, s4;
	(erf) = vpow2.f32 v25;
	[tilespmem:$0x1FF80] =	vst v2;
	v2 =	vsel vm1, s21, v23;
	s21 =	sand.u32 $0x3C00, s23;
	v22 =	vmul.f32 $1.442695020e+00, v28  }
0xdb: {  	v31 =	vmax.f32 v1, v26;
	v62 =	vld [tilespmem:s4+$0x0];
	v23 =	vmul.f32 $1.442695020e+00, v14;
	(erf) = vpow2.f32 v30;
	s24 =	sor.u32 s6, s21  }
0xdc: {  	v63 =	vmax.f32 v9, v27;
	v27 =	vmul.f32 $1.442695020e+00, v29;
	v26 =	vld [tilespmem:s24+$0x80];
	(erf) = vpow2.f32 v22  }
0xdd: {  	v30 =	vmul.f32 $1.442695020e+00, v17;
	v22 =	vld [tilespmem:s24+$0x0];
	(erf) = vpow2.f32 v23  }
0xde: {  	v16 =	vadd.f32 v16, v56;
	v32 =	vmax.f32 v5, v14;
	(erf) = vpow2.f32 v27  }
0xdf: {  	v24 =	vadd.f32 v49, v15;
	v25 =	vmax.f32 v8, v58;
	v23 =	vld [tilespmem:s24+$0x100];
	(erf) = vpow2.f32 v30  }
0xe0: {  	v28 =	vmax.f32 v4, v28;
	v33 =	vld [tilespmem:s24+$0x180];
	v29 =	vmax.f32 v7, v29;
	v14 =	vmul.f32 $1.442695020e+00, v62  }
0xe1: {  	v34 =	vld [tilespmem:s24+$0x200];
	v31 =	vmax.f32 v31, v62;
	v27 =	vmax.f32 v6, v59;
	v30 =	vmax.f32 v10, v17;
	v17 =	vpop (erf)  }
0xe2: {  	s10 =	simm.s32 $0x30;
	s6 =	simm.s32 $0x2;
	v37 =	vld [tilespmem:s24+$0x280];
	v41 =	vmul.f32 $1.442695020e+00, v26;
	v35 =	vadd.f32 v17, v60;
	v17 =	vpop (erf);
	v40 =	vmul.f32 $1.442695020e+00, v22  }
0xe3: {  	s14 =	sor.u32 $0x3, s25;
	s4 =	simm.s32 $0x20;
	[tilespmem:$0x1FF90] =	vst v2;
	s19 =	sand.u32 $0x7, s6;
	v38 =	vld [tilespmem:s24+$0x300];
	(erf) = vpow2.f32 v14;
	v22 =	vmax.f32 v63, v22;
	v36 =	vadd.f32 v17, v61;
	v39 =	vpop (erf)  }
.LBB2_7:
0xe4: {  	p1 =	sne.s32 s10, $0x7F0;
	s19 =	sshll.u32 s19, $0x4;
	v2 =	vmul.f32 $1.442695020e+00, v23;
	s23 =	sadd.s32 $0x80, s23;
	(erf) = vpow2.f32 v40;
	v3 =	vadd.f32 v39, v3;
	v17 =	vpop (erf)  }
0xe5: {  	s4 =	sand.u32 $0x70, s4;
	s19 =	sadd.s32 s19, s23;
	s21 =	sand.u32 $0x3C00, s23;
	v39 =	vmul.f32 $1.442695020e+00, v33;
	(erf) = vpow2.f32 v41;
	v13 =	vadd.f32 v17, v13;
	v17 =	vpop (erf)  }
0xe6: {  	s21 =	sor.u32 s4, s21;
	s19 =	sor.u32 $0x380, s19;
	v40 =	vmul.f32 $1.442695020e+00, v34;
	(erf) = vpow2.f32 v2;
	v16 =	vadd.f32 v17, v16;
	v14 =	vpop (erf);
	s4 =	smov.u32 s10  }
0xe7: {  	v17 =	vld [tilespmem:s19+$0x0];
	v41 =	vmul.f32 $1.442695020e+00, v37;
	(erf) = vpow2.f32 v39;
	v21 =	vadd.f32 v14, v21;
	v14 =	vpop (erf)  }
0xe8: {  	v39 =	vld [tilespmem:s21+$0x0];
	v44 =	vmul.f32 $1.442695020e+00, v38;
	(erf) = vpow2.f32 v40;
	v20 =	vadd.f32 v14, v20;
	v14 =	vpop (erf)  }
0xe9: {  	v25 =	vmax.f32 v25, v26;
	v26 =	vld [tilespmem:s21+$0x80];
	(erf) = vpow2.f32 v41;
	v24 =	vadd.f32 v14, v24  }
.Ltmp2:
0xea: {  	v27 =	vmax.f32 v27, v23;
	v28 =	vmax.f32 v28, v33;
	v23 =	vld [tilespmem:s21+$0x100];
	(erf) = vpow2.f32 v44;
	(pc) =	sbr.rel @p1 .LBB2_7-.Ltmp2, $4  }
0xeb: {  	v32 =	vmax.f32 v32, v34;
	v29 =	vmax.f32 v29, v37;
	v30 =	vmax.f32 v30, v38;
	v33 =	vld [tilespmem:s21+$0x180]  }
0xec: {  	v34 =	vld [tilespmem:s21+$0x200];
	v14 =	vmul.f32 $1.442695020e+00, v17;
	v31 =	vmax.f32 v31, v17;
	v17 =	vpop (erf)  }
0xed: {  	s6 =	sadd.s32 $0x1, s6;
	v40 =	vmul.f32 $1.442695020e+00, v39;
	v22 =	vmax.f32 v22, v39;
	v37 =	vld [tilespmem:s21+$0x280];
	v35 =	vadd.f32 v17, v35;
	v17 =	vpop (erf)  }
0xee: {  	s10 =	sadd.s32 $0x10, s10;
	s19 =	sand.u32 $0x7, s6;
	v41 =	vmul.f32 $1.442695020e+00, v26;
	v38 =	vld [tilespmem:s21+$0x300];
	(erf) = vpow2.f32 v14;
	v36 =	vadd.f32 v17, v36;
	v39 =	vpop (erf)  }
0xef: {  	s6 =	sshll.u32 s19, $0x4;
	s10 =	sadd.s32 $0x80, s23  }
0xf0: {  	s6 =	sadd.s32 s6, s10  }
0xf1: {  	s4 =	sand.u32 $0x70, s4;
	s10 =	sand.u32 $0x3C00, s10;
	s6 =	sor.u32 $0x380, s6  }
0xf2: {  	v14 =	vmul.f32 $1.442695020e+00, v23;
	(erf) = vpow2.f32 v40;
	s4 =	sor.u32 s4, s10;
	v17 =	vld [tilespmem:s6+$0x0]  }
0xf3: {  	v63 =	vmul.f32 $1.442695020e+00, v33;
	(erf) = vpow2.f32 v41;
	v41 =	vld [tilespmem:s4+$0x0]  }
0xf4: {  	v44 =	vmul.f32 $1.442695020e+00, v34;
	(erf) = vpow2.f32 v14;
	v14 =	vld [tilespmem:s4+$0x80]  }
0xf5: {  	v45 =	vpop (erf);
	v46 =	vmul.f32 $1.442695020e+00, v37;
	(erf) = vpow2.f32 v63;
	v40 =	vld [tilespmem:s4+$0x100]  }
0xf6: {  	v47 =	vpop (erf);
	v48 =	vmul.f32 $1.442695020e+00, v38;
	(erf) = vpow2.f32 v44;
	v44 =	vld [tilespmem:s4+$0x180]  }
0xf7: {  	v49 =	vpop (erf);
	(erf) = vpow2.f32 v46;
	v46 =	vld [tilespmem:s4+$0x200];
	v50 =	vmul.f32 $1.442695020e+00, v17  }
0xf8: {  	v51 =	vpop (erf);
	v52 =	vld [tilespmem:s4+$0x280];
	(erf) = vpow2.f32 v48  }
0xf9: {  	v55 =	vld [tilespmem:s4+$0x300];
	v42 =	vmul.f32 $1.442695020e+00, v41;
	v54 =	vmul.f32 $1.442695020e+00, v14  }
0xfa: {  	v53 =	vpop (erf);
	v56 =	vmul.f32 $1.442695020e+00, v40;
	(erf) = vpow2.f32 v50  }
0xfb: {  	v57 =	vmul.f32 $1.442695020e+00, v44;
	v50 =	vpop (erf);
	(erf) = vpow2.f32 v42  }
0xfc: {  	v58 =	vmul.f32 $1.442695020e+00, v46;
	v48 =	vpop (erf);
	(erf) = vpow2.f32 v54  }
0xfd: {  	v59 =	vmul.f32 $1.442695020e+00, v52;
	v54 =	vpop (erf);
	(erf) = vpow2.f32 v56  }
0xfe: {  	v60 =	vmul.f32 $1.442695020e+00, v55;
	v56 =	vpop (erf);
	(erf) = vpow2.f32 v57  }
0xff: {  	v57 =	vpop (erf);
	(erf) = vpow2.f32 v58  }
0x100: {  	v58 =	vpop (erf);
	(erf) = vpow2.f32 v59  }
0x101: {  	v59 =	vpop (erf);
	(erf) = vpow2.f32 v60  }
0x102: {  	v60 =	vpop (erf)  }
0x103: {  	v61 =	vpop (erf)  }
0x104: {  	v62 =	vpop (erf)  }
0x105: {  	v63 =	vpop (erf)  }
0x106: {  	v2 =	vpop (erf)  }
0x107: {  	v12 =	vpop (erf)  }
0x108: {  	v15 =	vpop (erf)  }
0x109: {  	p1 =	sne.s32 s7, $0xD;
	v42 =	vpop (erf)  }
0x10a: {  	v13 =	vadd.f32 v45, v13;
	s4 =	simm.s32 @p1 $0x1;
	v45 =	vpop (erf)  }
0x10b: {  	_ =	swait.ge @p1 [sflag:s4], $0x800  }
0x10c: {  	[sflag:s4] =	ssyncset.done @p1 $0x0  }
0x10d: {  	[sflag:s4] =	ssyncadd.s32 @p1 $0xFFFFF800;
	s4 =	simm.s32 @p1 $0x0  }
0x10e: {  	[tilespmem:s4], [sflag:$0x5] =	stream.linear.gather @p1 [spmem:s5], $0x4000, $0x38;
	[tilespmem:$0x18C00] =	vst v63  }
0x10f: {  	s6 =	sshll.u32 @p1 s7, $0x10;
	s4 =	simm.s32 @p1 $0x6  }
0x110: {  	s6 =	sadd.s32 @p1 s6, s18;
	_ =	swait.ge @p1 [sflag:s4], $0x4000  }
0x111: {  	v39 =	vadd.f32 v39, v3;
	v25 =	vmax.f32 v25, v26;
	s6 =	sshrl.u32 @p1 s6, $0x3;
	[sflag:s4] =	ssyncset.done @p1 $0x0  }
0x112: {  	v23 =	vmax.f32 v27, v23;
	v16 =	vadd.f32 v47, v16;
	v27 =	vmax.f32 v32, v34;
	[sflag:s4] =	ssyncadd.s32 @p1 $0xFFFFC000;
	s4 =	sadd.s32 @p1 s1, s6;
	s6 =	sshrl.u32 @p1 s13, $0x3  }
0x113: {  	v51 =	vadd.f32 v51, v20;
	v26 =	vadd.f32 v53, v24;
	v24 =	vmax.f32 v28, v33;
	[spmem:s6], [sflag:s12] =	dma.local @p1 [hbm:s4], $0x800  }
0x114: {  	v28 =	vmax.f32 v29, v37;
	v29 =	vmax.f32 v30, v38;
	v3 =	vmax.f32 v31, v17;
	s4 =	simm.s32 @!p1 $0x6  }
0x115: {  	s21 =	simm.s32 $0x0;
	v20 =	vmax.f32 v22, v41;
	v53 =	vadd.f32 v56, v13;
	v13 =	vmax.f32 v24, v44;
	_ =	swait.ge @!p1 [sflag:s4], $0x4000  }
0x116: {  	s23 =	sand.u32 $0x7, s21;
	v22 =	vmax.f32 v25, v14;
	vm4 =	vlt.f32 v13, v4;
	vm5 =	vgt.f32 v13, v4;
	v4 =	vld [tilespmem:$0x1FF60]  }
0x117: {  	s10 =	sshll.u32 s23, $0x4;
	vm0 =	vlt.f32 v20, v9;
	vm1 =	vgt.f32 v20, v9;
	vm12 =	vlt.f32 v22, v8  }
0x118: {  	s24 =	sadd.s32 $0x0, s10;
	vm2 =	vgt.f32 v22, v8;
	vm0 =	vmor vm1, vm0;
	v8 =	vmax.f32 v27, v46;
	[sflag:s4] =	ssyncset.done @!p1 $0x0  }
0x119: {  	vm13 =	vmor vm2, vm12;
	vm7 =	vlt.f32 v8, v5;
	vm8 =	vgt.f32 v8, v5;
	[sflag:s4] =	ssyncadd.s32 @!p1 $0xFFFFC000;
	s4 =	sor.u32 $0x380, s24  }
0x11a: {  	v5 =	vmax.f32 v29, v55;
	v31 =	vadd.f32 v54, v39;
	vm6 =	vmor vm5, vm4;
	v14 =	vld [tilespmem:s4+$0x4000]  }
0x11b: {  	v54 =	vadd.f32 v57, v16;
	v16 =	vmax.f32 v23, v40;
	v27 =	vsel vm6, s0, v4;
	v4 =	vld [tilespmem:$0x1FF70]  }
0x11c: {  	v24 =	vsel vm13, s0, v18;
	vm14 =	vlt.f32 v16, v6;
	vm15 =	vgt.f32 v16, v6  }
0x11d: {  	v23 =	vsel vm0, s0, v19;
	v6 =	vmax.f32 v28, v52;
	vm0 =	vmor vm15, vm14  }
0x11e: {  	s25 =	sand.u32 $0x70, s21;
	vm9 =	vlt.f32 v6, v7;
	vm10 =	vgt.f32 v6, v7;
	vm14 =	vlt.f32 v3, v1;
	s6 =	sand.u32 $0x3C00, s21  }
0x11f: {  	vm15 =	vgt.f32 v3, v1;
	v1 =	vadd.f32 v59, v51;
	vm11 =	vmor vm10, vm9;
	s6 =	sor.u32 s25, s6  }
0x120: {  	v26 =	vadd.f32 v60, v26;
	v18 =	vld [tilespmem:s6+$0x4000];
	v29 =	vsel vm11, s0, v4;
	v4 =	vmul.f32 $1.442695020e+00, v14;
	_ =	sdelay $0x1  }
0x121: {  	(erf) = vpow2.f32 v4;
	v4 =	vadd.f32 v42, v1;
	v1 =	vadd.f32 v45, v26;
	v26 =	vld [tilespmem:$0x1FF80]  }
0x122: {  	v21 =	vadd.f32 v49, v21;
	vm12 =	vlt.f32 v5, v10;
	v30 =	vadd.f32 v50, v35  }
0x123: {  	v17 =	vadd.f32 v48, v36;
	vm13 =	vgt.f32 v5, v10;
	v25 =	vsel vm0, s0, v43;
	v19 =	vld [tilespmem:s6+$0x4080]  }
0x124: {  	vm0 =	vmor vm8, vm7;
	v35 =	vadd.f32 v61, v30;
	v55 =	vld [tilespmem:s6+$0x4100];
	v30 =	vmul.f32 $1.442695020e+00, v18  }
0x125: {  	v28 =	vsel vm0, s0, v11;
	vm0 =	vmor vm13, vm12;
	v56 =	vadd.f32 v62, v17;
	v17 =	vld [tilespmem:s6+$0x4180]  }
0x126: {  	(erf) = vpow2.f32 v30;
	v30 =	vsel vm0, s0, v26;
	v26 =	vld [tilespmem:$0x1FF90]  }
0x127: {  	v21 =	vadd.f32 v58, v21;
	v10 =	vadd.f32 v2, v53;
	v2 =	vld [tilespmem:s6+$0x4200]  }
0x128: {  	s19 =	simm.s32 $0x10;
	s10 =	simm.s32 $0x1;
	v7 =	vadd.f32 v12, v54;
	s21 =	simm.s32 $0x80;
	v12 =	vld [tilespmem:s6+$0x4280]  }
0x129: {  	s23 =	sand.u32 $0x70, s19;
	v11 =	vadd.f32 v63, v31;
	v9 =	vadd.f32 v15, v21;
	s24 =	sand.u32 $0x3C00, s21;
	s4 =	sand.u32 $0x7, s10;
	v15 =	vld [tilespmem:s6+$0x4300];
	v31 =	vmul.f32 $1.442695020e+00, v19  }
0x12a: {  	vm1 =	vmor vm15, vm14;
	s25 =	sor.u32 s23, s24;
	s4 =	sshll.u32 s4, $0x4;
	v21 =	vmul.f32 $1.442695020e+00, v55  }
0x12b: {  	v60 =	vld [tilespmem:s25+$0x4000];
	s4 =	sadd.s32 $0x80, s4;
	(erf) = vpow2.f32 v31;
	v31 =	vsel vm1, s0, v26;
	v26 =	vmul.f32 $1.442695020e+00, v17  }
0x12c: {  	v33 =	vld [tilespmem:s25+$0x4080];
	s4 =	sor.u32 $0x380, s4;
	v57 =	vmax.f32 v3, v14;
	v14 =	vmul.f32 $1.442695020e+00, v2;
	(erf) = vpow2.f32 v21  }
0x12d: {  	v58 =	vld [tilespmem:s4+$0x4000];
	v59 =	vmax.f32 v20, v18;
	v18 =	vmul.f32 $1.442695020e+00, v12;
	(erf) = vpow2.f32 v26  }
0x12e: {  	v61 =	vmul.f32 $1.442695020e+00, v15;
	(erf) = vpow2.f32 v14  }
0x12f: {  	(erf) = vpow2.f32 v18  }
0x130: {  	v32 =	vmax.f32 v22, v19;
	v19 =	vmax.f32 v8, v2;
	v21 =	vld [tilespmem:s25+$0x4100];
	(erf) = vpow2.f32 v61  }
0x131: {  	v34 =	vld [tilespmem:s25+$0x4180];
	v39 =	vmul.f32 $1.442695020e+00, v60;
	v40 =	vmul.f32 $1.442695020e+00, v33;
	v2 =	vmax.f32 v59, v60  }
0x132: {  	v36 =	vld [tilespmem:s25+$0x4200];
	v62 =	vmul.f32 $1.442695020e+00, v58;
	v26 =	vmax.f32 v16, v55;
	v18 =	vmax.f32 v5, v15;
	v15 =	vpop (erf)  }
0x133: {  	v37 =	vld [tilespmem:s25+$0x4280];
	s0 =	simm.s32 $0x2;
	v14 =	vmax.f32 v13, v17;
	v17 =	vmax.f32 v6, v12;
	v12 =	vmax.f32 v57, v58;
	v63 =	vpop (erf)  }
0x134: {  	s10 =	simm.s32 $0x20;
	s6 =	simm.s32 $0x30;
	v38 =	vld [tilespmem:s25+$0x4300];
	s4 =	sand.u32 $0x7, s0;
	v15 =	vadd.f32 v15, v35;
	(erf) = vpow2.f32 v62;
	v35 =	vadd.f32 v63, v56;
	v41 =	vpop (erf)  }
.LBB2_9:
0x135: {  	p1 =	sne.s32 s6, $0x7F0;
	s4 =	sshll.u32 s4, $0x4;
	v42 =	vmul.f32 $1.442695020e+00, v21;
	s21 =	sadd.s32 $0x80, s21;
	(erf) = vpow2.f32 v39;
	v11 =	vadd.f32 v41, v11;
	v39 =	vpop (erf)  }
0x136: {  	s10 =	sand.u32 $0x70, s10;
	s4 =	sadd.s32 s4, s21;
	s19 =	sand.u32 $0x3C00, s21;
	v41 =	vmul.f32 $1.442695020e+00, v34;
	(erf) = vpow2.f32 v40;
	v10 =	vadd.f32 v39, v10;
	v39 =	vpop (erf)  }
0x137: {  	s19 =	sor.u32 s10, s19;
	s4 =	sor.u32 $0x380, s4;
	v40 =	vmul.f32 $1.442695020e+00, v36;
	(erf) = vpow2.f32 v42;
	v7 =	vadd.f32 v39, v7;
	v39 =	vpop (erf);
	s10 =	smov.u32 s6  }
0x138: {  	v42 =	vld [tilespmem:s4+$0x4000];
	v43 =	vmul.f32 $1.442695020e+00, v37;
	(erf) = vpow2.f32 v41;
	v9 =	vadd.f32 v39, v9;
	v39 =	vpop (erf)  }
0x139: {  	v41 =	vld [tilespmem:s19+$0x4000];
	v44 =	vmul.f32 $1.442695020e+00, v38;
	(erf) = vpow2.f32 v40;
	v4 =	vadd.f32 v39, v4;
	v39 =	vpop (erf)  }
0x13a: {  	v32 =	vmax.f32 v32, v33;
	v33 =	vld [tilespmem:s19+$0x4080];
	(erf) = vpow2.f32 v43;
	v1 =	vadd.f32 v39, v1  }
.Ltmp3:
0x13b: {  	v26 =	vmax.f32 v26, v21;
	v14 =	vmax.f32 v14, v34;
	v21 =	vld [tilespmem:s19+$0x4100];
	(erf) = vpow2.f32 v44;
	(pc) =	sbr.rel @p1 .LBB2_9-.Ltmp3, $4  }
0x13c: {  	v19 =	vmax.f32 v19, v36;
	v17 =	vmax.f32 v17, v37;
	v18 =	vmax.f32 v18, v38;
	v34 =	vld [tilespmem:s19+$0x4180]  }
0x13d: {  	v36 =	vld [tilespmem:s19+$0x4200];
	v43 =	vmul.f32 $1.442695020e+00, v42;
	v12 =	vmax.f32 v12, v42;
	v38 =	vpop (erf)  }
0x13e: {  	s0 =	sadd.s32 $0x1, s0;
	v39 =	vmul.f32 $1.442695020e+00, v41;
	v2 =	vmax.f32 v2, v41;
	v37 =	vld [tilespmem:s19+$0x4280];
	v15 =	vadd.f32 v38, v15;
	v41 =	vpop (erf)  }
0x13f: {  	s6 =	sadd.s32 $0x10, s6;
	s4 =	sand.u32 $0x7, s0;
	v40 =	vmul.f32 $1.442695020e+00, v33;
	v38 =	vld [tilespmem:s19+$0x4300];
	(erf) = vpow2.f32 v43;
	v35 =	vadd.f32 v41, v35;
	v41 =	vpop (erf)  }
0x140: {  	s0 =	sshll.u32 s4, $0x4;
	s25 =	sadd.s32 $0x80, s21  }
0x141: {  	s0 =	sadd.s32 s0, s25  }
0x142: {  	v42 =	vmul.f32 $1.442695020e+00, v21;
	(erf) = vpow2.f32 v39;
	v11 =	vadd.f32 v41, v11;
	s6 =	sand.u32 $0x70, s10;
	s4 =	sand.u32 $0x3C00, s25;
	s0 =	sor.u32 $0x380, s0  }
0x143: {  	v47 =	vpop (erf);
	v32 =	vmax.f32 v32, v33;
	v21 =	vmax.f32 v26, v21;
	v48 =	vmul.f32 $1.442695020e+00, v34;
	s4 =	sor.u32 s6, s4;
	v50 =	vld [tilespmem:s0+$0x4000]  }
0x144: {  	(erf) = vpow2.f32 v40;
	v10 =	vadd.f32 v47, v10;
	v49 =	vpop (erf);
	v57 =	vmax.f32 v14, v34;
	v52 =	vld [tilespmem:s4+$0x4000]  }
0x145: {  	v43 =	vmul.f32 $1.442695020e+00, v36;
	(erf) = vpow2.f32 v42;
	v7 =	vadd.f32 v49, v7;
	v56 =	vld [tilespmem:s4+$0x4100]  }
0x146: {  	v51 =	vpop (erf);
	v58 =	vmax.f32 v19, v36;
	v44 =	vmul.f32 $1.442695020e+00, v37;
	(erf) = vpow2.f32 v48;
	v55 =	vld [tilespmem:s4+$0x4080]  }
0x147: {  	v9 =	vadd.f32 v51, v9;
	v53 =	vpop (erf);
	v17 =	vmax.f32 v17, v37;
	v54 =	vmul.f32 $1.442695020e+00, v38  }
0x148: {  	(erf) = vpow2.f32 v43;
	v39 =	vadd.f32 v53, v4;
	v4 =	vpop (erf);
	v60 =	vmax.f32 v18, v38  }
0x149: {  	v26 =	vld [tilespmem:s4+$0x4180];
	(erf) = vpow2.f32 v44;
	v1 =	vadd.f32 v4, v1;
	v4 =	vmul.f32 $1.442695020e+00, v50  }
0x14a: {  	v59 =	vld [tilespmem:s4+$0x4200];
	(erf) = vpow2.f32 v54;
	v14 =	vmul.f32 $1.442695020e+00, v52;
	v21 =	vmax.f32 v21, v56  }
0x14b: {  	v18 =	vpop (erf);
	v19 =	vmul.f32 $1.442695020e+00, v55;
	vm14 =	vlt.f32 v21, v16;
	(erf) = vpow2.f32 v4  }
0x14c: {  	v61 =	vld [tilespmem:s4+$0x4280];
	vm15 =	vgt.f32 v21, v16;
	v4 =	vmax.f32 v12, v50;
	v12 =	vpop (erf);
	(erf) = vpow2.f32 v14  }
0x14d: {  	v14 =	vmax.f32 v2, v52;
	v2 =	vadd.f32 v18, v15;
	v35 =	vadd.f32 v12, v35;
	v12 =	vpop (erf)  }
0x14e: {  	v15 =	vmul.f32 $1.442695020e+00, v56;
	v18 =	vmul.f32 $1.442695020e+00, v26;
	v11 =	vadd.f32 v12, v11  }
0x14f: {  	v62 =	vld [tilespmem:s4+$0x4300];
	v12 =	vpop (erf);
	(erf) = vpow2.f32 v19;
	v19 =	vmul.f32 $1.442695020e+00, v59;
	vm0 =	vlt.f32 v14, v20  }
0x150: {  	vm1 =	vgt.f32 v14, v20;
	v10 =	vadd.f32 v12, v10;
	v12 =	vpop (erf);
	(erf) = vpow2.f32 v15  }
0x151: {  	v15 =	vmul.f32 $1.442695020e+00, v61;
	vm0 =	vmor vm1, vm0;
	v7 =	vadd.f32 v12, v7  }
0x152: {  	v12 =	vpop (erf);
	(erf) = vpow2.f32 v18;
	v18 =	vmax.f32 v57, v26;
	v23 =	vsel vm0, s14, v23  }
0x153: {  	vm0 =	vmor vm15, vm14;
	vm14 =	vlt.f32 v4, v3;
	vm15 =	vgt.f32 v4, v3  }
0x154: {  	v63 =	vadd.f32 v12, v9;
	v9 =	vpop (erf);
	v12 =	vmul.f32 $1.442695020e+00, v62;
	(erf) = vpow2.f32 v19  }
0x155: {  	v19 =	vmax.f32 v32, v55;
	vm4 =	vlt.f32 v18, v13;
	vm5 =	vgt.f32 v18, v13  }
0x156: {  	vm1 =	vmor vm15, vm14;
	v39 =	vadd.f32 v9, v39;
	(erf) = vpow2.f32 v15  }
0x157: {  	v9 =	vpop (erf);
	v15 =	vmax.f32 v58, v59;
	vm12 =	vlt.f32 v19, v22;
	(erf) = vpow2.f32 v12  }
0x158: {  	vm2 =	vgt.f32 v19, v22;
	v22 =	vsel vm0, s14, v25;
	vm6 =	vmor vm5, vm4  }
0x159: {  	v1 =	vadd.f32 v9, v1;
	v12 =	vmax.f32 v17, v61;
	v9 =	vmax.f32 v60, v62;
	v26 =	vpop (erf)  }
0x15a: {  	vm13 =	vmor vm2, vm12;
	v20 =	vsel vm6, s14, v27;
	vm9 =	vlt.f32 v12, v6;
	v17 =	vpop (erf)  }
0x15b: {  	vm10 =	vgt.f32 v12, v6;
	v2 =	vadd.f32 v26, v2;
	v26 =	vadd.f32 v17, v35;
	v17 =	vpop (erf)  }
0x15c: {  	vm7 =	vlt.f32 v15, v8;
	vm8 =	vgt.f32 v15, v8;
	vm11 =	vmor vm10, vm9;
	v16 =	vpop (erf)  }
.Ltmp4:
0x15d: {  	vm0 =	vmor vm8, vm7;
	vm12 =	vlt.f32 v9, v5;
	v32 =	vsel vm11, s14, v29;
	v8 =	vpop (erf);
	(pc) =	sbr.rel @p0 .LBB2_12-.Ltmp4, $4  }
0x15e: {  	v29 =	vsel vm1, s14, v31;
	v11 =	vadd.f32 v17, v11;
	v17 =	vsel vm13, s14, v24;
	v6 =	vpop (erf)  }
0x15f: {  	vm13 =	vgt.f32 v9, v5;
	v10 =	vadd.f32 v16, v10;
	v7 =	vadd.f32 v8, v7;
	v8 =	vpop (erf)  }
0x160: {  	v16 =	vsel vm0, s14, v28;
	vm0 =	vmor vm13, vm12;
	v5 =	vadd.f32 v6, v63;
	v6 =	vpop (erf)  }
0x161: {  	v30 =	vsel vm0, s14, v30;
	v3 =	vadd.f32 v8, v39;
	v1 =	vadd.f32 v6, v1  }
0x162: {  	[tilespmem:$0x1FFF0] =	vst v32  }
0x163: {  	[tilespmem:$0x1FFE0] =	vst v30  }
.Ltmp5:
0x164: {  	[tilespmem:$0x1FFD0] =	vst v29;
	(pc) =	sbr.rel .LBB2_2-.Ltmp5, $4  }
0x165: {  	_ =	swait.ge [sflag:s26], $0x800  }
0x166: {  	[sflag:s26] =	ssyncset.done $0x0  }
0x167: {  	s7 =	sadd.s32 $0x1, s7;
	[sflag:s26] =	ssyncadd.s32 $0xFFFFF800  }
0x168: {  	[tilespmem:s28], [sflag:$0x6] =	stream.linear.gather [spmem:s9], $0x4000, $0x38;
	[tilespmem:$0x18C00] =	vst v63  }
.LBB2_12:
0x169: {  	(xrf0) =	vmax.scan.msk.f32 $0xffff, v14  }
0x16a: {  	(xrf0) =	vmax.scan.msk.f32 $0xffff, v19  }
0x16b: {  	(xrf0) =	vmax.scan.msk.f32 $0xffff, v21  }
0x16c: {  	(xrf0) =	vmax.scan.msk.f32 $0xffff, v18  }
0x16d: {  	(xrf0) =	vmax.scan.msk.f32 $0xffff, v15;
	_ =	sdelay $0x1  }
0x16e: {  	v6, _, _ =	vpop (xrf0)  }
0x16f: {  	v8, _, _ =	vpop (xrf0)  }
0x170: {  	v27 =	vbroadcast v6, $0xF;
	v6, _, _ =	vpop (xrf0)  }
0x171: {  	v25 =	vbroadcast v8, $0xF;
	v8 =	vxor.u32 $0x80000000, v22;
	v13, _, _ =	vpop (xrf0);
	v24 =	vbroadcast v6, $0xF  }
0x172: {  	vm0 =	veq.f32 v14, v27;
	v14 =	vxor.u32 $0x80000000, v23;
	v6, _, _ =	vpop (xrf0);
	v23 =	vbroadcast v13, $0xF  }
0x173: {  	v28 =	vnsel vm0, $0xFFFFFFFF, v14;
	vm12 =	veq.f32 v21, v24;
	v14 =	vbroadcast v6, $0xF  }
0x174: {  	(xrf0) =	vmin.scan.msk.u32 $0xffff, v28;
	v6 =	vnsel vm12, $0xFFFFFFFF, v8;
	vm13 =	veq.f32 v18, v23;
	v8 =	vxor.u32 $0x80000000, v20  }
0x175: {  	(xrf0) =	vmin.scan.msk.u32 $0xffff, v6;
	v6 =	vnsel vm13, $0xFFFFFFFF, v8;
	vm14 =	veq.f32 v15, v14;
	v8 =	vxor.u32 $0x80000000, v16  }
0x176: {  	vm15 =	veq.f32 v19, v25;
	(xrf0) =	vmin.scan.msk.u32 $0xffff, v6;
	v6 =	vnsel vm14, $0xFFFFFFFF, v8;
	v8 =	vxor.u32 $0x80000000, v17  }
0x177: {  	(xrf0) =	vmin.scan.msk.u32 $0xffff, v6;
	v6 =	vnsel vm15, $0xFFFFFFFF, v8  }
0x178: {  	(xrf0) =	vmin.scan.msk.u32 $0xffff, v6;
	_ =	sdelay $0x1  }
0x179: {  	v6, _, _ =	vpop (xrf0)  }
0x17a: {  	v8, _, _ =	vpop (xrf0);
	(v2sf) =	vpush v6, $0xF  }
0x17b: {  	v6, _, _ =	vpop (xrf0);
	(v2sf) =	vpush v8, $0xF  }
0x17c: {  	v8, _, _ =	vpop (xrf0);
	(v2sf) =	vpush v6, $0xF  }
0x17d: {  	(v2sf) =	vpush v8, $0xF;
	v6, _, _ =	vpop (xrf0)  }
0x17e: {  	(v2sf) =	vpush v6, $0xF;
	_ =	sdelay $0xa  }
0x17f: {  	s0 =	spop (v2sf)  }
0x180: {  	s4 =	spop (v2sf)  }
0x181: {  	s19 =	rddreg [dreg:$0x5];
	s10 =	sshll.u32 s0, $0xB;
	s6 =	spop (v2sf)  }
0x182: {  	s23 =	rddreg [dreg:$0xb];
	s7 =	sadd.s32 s19, s10;
	s0 =	spop (v2sf)  }
0x183: {  	s24 =	rddreg [dreg:$0x15];
	s7 =	sadd.s32 s7, s23;
	s14 =	spop (v2sf)  }
0x184: {  	[spmem:s24], [sflag:s8] =	dma.local [hbm:s7], $0x800  }
0x185: {  	s7 =	sshll.u32 s14, $0xB  }
0x186: {  	s14 =	sadd.s32 s19, s7  }
0x187: {  	s21 =	rddreg [dreg:$0x14];
	s14 =	sadd.s32 s14, s23  }
0x188: {  	[spmem:s21], [sflag:s22] =	dma.local [hbm:s14], $0x800  }
0x189: {  	s14 =	sshll.u32 s4, $0xB  }
0x18a: {  	s4 =	sadd.s32 s19, s14  }
0x18b: {  	s21 =	rddreg [dreg:$0x13];
	s4 =	sadd.s32 s4, s23  }
0x18c: {  	[spmem:s21], [sflag:s20] =	dma.local [hbm:s4], $0x800  }
0x18d: {  	s21 =	sshll.u32 s6, $0xB  }
0x18e: {  	s6 =	sadd.s32 s19, s21  }
0x18f: {  	s25 =	rddreg [dreg:$0x12];
	s4 =	sadd.s32 s6, s23;
	s6 =	simm.s32 $0x1  }
0x190: {  	[spmem:s25], [sflag:s12] =	dma.local [hbm:s4], $0x800  }
0x191: {  	_ =	swait.ge [sflag:s6], $0x800  }
0x192: {  	[sflag:s6] =	ssyncset.done $0x0  }
0x193: {  	s4 =	simm.s32 $0x0;
	[sflag:s6] =	ssyncadd.s32 $0xFFFFF800  }
0x194: {  	[tilespmem:s4], [sflag:$0x5] =	stream.linear.gather [spmem:s5], $0x4000, $0x38;
	[tilespmem:$0x18C00] =	vst v63  }
0x195: {  	_ =	swait.ge [sflag:s26], $0x800  }
0x196: {  	[sflag:s26] =	ssyncset.done $0x0  }
0x197: {  	[sflag:s26] =	ssyncadd.s32 $0xFFFFF800  }
0x198: {  	[tilespmem:s28], [sflag:$0x6] =	stream.linear.gather [spmem:s9], $0x4000, $0x38;
	[tilespmem:$0x18C00] =	vst v63  }
0x199: {  	s0 =	sshll.u32 s0, $0xB;
	_ =	swait.ge [sflag:s29], $0x4000  }
0x19a: {  	s19 =	sadd.s32 s19, s0;
	[sflag:s29] =	ssyncset.done $0x0  }
0x19b: {  	s6 =	sadd.s32 s19, s23;
	[sflag:s29] =	ssyncadd.s32 $0xFFFFC000  }
0x19c: {  	[spmem:s24], [sflag:s8] =	dma.local [hbm:s6], $0x800  }
0x19d: {  	s23 =	sand.u32 $0x70, s4;
	s24 =	sand.u32 $0x3C00, s4  }
0x19e: {  	s19 =	sor.u32 s23, s24  }
0x19f: {  	s25 =	rddreg [dreg:$0x10];
	v15 =	vld [tilespmem:s19+$0x0]  }
0x1a0: {  	v16 =	vimm.s32 $0x7FFFFFFF;
	s23 =	simm.s32 $0x0;
	s6 =	sadd.s32 s10, s25;
	s10 =	simm.s32 $0x10  }
.LBB2_13:
0x1a1: {  	s19 =	sand.u32 $0x70, s10;
	s24 =	sadd.s32 s4, s6  }
0x1a2: {  	s23 =	sadd.s32 $0x80, s23;
	s4 =	smov.u32 s10;
	p0 =	sne.s32 s10, $0x7F0  }
.Ltmp6:
0x1a3: {  	s10 =	sadd.s32 $0x10, s10;
	s25 =	sand.u32 $0x3C00, s23;
	(pc) =	sbr.rel @p0 .LBB2_13-.Ltmp6, $4  }
0x1a4: {  	v6 =	vor.u32 s24, v0;
	s19 =	sor.u32 s19, s25;
	vm0 =	veq.f32 v15, v27  }
0x1a5: {  	v15 =	vld [tilespmem:s19+$0x0];
	v6 =	vnsel vm0, $0x7FFFFFFF, v6  }
0x1a6: {  	vm0 =	vlt.s32 v16, v6  }
0x1a7: {  	v16 =	vsel vm0, v16, v6  }
0x1a8: {  	(xrf0) =	vmax.scan.msk.f32 $0xffff, v12;
	_ =	sdelay $0x5  }
0x1a9: {  	s4 =	sadd.s32 s4, s6;
	v6, _, _ =	vpop (xrf0)  }
0x1aa: {  	v8 =	vor.u32 s4, v0;
	vm0 =	veq.f32 v15, v27;
	v15 =	vbroadcast v6, $0xF  }
0x1ab: {  	v6 =	vnsel vm0, $0x7FFFFFFF, v8  }
0x1ac: {  	v8 =	vxor.u32 $0x80000000, v32;
	vm0 =	vlt.s32 v16, v6;
	vm1 =	veq.f32 v12, v15  }
0x1ad: {  	v6 =	vsel vm0, v16, v6;
	v8 =	vnsel vm1, $0xFFFFFFFF, v8  }
0x1ae: {  	v6 =	vxor.u32 $0x80000000, v6;
	(xrf0) =	vmin.scan.msk.u32 $0xffff, v8  }
0x1af: {  	(xrf0) =	vmin.scan.msk.u32 $0xffff, v6;
	_ =	sdelay $0x4  }
0x1b0: {  	v6, _, _ =	vpop (xrf0)  }
0x1b1: {  	(v2sf) =	vpush v6, $0xF;
	v6, _, _ =	vpop (xrf0)  }
0x1b2: {  	(v2sf) =	vpush v6, $0xF;
	_ =	sdelay $0x4  }
0x1b3: {  	(xrf2) =	vadd.scan.msk.f32 $0xffff, v26;
	_ =	sdelay $0x8  }
0x1b4: {  	s23 =	spop (v2sf)  }
0x1b5: {  	v6, _, _ =	vpop (xrf2);
	s10 =	spop (v2sf)  }
0x1b6: {  	_ =	swait.ge [sflag:s30], $0x800  }
0x1b7: {  	[sflag:s30] =	ssyncset.done $0x0  }
0x1b8: {  	s4 =	simm.s32 $0x0;
	[sflag:s30] =	ssyncadd.s32 $0xFFFFF800  }
0x1b9: {  	v6 =	vbroadcast v6, $0xF;
	[tilespmem:s4], [sflag:$0x5] =	stream.linear.gather [spmem:s11], $0x4000, $0x38;
	[tilespmem:$0x18C00] =	vst v63  }
0x1ba: {  	s10 =	sxor.u32 $0x80000000, s10;
	[tilespmem:$0x8000] =	vst v27  }
0x1bb: {  	[tilespmem:$0x8400] =	vst v6;
	v6 =	vmov s10  }
0x1bc: {  	[tilespmem:$0x8800] =	vst v6  }
0x1bd: {  	_ =	swait.ge [sflag:s31], $0x4000  }
0x1be: {  	s6 =	sshll.u32 s23, $0xB;
	s24 =	rddreg [dreg:$0x5]  }
0x1bf: {  	s23 =	sand.u32 $0x70, s4;
	[sflag:s31] =	ssyncset.done $0x0;
	s19 =	rddreg [dreg:$0xb]  }
0x1c0: {  	s25 =	rddreg [dreg:$0x14];
	s10 =	sadd.s32 s24, s6;
	s24 =	sand.u32 $0x3C00, s4  }
0x1c1: {  	[sflag:s31] =	ssyncadd.s32 $0xFFFFC000;
	s10 =	sadd.s32 s10, s19;
	s19 =	sor.u32 s23, s24  }
0x1c2: {  	[spmem:s25], [sflag:s22] =	dma.local [hbm:s10], $0x800  }
0x1c3: {  	s25 =	rddreg [dreg:$0x10];
	v12 =	vld [tilespmem:s19+$0x4080]  }
0x1c4: {  	v13 =	vimm.s32 $0x7FFFFFFF;
	s10 =	simm.s32 $0x10;
	s22 =	simm.s32 $0x0;
	s7 =	sadd.s32 s7, s25  }
.LBB2_15:
0x1c5: {  	s19 =	sand.u32 $0x70, s10;
	s23 =	sadd.s32 s4, s7  }
0x1c6: {  	s22 =	sadd.s32 $0x80, s22;
	s4 =	smov.u32 s10;
	p0 =	sne.s32 s10, $0x7F0  }
.Ltmp7:
0x1c7: {  	s10 =	sadd.s32 $0x10, s10;
	s24 =	sand.u32 $0x3C00, s22;
	(pc) =	sbr.rel @p0 .LBB2_15-.Ltmp7, $4  }
0x1c8: {  	v6 =	vor.u32 s23, v0;
	s19 =	sor.u32 s19, s24;
	vm0 =	veq.f32 v12, v25  }
0x1c9: {  	v12 =	vld [tilespmem:s19+$0x4080];
	v6 =	vnsel vm0, $0x7FFFFFFF, v6  }
0x1ca: {  	vm0 =	vlt.s32 v13, v6  }
0x1cb: {  	v13 =	vsel vm0, v13, v6  }
0x1cc: {  	(xrf0) =	vmax.scan.msk.f32 $0xffff, v9;
	_ =	sdelay $0x5  }
0x1cd: {  	s4 =	sadd.s32 s4, s7;
	v6, _, _ =	vpop (xrf0)  }
0x1ce: {  	v8 =	vor.u32 s4, v0;
	vm0 =	veq.f32 v12, v25;
	v12 =	vbroadcast v6, $0xF  }
0x1cf: {  	v6 =	vnsel vm0, $0x7FFFFFFF, v8  }
0x1d0: {  	v8 =	vxor.u32 $0x80000000, v30;
	vm0 =	vlt.s32 v13, v6;
	vm1 =	veq.f32 v9, v12  }
0x1d1: {  	v6 =	vsel vm0, v13, v6;
	v8 =	vnsel vm1, $0xFFFFFFFF, v8  }
0x1d2: {  	v6 =	vxor.u32 $0x80000000, v6;
	(xrf0) =	vmin.scan.msk.u32 $0xffff, v8  }
0x1d3: {  	(xrf0) =	vmin.scan.msk.u32 $0xffff, v6;
	_ =	sdelay $0x4  }
0x1d4: {  	v6, _, _ =	vpop (xrf0)  }
0x1d5: {  	(v2sf) =	vpush v6, $0xF;
	v6, _, _ =	vpop (xrf0)  }
0x1d6: {  	(v2sf) =	vpush v6, $0xF;
	_ =	sdelay $0x4  }
0x1d7: {  	(xrf2) =	vadd.scan.msk.f32 $0xffff, v11;
	_ =	sdelay $0x8  }
0x1d8: {  	s10 =	spop (v2sf)  }
0x1d9: {  	v6, _, _ =	vpop (xrf2);
	s19 =	spop (v2sf)  }
0x1da: {  	_ =	swait.ge [sflag:s2], $0x800  }
0x1db: {  	[sflag:s2] =	ssyncset.done $0x0  }
0x1dc: {  	[sflag:s2] =	ssyncadd.s32 $0xFFFFF800  }
0x1dd: {  	v6 =	vbroadcast v6, $0xF;
	[tilespmem:s28], [sflag:$0x6] =	stream.linear.gather [spmem:s13], $0x4000, $0x38;
	[tilespmem:$0x18C00] =	vst v63  }
0x1de: {  	s7 =	sxor.u32 $0x80000000, s19;
	[tilespmem:$0x8080] =	vst v25  }
0x1df: {  	[tilespmem:$0x8480] =	vst v6;
	v6 =	vmov s7  }
0x1e0: {  	[tilespmem:$0x8880] =	vst v6  }
0x1e1: {  	_ =	swait.ge [sflag:s29], $0x4000  }
0x1e2: {  	s7 =	sshll.u32 s10, $0xB;
	s22 =	rddreg [dreg:$0x5]  }
0x1e3: {  	[sflag:s29] =	ssyncset.done $0x0;
	s10 =	rddreg [dreg:$0xb];
	s4 =	sadd.s32 s22, s7  }
0x1e4: {  	s23 =	rddreg [dreg:$0x13];
	[sflag:s29] =	ssyncadd.s32 $0xFFFFC000;
	s4 =	sadd.s32 s4, s10  }
0x1e5: {  	[spmem:s23], [sflag:s20] =	dma.local [hbm:s4], $0x800  }
0x1e6: {  	s4 =	simm.s32 $0x0  }
0x1e7: {  	s24 =	sand.u32 $0x70, s4;
	s19 =	sand.u32 $0x3C00, s4  }
0x1e8: {  	s19 =	sor.u32 s24, s19  }
0x1e9: {  	s25 =	rddreg [dreg:$0x10];
	v8 =	vld [tilespmem:s19+$0x100]  }
0x1ea: {  	v9 =	vimm.s32 $0x7FFFFFFF;
	s20 =	simm.s32 $0x0;
	s10 =	sadd.s32 s14, s25;
	s14 =	simm.s32 $0x10  }
.LBB2_17:
0x1eb: {  	s19 =	sand.u32 $0x70, s14;
	s22 =	sadd.s32 s4, s10  }
0x1ec: {  	s20 =	sadd.s32 $0x80, s20;
	s4 =	smov.u32 s14;
	p0 =	sne.s32 s14, $0x7F0  }
.Ltmp8:
0x1ed: {  	s14 =	sadd.s32 $0x10, s14;
	s23 =	sand.u32 $0x3C00, s20;
	(pc) =	sbr.rel @p0 .LBB2_17-.Ltmp8, $4  }
0x1ee: {  	v6 =	vor.u32 s22, v0;
	s19 =	sor.u32 s19, s23;
	vm0 =	veq.f32 v8, v24  }
0x1ef: {  	v8 =	vld [tilespmem:s19+$0x100];
	v6 =	vnsel vm0, $0x7FFFFFFF, v6  }
0x1f0: {  	vm0 =	vlt.s32 v9, v6  }
0x1f1: {  	v9 =	vsel vm0, v9, v6  }
0x1f2: {  	(xrf0) =	vmax.scan.msk.f32 $0xffff, v4;
	_ =	sdelay $0x5  }
0x1f3: {  	s4 =	sadd.s32 s4, s10;
	v6, _, _ =	vpop (xrf0)  }
0x1f4: {  	v11 =	vor.u32 s4, v0;
	vm0 =	veq.f32 v8, v24;
	v8 =	vbroadcast v6, $0xF  }
0x1f5: {  	v6 =	vnsel vm0, $0x7FFFFFFF, v11  }
0x1f6: {  	vm0 =	vlt.s32 v9, v6;
	vm1 =	veq.f32 v4, v8;
	v4 =	vxor.u32 $0x80000000, v29  }
0x1f7: {  	v6 =	vsel vm0, v9, v6;
	v4 =	vnsel vm1, $0xFFFFFFFF, v4  }
0x1f8: {  	(xrf0) =	vmin.scan.msk.u32 $0xffff, v4;
	v4 =	vxor.u32 $0x80000000, v6  }
0x1f9: {  	(xrf0) =	vmin.scan.msk.u32 $0xffff, v4;
	_ =	sdelay $0x4  }
0x1fa: {  	v4, _, _ =	vpop (xrf0)  }
0x1fb: {  	(v2sf) =	vpush v4, $0xF;
	v4, _, _ =	vpop (xrf0)  }
0x1fc: {  	(v2sf) =	vpush v4, $0xF;
	_ =	sdelay $0x4  }
0x1fd: {  	(xrf2) =	vadd.scan.msk.f32 $0xffff, v10;
	_ =	sdelay $0x8  }
0x1fe: {  	s24 =	spop (v2sf)  }
0x1ff: {  	s25 =	simm.s32 $0x1;
	v4, _, _ =	vpop (xrf2);
	s14 =	spop (v2sf)  }
0x200: {  	_ =	swait.ge [sflag:s25], $0x800  }
0x201: {  	[sflag:s25] =	ssyncset.done $0x0  }
0x202: {  	s4 =	simm.s32 $0x0;
	[sflag:s25] =	ssyncadd.s32 $0xFFFFF800  }
0x203: {  	v4 =	vbroadcast v4, $0xF;
	[tilespmem:s4], [sflag:$0x5] =	stream.linear.gather [spmem:s5], $0x4000, $0x38;
	[tilespmem:$0x18C00] =	vst v63  }
0x204: {  	s14 =	sxor.u32 $0x80000000, s14;
	[tilespmem:$0x8100] =	vst v24  }
0x205: {  	[tilespmem:$0x8500] =	vst v4;
	v4 =	vmov s14  }
0x206: {  	[tilespmem:$0x8900] =	vst v4  }
0x207: {  	s22 =	sand.u32 $0x70, s4;
	s23 =	sand.u32 $0x3C00, s4;
	_ =	swait.ge [sflag:s31], $0x4000  }
0x208: {  	s14 =	sshll.u32 s24, $0xB;
	s24 =	sor.u32 s22, s23;
	s19 =	rddreg [dreg:$0x5]  }
0x209: {  	[sflag:s31] =	ssyncset.done $0x0;
	s10 =	sadd.s32 s19, s14;
	s19 =	rddreg [dreg:$0xb]  }
0x20a: {  	s20 =	rddreg [dreg:$0x12];
	[sflag:s31] =	ssyncadd.s32 $0xFFFFC000;
	s10 =	sadd.s32 s10, s19  }
0x20b: {  	[spmem:s20], [sflag:s12] =	dma.local [hbm:s10], $0x800  }
0x20c: {  	s25 =	rddreg [dreg:$0x10];
	v6 =	vld [tilespmem:s24+$0x4180]  }
0x20d: {  	v4 =	vimm.s32 $0x7FFFFFFF;
	s12 =	simm.s32 $0x10;
	s20 =	simm.s32 $0x0;
	s10 =	sadd.s32 s21, s25  }
.LBB2_19:
0x20e: {  	s19 =	sand.u32 $0x70, s12;
	s21 =	sadd.s32 s4, s10  }
0x20f: {  	s20 =	sadd.s32 $0x80, s20;
	s4 =	smov.u32 s12;
	p0 =	sne.s32 s12, $0x7F0  }
.Ltmp9:
0x210: {  	s12 =	sadd.s32 $0x10, s12;
	s22 =	sand.u32 $0x3C00, s20;
	(pc) =	sbr.rel @p0 .LBB2_19-.Ltmp9, $4  }
0x211: {  	v9 =	vor.u32 s21, v0;
	s19 =	sor.u32 s19, s22;
	vm0 =	veq.f32 v6, v23  }
0x212: {  	v6 =	vld [tilespmem:s19+$0x4180];
	v9 =	vnsel vm0, $0x7FFFFFFF, v9  }
0x213: {  	vm0 =	vlt.s32 v4, v9  }
0x214: {  	v4 =	vsel vm0, v4, v9  }
0x215: {  	_ = 	snop  }
0x216: {  	s4 =	sadd.s32 s4, s10  }
0x217: {  	v9 =	vor.u32 s4, v0;
	vm0 =	veq.f32 v6, v23  }
0x218: {  	v6 =	vnsel vm0, $0x7FFFFFFF, v9  }
0x219: {  	vm0 =	vlt.s32 v4, v6  }
0x21a: {  	v4 =	vsel vm0, v4, v6  }
0x21b: {  	v4 =	vxor.u32 $0x80000000, v4  }
0x21c: {  	(xrf0) =	vmin.scan.msk.u32 $0xffff, v4;
	_ =	sdelay $0x5  }
0x21d: {  	v4, _, _ =	vpop (xrf0)  }
0x21e: {  	(v2sf) =	vpush v4, $0xF;
	_ =	sdelay $0x4  }
0x21f: {  	(xrf2) =	vadd.scan.msk.f32 $0xffff, v7;
	_ =	sdelay $0x9  }
0x220: {  	v4, _, _ =	vpop (xrf2);
	s23 =	spop (v2sf)  }
0x221: {  	_ =	swait.ge [sflag:s26], $0x800  }
0x222: {  	[sflag:s26] =	ssyncset.done $0x0  }
0x223: {  	[sflag:s26] =	ssyncadd.s32 $0xFFFFF800  }
0x224: {  	v4 =	vbroadcast v4, $0xF;
	[tilespmem:s28], [sflag:$0x6] =	stream.linear.gather [spmem:s9], $0x4000, $0x38;
	[tilespmem:$0x18C00] =	vst v63  }
0x225: {  	s4 =	sxor.u32 $0x80000000, s23;
	[tilespmem:$0x8180] =	vst v23  }
0x226: {  	[tilespmem:$0x8580] =	vst v4;
	v4 =	vmov s4  }
0x227: {  	[tilespmem:$0x8980] =	vst v4  }
0x228: {  	s4 =	simm.s32 $0x0;
	_ =	swait.ge [sflag:s29], $0x4000  }
0x229: {  	s24 =	sand.u32 $0x70, s4;
	s12 =	sand.u32 $0x3C00, s4;
	[sflag:s29] =	ssyncset.done $0x0  }
0x22a: {  	s12 =	sor.u32 s24, s12;
	[sflag:s29] =	ssyncadd.s32 $0xFFFFC000  }
0x22b: {  	s25 =	rddreg [dreg:$0x10];
	v6 =	vld [tilespmem:s12+$0x200]  }
0x22c: {  	s10 =	simm.s32 $0x10;
	v4 =	vimm.s32 $0x7FFFFFFF;
	s0 =	sadd.s32 s0, s25;
	s12 =	simm.s32 $0x0  }
.LBB2_21:
0x22d: {  	s19 =	sand.u32 $0x70, s10;
	s20 =	sadd.s32 s4, s0  }
0x22e: {  	s12 =	sadd.s32 $0x80, s12;
	s4 =	smov.u32 s10;
	p0 =	sne.s32 s10, $0x7F0  }
.Ltmp10:
0x22f: {  	s10 =	sadd.s32 $0x10, s10;
	s21 =	sand.u32 $0x3C00, s12;
	(pc) =	sbr.rel @p0 .LBB2_21-.Ltmp10, $4  }
0x230: {  	v7 =	vor.u32 s20, v0;
	s19 =	sor.u32 s19, s21;
	vm0 =	veq.f32 v6, v14  }
0x231: {  	v6 =	vld [tilespmem:s19+$0x200];
	v7 =	vnsel vm0, $0x7FFFFFFF, v7  }
0x232: {  	vm0 =	vlt.s32 v4, v7  }
0x233: {  	v4 =	vsel vm0, v4, v7  }
0x234: {  	_ = 	snop  }
0x235: {  	s0 =	sadd.s32 s4, s0  }
0x236: {  	v7 =	vor.u32 s0, v0;
	vm0 =	veq.f32 v6, v14  }
0x237: {  	v6 =	vnsel vm0, $0x7FFFFFFF, v7  }
0x238: {  	vm0 =	vlt.s32 v4, v6  }
0x239: {  	v4 =	vsel vm0, v4, v6  }
0x23a: {  	v4 =	vxor.u32 $0x80000000, v4  }
0x23b: {  	(xrf0) =	vmin.scan.msk.u32 $0xffff, v4;
	_ =	sdelay $0x5  }
0x23c: {  	v4, _, _ =	vpop (xrf0)  }
0x23d: {  	(v2sf) =	vpush v4, $0xF;
	_ =	sdelay $0x4  }
0x23e: {  	(xrf2) =	vadd.scan.msk.f32 $0xffff, v5;
	_ =	sdelay $0x9  }
0x23f: {  	v4, _, _ =	vpop (xrf2);
	s23 =	spop (v2sf)  }
0x240: {  	_ =	swait.ge [sflag:s30], $0x800  }
0x241: {  	[sflag:s30] =	ssyncset.done $0x0  }
0x242: {  	s0 =	simm.s32 $0x0;
	[sflag:s30] =	ssyncadd.s32 $0xFFFFF800  }
0x243: {  	v4 =	vbroadcast v4, $0xF;
	[tilespmem:s0], [sflag:$0x5] =	stream.linear.gather [spmem:s11], $0x4000, $0x38;
	[tilespmem:$0x18C00] =	vst v63  }
0x244: {  	s4 =	sxor.u32 $0x80000000, s23;
	[tilespmem:$0x8200] =	vst v14  }
0x245: {  	[tilespmem:$0x8600] =	vst v4;
	v4 =	vmov s4  }
0x246: {  	[tilespmem:$0x8A00] =	vst v4  }
0x247: {  	_ =	swait.ge [sflag:s31], $0x4000  }
0x248: {  	s24 =	sand.u32 $0x70, s0;
	s10 =	sand.u32 $0x3C00, s0;
	[sflag:s31] =	ssyncset.done $0x0  }
0x249: {  	s10 =	sor.u32 s24, s10;
	[sflag:s31] =	ssyncadd.s32 $0xFFFFC000  }
0x24a: {  	s25 =	rddreg [dreg:$0x10];
	v5 =	vld [tilespmem:s10+$0x4280]  }
0x24b: {  	v4 =	vimm.s32 $0x7FFFFFFF;
	s4 =	sadd.s32 s6, s25;
	s6 =	simm.s32 $0x10;
	s10 =	simm.s32 $0x0  }
.LBB2_23:
0x24c: {  	s12 =	sand.u32 $0x70, s6;
	s19 =	sadd.s32 s0, s4  }
0x24d: {  	s10 =	sadd.s32 $0x80, s10;
	s0 =	smov.u32 s6;
	p0 =	sne.s32 s6, $0x7F0  }
.Ltmp11:
0x24e: {  	s6 =	sadd.s32 $0x10, s6;
	s20 =	sand.u32 $0x3C00, s10;
	(pc) =	sbr.rel @p0 .LBB2_23-.Ltmp11, $4  }
0x24f: {  	v6 =	vor.u32 s19, v0;
	s12 =	sor.u32 s12, s20;
	vm0 =	veq.f32 v5, v15  }
0x250: {  	v5 =	vld [tilespmem:s12+$0x4280];
	v6 =	vnsel vm0, $0x7FFFFFFF, v6  }
0x251: {  	vm0 =	vlt.s32 v4, v6  }
0x252: {  	v4 =	vsel vm0, v4, v6  }
0x253: {  	_ = 	snop  }
0x254: {  	s0 =	sadd.s32 s0, s4  }
0x255: {  	v6 =	vor.u32 s0, v0;
	vm0 =	veq.f32 v5, v15  }
0x256: {  	v5 =	vnsel vm0, $0x7FFFFFFF, v6  }
0x257: {  	vm0 =	vlt.s32 v4, v5  }
0x258: {  	v4 =	vsel vm0, v4, v5  }
0x259: {  	v4 =	vxor.u32 $0x80000000, v4  }
0x25a: {  	(xrf0) =	vmin.scan.msk.u32 $0xffff, v4;
	_ =	sdelay $0x5  }
0x25b: {  	v4, _, _ =	vpop (xrf0)  }
0x25c: {  	(v2sf) =	vpush v4, $0xF;
	_ =	sdelay $0x4  }
0x25d: {  	(xrf2) =	vadd.scan.msk.f32 $0xffff, v3;
	_ =	sdelay $0x9  }
0x25e: {  	v3, _, _ =	vpop (xrf2);
	s23 =	spop (v2sf)  }
0x25f: {  	_ =	swait.ge [sflag:s2], $0x800  }
0x260: {  	[sflag:s2] =	ssyncset.done $0x0  }
0x261: {  	[sflag:s2] =	ssyncadd.s32 $0xFFFFF800  }
0x262: {  	v3 =	vbroadcast v3, $0xF;
	[tilespmem:s28], [sflag:$0x6] =	stream.linear.gather [spmem:s13], $0x4000, $0x38;
	[tilespmem:$0x18C00] =	vst v63  }
0x263: {  	s0 =	sxor.u32 $0x80000000, s23;
	[tilespmem:$0x8280] =	vst v15  }
0x264: {  	[tilespmem:$0x8680] =	vst v3;
	v3 =	vmov s0  }
0x265: {  	[tilespmem:$0x8A80] =	vst v3  }
0x266: {  	s0 =	simm.s32 $0x0;
	_ =	swait.ge [sflag:s29], $0x4000  }
0x267: {  	s24 =	sand.u32 $0x70, s0;
	s6 =	sand.u32 $0x3C00, s0;
	[sflag:s29] =	ssyncset.done $0x0  }
0x268: {  	s10 =	sor.u32 s24, s6;
	[sflag:s29] =	ssyncadd.s32 $0xFFFFC000  }
0x269: {  	s25 =	rddreg [dreg:$0x10];
	v4 =	vld [tilespmem:s10+$0x300]  }
0x26a: {  	v3 =	vimm.s32 $0x7FFFFFFF;
	s6 =	simm.s32 $0x10;
	s4 =	sadd.s32 s7, s25;
	s7 =	simm.s32 $0x0  }
.LBB2_25:
0x26b: {  	s10 =	sand.u32 $0x70, s6;
	s12 =	sadd.s32 s0, s4  }
0x26c: {  	s7 =	sadd.s32 $0x80, s7;
	s0 =	smov.u32 s6;
	p0 =	sne.s32 s6, $0x7F0  }
.Ltmp12:
0x26d: {  	s6 =	sadd.s32 $0x10, s6;
	s19 =	sand.u32 $0x3C00, s7;
	(pc) =	sbr.rel @p0 .LBB2_25-.Ltmp12, $4  }
0x26e: {  	v5 =	vor.u32 s12, v0;
	s10 =	sor.u32 s10, s19;
	vm0 =	veq.f32 v4, v12  }
0x26f: {  	v4 =	vld [tilespmem:s10+$0x300];
	v5 =	vnsel vm0, $0x7FFFFFFF, v5  }
0x270: {  	vm0 =	vlt.s32 v3, v5  }
0x271: {  	v3 =	vsel vm0, v3, v5  }
0x272: {  	_ = 	snop  }
0x273: {  	s0 =	sadd.s32 s0, s4  }
0x274: {  	v5 =	vor.u32 s0, v0;
	vm0 =	veq.f32 v4, v12  }
0x275: {  	v4 =	vnsel vm0, $0x7FFFFFFF, v5  }
0x276: {  	vm0 =	vlt.s32 v3, v4  }
0x277: {  	v3 =	vsel vm0, v3, v4  }
0x278: {  	v3 =	vxor.u32 $0x80000000, v3  }
0x279: {  	(xrf0) =	vmin.scan.msk.u32 $0xffff, v3;
	_ =	sdelay $0x5  }
0x27a: {  	v3, _, _ =	vpop (xrf0)  }
0x27b: {  	(v2sf) =	vpush v3, $0xF;
	_ =	sdelay $0x3  }
0x27c: {  	(xrf2) =	vadd.scan.msk.f32 $0xffff, v1;
	_ =	sdelay $0x9  }
0x27d: {  	v1, _, _ =	vpop (xrf2)  }
0x27e: {  	v1 =	vbroadcast v1, $0xF;
	s22 =	spop (v2sf)  }
0x27f: {  	[tilespmem:$0x8300] =	vst v12;
	s0 =	sxor.u32 $0x80000000, s22  }
0x280: {  	s23 =	simm.s32 $0x0;
	[tilespmem:$0x8700] =	vst v1;
	v1 =	vmov s0  }
0x281: {  	s0 =	sand.u32 $0x7, s23;
	[tilespmem:$0x8B00] =	vst v1  }
0x282: {  	s0 =	sshll.u32 s0, $0x4;
	_ =	swait.ge [sflag:s31], $0x4000  }
0x283: {  	s0 =	sadd.s32 $0x0, s0;
	[sflag:s31] =	ssyncset.done $0x0  }
0x284: {  	s0 =	sor.u32 $0x380, s0;
	[sflag:s31] =	ssyncadd.s32 $0xFFFFC000  }
0x285: {  	v1 =	vld [tilespmem:s0+$0x4000];
	_ =	sdelay $0x1  }
0x286: {  	s24 =	simm.s32 $0x1;
	s25 =	rddreg [dreg:$0x10]  }
0x287: {  	s4 =	sand.u32 $0x7, s24;
	s0 =	sadd.s32 s14, s25  }
0x288: {  	s4 =	sshll.u32 s4, $0x4;
	s6 =	sadd.s32 $0x0, s0  }
0x289: {  	s7 =	sadd.s32 $0x80, s4;
	v3 =	vor.u32 s6, v0;
	vm0 =	veq.f32 v1, v8  }
0x28a: {  	s4 =	simm.s32 $0x10;
	s10 =	sor.u32 $0x380, s7;
	v1 =	vimm.s32 $0x7FFFFFFF;
	v4 =	vnsel vm0, $0x7FFFFFFF, v3  }
0x28b: {  	s7 =	simm.s32 $0x80;
	s6 =	simm.s32 $0x20;
	v3 =	vld [tilespmem:s10+$0x4000];
	s10 =	simm.s32 $0x2;
	vm0 =	vlt.s32 v1, v4  }
.LBB2_27:
0x28c: {  	s12 =	sand.u32 $0x7, s10  }
0x28d: {  	p0 =	sne.s32 s6, $0x7F0;
	v1 =	vsel vm0, v1, v4;
	s14 =	smov.u32 s6;
	s6 =	sadd.s32 $0x10, s6  }
.Ltmp13:
0x28e: {  	s7 =	sadd.s32 $0x80, s7;
	s12 =	sshll.u32 s12, $0x4;
	(pc) =	sbr.rel @p0 .LBB2_27-.Ltmp13, $4  }
0x28f: {  	s19 =	sadd.s32 s4, s0;
	s4 =	smov.u32 s14;
	s12 =	sadd.s32 s12, s7  }
0x290: {  	v4 =	vor.u32 s19, v0;
	s12 =	sor.u32 $0x380, s12;
	vm0 =	veq.f32 v3, v8  }
0x291: {  	v3 =	vld [tilespmem:s12+$0x4000];
	v4 =	vnsel vm0, $0x7FFFFFFF, v4  }
0x292: {  	s10 =	sadd.s32 $0x1, s10;
	vm0 =	vlt.s32 v1, v4  }
0x293: {  	_ =	sdelay $0x1  }
0x294: {  	s0 =	sadd.s32 s4, s0  }
0x295: {  	vm1 =	veq.f32 v3, v8;
	v3 =	vor.u32 s0, v0  }
0x296: {  	v1 =	vsel vm0, v1, v4;
	v3 =	vnsel vm1, $0x7FFFFFFF, v3  }
0x297: {  	vm0 =	vlt.s32 v1, v3  }
0x298: {  	v1 =	vsel vm0, v1, v3  }
0x299: {  	v1 =	vxor.u32 $0x80000000, v1  }
0x29a: {  	(xrf0) =	vmin.scan.msk.u32 $0xffff, v1;
	_ =	sdelay $0x5  }
0x29b: {  	v1, _, _ =	vpop (xrf0)  }
0x29c: {  	(v2sf) =	vpush v1, $0xF;
	_ =	sdelay $0x3  }
0x29d: {  	(xrf2) =	vadd.scan.msk.f32 $0xffff, v2;
	_ =	sdelay $0x9  }
0x29e: {  	v1, _, _ =	vpop (xrf2)  }
0x29f: {  	v1 =	vbroadcast v1, $0xF;
	s12 =	spop (v2sf)  }
0x2a0: {  	[tilespmem:$0x8380] =	vst v8;
	s0 =	sxor.u32 $0x80000000, s12  }
0x2a1: {  	[tilespmem:$0x8780] =	vst v1;
	v1 =	vmov s0  }
0x2a2: {  	s14 =	rddreg [dreg:$0xc];
	s19 =	simm.s32 $0x8000;
	s20 =	simm.s32 $0x7;
	[tilespmem:$0x8B80] =	vst v1  }
0x2a3: {  	[hbm4b:s14+s3] =	stream.linear.scatter [tilespmem:s19], [sflag:$0x7], $0x400, $0x38;
	[tilespmem:$0x18C00] =	vst v63  }
0x2a4: {  	_ =	swait.ge [sflag:s20], $0x400  }
0x2a5: {  	[sflag:s20] =	ssyncset.done $0x0  }
0x2a6: {  	s6 =	simm.s32 $0x8400;
	s21 =	rddreg [dreg:$0xd];
	[sflag:s20] =	ssyncadd.s32 $0xFFFFFC00  }
0x2a7: {  	[hbm4b:s21+s3] =	stream.linear.scatter [tilespmem:s6], [sflag:$0x7], $0x400, $0x38;
	[tilespmem:$0x18C00] =	vst v63  }
0x2a8: {  	_ =	swait.ge [sflag:s20], $0x400  }
0x2a9: {  	[sflag:s20] =	ssyncset.done $0x0  }
0x2aa: {  	s23 =	simm.s32 $0x8800;
	s22 =	rddreg [dreg:$0xe];
	[sflag:s20] =	ssyncadd.s32 $0xFFFFFC00  }
0x2ab: {  	[hbm4b:s22+s3] =	stream.linear.scatter [tilespmem:s23], [sflag:$0x7], $0x400, $0x38;
	[tilespmem:$0x18C00] =	vst v63  }
0x2ac: {  	_ =	swait.ge [sflag:s20], $0x400  }
0x2ad: {  	s24 =	rddreg [dreg:$0x11]  }
0x2ae: {  	s25 =	rddreg [dreg:$0xf];
	s6 =	sadd.s32 $0x1, s24  }
0x2af: {  	p0 =	sne.s32 s6, s25  }
.Ltmp14:
0x2b0: {  	_ = 	snop;
	(pc) =	sbr.rel @p0 .LBB2_1-.Ltmp14, $3  }
0x2b1: {  	_ =	sdelay $0x1  }
0x2b2: {  	[sflag:s20] =	ssyncset.done $0x0  }
0x2b3: {  	[sflag:s20] =	ssyncadd.s32 $0xFFFFFC00  }
0x2b4: {  	_ =	sfence.sel $0x180000  }
0x2b5: {  	[bflag:$0x0] =	sbarrier.arrive $0xFFFF  }
0x2b6: {  	_ =	strace $0x90000047  }
0x2b7: {  	s0 =	stileid.u32;
	[bflag:$0x2] =	sbarrier.arrive $0xFFFF  }
0x2b8: {  	p0 =	sne.s32 s0, $0x0;
	s0 =	rddreg [dreg:$0x4]  }
0x2b9: {  	s0 =	sadd.s32 @!p0 $0x100000, s0  }
0x2ba: {  	[sflag:s0] =	ssyncadd.tile.s32 @!p0 $0x1;
	_ =	shalt  }
.Lfunc_end2:
_tile_overlayer_lowered:
.L_overlay_start_2:
0x2bb: {  	(tag) =	ssettag $0x2  }
0x2bc: {  	s0 =	rddreg [dreg:$0x0];
	s2 =	stileid.u32  }
0x2bd: {  	s1 =	rddreg [dreg:$0x1];
	p0 =	sne.s32 s2, $0x0  }
0x2be: {  	s3 =	rddreg [dreg:$0x2];
	[bflag:$0x3] =	sbarrier.arrive $0xFFFF;
	s2 =	simm.s32 @!p0 $0x1C07  }
0x2bf: {  	[timem:s3], [sflag:s2] =	dma.local @!p0 [hbm:s0], s1  }
0x2c0: {  	s0 =	simm.s32 @!p0 $0x7  }
0x2c1: {  	_ =	swait.ge @!p0 [sflag:s0], s1  }
0x2c2: {  	s1 =	ssub.s32 @!p0 $0x0, s1;
	[sflag:s0] =	ssyncset.done @!p0 $0x0  }
0x2c3: {  	[sflag:s0] =	ssyncadd.s32 @!p0 s1  }
0x2c4: {  	[bflag:$0x3] =	sbarrier.arrive $0xFFFF  }
0x2c5: {  	_ =	shalt  }

</sc_bundles>
